<compile_context>
chip_gen: v7x
topology: tpu7x:2x2x1
jax: 0.10.2.dev20260603
libtpu: 0.0.44.dev20260713+nightly
codegen_flags: <defaults>
</compile_context>

<pallas_src>
import functools

import jax
import jax.numpy as jnp
from jax import lax
from jax.experimental import pallas as pl
from jax.experimental.pallas import tpu as pltpu
from jax.experimental.pallas import tpu_sc as plsc

N_NODES = 10000
N_EDGES = 320000
D = 128

NC = 2
NS = 16
NP = 10240
CHUNK = 128
C0 = 32
C1 = 125
CTOT = C0 + C1
E_PAD = NS * CTOT * CHUNK
ROWS_PER_S = NP // NS
ZROWS = 128


def _seg_body(support_hbm, sdidx_hbm, part_hbm,
              acc, idx_v, rows_v, isem, gsem):
    c = lax.axis_index("c")
    s = lax.axis_index("s")

    def zrow(r, carry):
        for j in range(D // 16):
            rows_v[0, r, pl.ds(j * 16, 16)] = jnp.zeros((16,), jnp.float32)
        return carry
    lax.fori_loop(0, CHUNK, zrow, 0)
    for t in range(ROWS_PER_S // CHUNK):
        pltpu.async_copy(rows_v.at[0],
                         acc.at[pl.ds(s * ROWS_PER_S + t * CHUNK, CHUNK)],
                         isem)
    for t in range(ROWS_PER_S // CHUNK):
        pltpu.make_async_copy(rows_v.at[0],
                              acc.at[pl.ds(s * ROWS_PER_S + t * CHUNK, CHUNK)],
                              isem).wait()
    plsc.subcore_barrier()

    col0 = c * C0
    nch = jnp.where(c == 0, C0, C1)

    def idx_load(i, r):
        pltpu.async_copy(sdidx_hbm.at[s, col0 + i], idx_v.at[r], isem)

    def idx_wait(i, r):
        pltpu.make_async_copy(sdidx_hbm.at[s, col0 + i], idx_v.at[r],
                              isem).wait()

    def gather(r, b):
        pltpu.async_copy(support_hbm.at[idx_v.at[r, 0]], rows_v.at[b], gsem)

    def gather_wait(r, b):
        pltpu.make_async_copy(support_hbm.at[idx_v.at[r, 0]],
                              rows_v.at[b], gsem).wait()

    idx_load(0, 0)
    idx_load(1, 1)
    idx_wait(0, 0)
    gather(0, 0)

    def chunk(i, carry):
        b = lax.rem(i, 2)
        r = lax.rem(i, 4)

        @pl.when(i + 2 < nch)
        def _():
            idx_load(i + 2, lax.rem(i + 2, 4))

        @pl.when(i + 1 < nch)
        def _():
            idx_wait(i + 1, lax.rem(i + 1, 4))
            gather(lax.rem(i + 1, 4), 1 - b)

        gather_wait(r, b)
        pltpu.sync_copy(rows_v.at[b], acc.at[idx_v.at[r, 1]], add=True)
        return carry
    lax.fori_loop(0, nch, chunk, 0)

    plsc.subcore_barrier()
    for t in range(ROWS_PER_S // ZROWS):
        r0 = s * ROWS_PER_S + t * ZROWS
        pltpu.async_copy(acc.at[pl.ds(r0, ZROWS)],
                         part_hbm.at[c, pl.ds(r0, ZROWS)], isem)
    for t in range(ROWS_PER_S // ZROWS):
        r0 = s * ROWS_PER_S + t * ZROWS
        pltpu.make_async_copy(acc.at[pl.ds(r0, ZROWS)],
                              part_hbm.at[c, pl.ds(r0, ZROWS)], isem).wait()


_segment_sum_sc = functools.partial(
    pl.kernel,
    out_type=jax.ShapeDtypeStruct((NC, NP, D), jnp.float32),
    mesh=plsc.VectorSubcoreMesh(core_axis_name="c", subcore_axis_name="s",
                                num_cores=NC, num_subcores=NS),
    scratch_types=[
        pltpu.VMEM_SHARED((NP, D), jnp.float32),
        pltpu.VMEM((4, 2, CHUNK), jnp.int32),
        pltpu.VMEM((2, CHUNK, D), jnp.float32),
        pltpu.SemaphoreType.DMA,
        pltpu.SemaphoreType.DMA,
    ],
)(_seg_body)


def _mm_body(x_ref, w_ref, o_ref):
    o_ref[...] = jnp.dot(x_ref[...], w_ref[...],
                         preferred_element_type=jnp.float32)


def _fused_mm_body(p_ref, b_ref, w_ref, o_ref):
    xb = jnp.maximum(p_ref[0] + p_ref[1] + b_ref[...], 0.0)
    o_ref[...] = jnp.dot(xb, w_ref[...], preferred_element_type=jnp.float32)


def _relu_out_body(p_ref, b_ref, o_ref):
    o_ref[...] = jnp.maximum(p_ref[0] + p_ref[1] + b_ref[...], 0.0)


_RB = 1024


def _mm(x, w):
    return pl.pallas_call(
        _mm_body,
        grid=(NP // _RB,),
        in_specs=[pl.BlockSpec((_RB, D), lambda i: (i, 0)),
                  pl.BlockSpec((D, D), lambda i: (0, 0))],
        out_specs=pl.BlockSpec((_RB, D), lambda i: (i, 0)),
        out_shape=jax.ShapeDtypeStruct((NP, D), jnp.float32),
    )(x, w)


def _fused_mm(part, b2d, w):
    return pl.pallas_call(
        _fused_mm_body,
        grid=(NP // _RB,),
        in_specs=[pl.BlockSpec((NC, _RB, D), lambda i: (0, i, 0)),
                  pl.BlockSpec((1, D), lambda i: (0, 0)),
                  pl.BlockSpec((D, D), lambda i: (0, 0))],
        out_specs=pl.BlockSpec((_RB, D), lambda i: (i, 0)),
        out_shape=jax.ShapeDtypeStruct((NP, D), jnp.float32),
    )(part, b2d, w)


def _relu_out(part, b2d):
    return pl.pallas_call(
        _relu_out_body,
        grid=(NP // _RB,),
        in_specs=[pl.BlockSpec((NC, _RB, D), lambda i: (0, i, 0)),
                  pl.BlockSpec((1, D), lambda i: (0, 0))],
        out_specs=pl.BlockSpec((_RB, D), lambda i: (i, 0)),
        out_shape=jax.ShapeDtypeStruct((NP, D), jnp.float32),
    )(part, b2d)


def kernel(mesh, shape_features, W0, b0, W1, b1, W2, b2):
    npad = E_PAD - N_EDGES
    src = jnp.concatenate(
        [mesh[0].astype(jnp.int32), jnp.zeros((npad,), jnp.int32)])
    dst = jnp.concatenate(
        [mesh[1].astype(jnp.int32),
         N_NODES + (jnp.arange(npad, dtype=jnp.int32) % (NP - N_NODES))])
    sdidx = jnp.stack([src.reshape(NS, CTOT, CHUNK),
                       dst.reshape(NS, CTOT, CHUNK)], axis=2)

    x = jnp.pad(shape_features, ((0, NP - N_NODES), (0, 0)))
    support = _mm(x, W0)
    part = _segment_sum_sc(support, sdidx)
    support = _fused_mm(part, b0.reshape(1, D), W1)
    part = _segment_sum_sc(support, sdidx)
    support = _fused_mm(part, b1.reshape(1, D), W2)
    part = _segment_sum_sc(support, sdidx)
    return _relu_out(part, b2.reshape(1, D))[:N_NODES]

# --- scband reference (transcript-rebuilt; emitter-appended) ---
"""Pipeline reference for scband-gres-net-46566035423427 (READ-ONLY COPY).

The authoritative reference and input builder live on the scoring server;
editing this copy changes nothing except your own understanding.
"""

import jax, jax.numpy as jnp
import numpy as np

N_NODES = 10000
N_EDGES = 320000
D_IN = 128
D_OUT = 128
N_LAYERS = 3


def setup_inputs(seed: int = 0) -> dict:
    key = jax.random.key(seed)
    k_x, k_e, k_w0, k_w1, k_w2, k_b0, k_b1, k_b2 = jax.random.split(key, 8)
    shape_features = jax.random.normal(k_x, (N_NODES, D_IN), dtype=jnp.float32)
    mesh = jax.random.randint(k_e, (2, N_EDGES), 0, N_NODES, dtype=jnp.int64)
    scale0 = 1.0 / np.sqrt(D_IN)
    scale1 = 1.0 / np.sqrt(D_OUT)
    W0 = jax.random.uniform(k_w0, (D_IN, D_OUT), dtype=jnp.float32, minval=-scale0, maxval=scale0)
    W1 = jax.random.uniform(k_w1, (D_OUT, D_OUT), dtype=jnp.float32, minval=-scale1, maxval=scale1)
    W2 = jax.random.uniform(k_w2, (D_OUT, D_OUT), dtype=jnp.float32, minval=-scale1, maxval=scale1)
    b0 = jax.random.uniform(k_b0, (D_OUT,), dtype=jnp.float32, minval=-scale0, maxval=scale0)
    b1 = jax.random.uniform(k_b1, (D_OUT,), dtype=jnp.float32, minval=-scale1, maxval=scale1)
    b2 = jax.random.uniform(k_b2, (D_OUT,), dtype=jnp.float32, minval=-scale1, maxval=scale1)
    return {"mesh": mesh, "shape_features": shape_features,
            "W0": W0, "b0": b0, "W1": W1, "b1": b1, "W2": W2, "b2": b2}


def _gcn_layer(x, src, dst, W, b):
    # GraphConvolution: support = X @ W ; out = A_hat @ support + b
    support = x @ W
    msgs = jnp.take(support, src, axis=0)              # gather from source nodes
    agg = jax.ops.segment_sum(msgs, dst, num_segments=N_NODES)  # scatter-add to dst nodes
    return agg + b


def reference(mesh, shape_features, W0, b0, W1, b1, W2, b2):
    src = mesh[0]
    dst = mesh[1]
    x = shape_features
    for W, b in ((W0, b0), (W1, b1), (W2, b2)):
        x = _gcn_layer(x, src, dst, W, b)
        x = jax.nn.relu(x)
    return x

if __name__ == "__main__":
    import jax
    _d = setup_inputs()
    print(jax.jit(kernel)(*tuple(_d.values())))

</pallas_src>

<mosaic_0001>
#map = affine_map<(d0, d1) -> (0, 0)>
#map1 = affine_map<(d0, d1) -> (0, 0, 0, 0)>
#map2 = affine_map<(d0, d1) -> (0, 0, 0)>
module attributes {stable_mosaic.version = 14 : i64} {
  func.func @_seg_body(%arg0: i32, %arg1: i32, %arg2: memref<10240x128xf32, #tpu.memory_space<hbm>>, %arg3: memref<16x157x2x128xi32, #tpu.memory_space<hbm>>, %arg4: memref<2x10240x128xf32, #tpu.memory_space<hbm>>, %arg5: memref<10240x128xf32, #tpu.memory_space<vmem_shared>>, %arg6: memref<4x2x128xi32, #tpu.memory_space<vmem>>, %arg7: memref<2x128x128xf32, #tpu.memory_space<vmem>>, %arg8: memref<!tpu.dma_semaphore, #tpu.memory_space<semaphore_mem>>, %arg9: memref<!tpu.dma_semaphore, #tpu.memory_space<semaphore_mem>>) attributes {dimension_semantics = [#tpu.dimension_semantics<core_parallel>, #tpu.dimension_semantics<subcore_parallel>], iteration_bounds = array<i64: 2, 16>, scalar_prefetch = 0 : i64, scratch_operands = 5 : i64, tpu.core_type = #tpu.core_type<sc_vector_subcore>, window_params = [{transform_indices = #map}, {transform_indices = #map1}, {transform_indices = #map2}]} {
    %scan3A = arith.constant 0 : i32
    %scan3A_0 = arith.constant 0 : i32
    %scan3A_1 = arith.constant 128 : i32
    %scan3A_2 = arith.addi %scan3A_0, %scan3A_1 : i32
    %scan3A_3 = arith.constant 1 : i32
    scf.for %scan3A_345 = %scan3A_0 to %scan3A_2 step %scan3A_3  : i32 {
      %broadcast_in_dim3A = arith.constant 0.000000e+00 : f32
      %broadcast_in_dim3A_346 = vector.broadcast %broadcast_in_dim3A : f32 to vector<16xf32>
      %swap3A = arith.constant 0 : i32
      %swap3A_347 = arith.index_cast %swap3A : i32 to index
      %swap3A_348 = arith.index_cast %scan3A_345 : i32 to index
      %swap3A_349 = arith.constant 0 : index
      %swap3A_350 = tpu.vector_load %arg7[%swap3A_347, %swap3A_348, %swap3A_349] {strides = array<i32>} : memref<2x128x128xf32, #tpu.memory_space<vmem>>, vector<1x1x16xf32>,
      %swap3A_351 = vector.shape_cast %swap3A_350 : vector<1x1x16xf32> to vector<16xf32>
      %swap3A_352 = vector.shape_cast %broadcast_in_dim3A_346 : vector<16xf32> to vector<1x1x16xf32>
      tpu.vector_store %arg7[%swap3A_347, %swap3A_348, %swap3A_349], %swap3A_352 {strides = array<i32>} : memref<2x128x128xf32, #tpu.memory_space<vmem>>, vector<1x1x16xf32>,
      %broadcast_in_dim3A_353 = arith.constant 0.000000e+00 : f32
      %broadcast_in_dim3A_354 = vector.broadcast %broadcast_in_dim3A_353 : f32 to vector<16xf32>
      %swap3A_355 = arith.constant 0 : i32
      %swap3A_356 = arith.index_cast %swap3A_355 : i32 to index
      %swap3A_357 = arith.index_cast %scan3A_345 : i32 to index
      %swap3A_358 = arith.constant 16 : index
      %swap3A_359 = tpu.vector_load %arg7[%swap3A_356, %swap3A_357, %swap3A_358] {strides = array<i32>} : memref<2x128x128xf32, #tpu.memory_space<vmem>>, vector<1x1x16xf32>,
      %swap3A_360 = vector.shape_cast %swap3A_359 : vector<1x1x16xf32> to vector<16xf32>
      %swap3A_361 = vector.shape_cast %broadcast_in_dim3A_354 : vector<16xf32> to vector<1x1x16xf32>
      tpu.vector_store %arg7[%swap3A_356, %swap3A_357, %swap3A_358], %swap3A_361 {strides = array<i32>} : memref<2x128x128xf32, #tpu.memory_space<vmem>>, vector<1x1x16xf32>,
      %broadcast_in_dim3A_362 = arith.constant 0.000000e+00 : f32
      %broadcast_in_dim3A_363 = vector.broadcast %broadcast_in_dim3A_362 : f32 to vector<16xf32>
      %swap3A_364 = arith.constant 0 : i32
      %swap3A_365 = arith.index_cast %swap3A_364 : i32 to index
      %swap3A_366 = arith.index_cast %scan3A_345 : i32 to index
      %swap3A_367 = arith.constant 32 : index
      %swap3A_368 = tpu.vector_load %arg7[%swap3A_365, %swap3A_366, %swap3A_367] {strides = array<i32>} : memref<2x128x128xf32, #tpu.memory_space<vmem>>, vector<1x1x16xf32>,
      %swap3A_369 = vector.shape_cast %swap3A_368 : vector<1x1x16xf32> to vector<16xf32>
      %swap3A_370 = vector.shape_cast %broadcast_in_dim3A_363 : vector<16xf32> to vector<1x1x16xf32>
      tpu.vector_store %arg7[%swap3A_365, %swap3A_366, %swap3A_367], %swap3A_370 {strides = array<i32>} : memref<2x128x128xf32, #tpu.memory_space<vmem>>, vector<1x1x16xf32>,
      %broadcast_in_dim3A_371 = arith.constant 0.000000e+00 : f32
      %broadcast_in_dim3A_372 = vector.broadcast %broadcast_in_dim3A_371 : f32 to vector<16xf32>
      %swap3A_373 = arith.constant 0 : i32
      %swap3A_374 = arith.index_cast %swap3A_373 : i32 to index
      %swap3A_375 = arith.index_cast %scan3A_345 : i32 to index
      %swap3A_376 = arith.constant 48 : index
      %swap3A_377 = tpu.vector_load %arg7[%swap3A_374, %swap3A_375, %swap3A_376] {strides = array<i32>} : memref<2x128x128xf32, #tpu.memory_space<vmem>>, vector<1x1x16xf32>,
      %swap3A_378 = vector.shape_cast %swap3A_377 : vector<1x1x16xf32> to vector<16xf32>
      %swap3A_379 = vector.shape_cast %broadcast_in_dim3A_372 : vector<16xf32> to vector<1x1x16xf32>
      tpu.vector_store %arg7[%swap3A_374, %swap3A_375, %swap3A_376], %swap3A_379 {strides = array<i32>} : memref<2x128x128xf32, #tpu.memory_space<vmem>>, vector<1x1x16xf32>,
      %broadcast_in_dim3A_380 = arith.constant 0.000000e+00 : f32
      %broadcast_in_dim3A_381 = vector.broadcast %broadcast_in_dim3A_380 : f32 to vector<16xf32>
      %swap3A_382 = arith.constant 0 : i32
      %swap3A_383 = arith.index_cast %swap3A_382 : i32 to index
      %swap3A_384 = arith.index_cast %scan3A_345 : i32 to index
      %swap3A_385 = arith.constant 64 : index
      %swap3A_386 = tpu.vector_load %arg7[%swap3A_383, %swap3A_384, %swap3A_385] {strides = array<i32>} : memref<2x128x128xf32, #tpu.memory_space<vmem>>, vector<1x1x16xf32>,
      %swap3A_387 = vector.shape_cast %swap3A_386 : vector<1x1x16xf32> to vector<16xf32>
      %swap3A_388 = vector.shape_cast %broadcast_in_dim3A_381 : vector<16xf32> to vector<1x1x16xf32>
      tpu.vector_store %arg7[%swap3A_383, %swap3A_384, %swap3A_385], %swap3A_388 {strides = array<i32>} : memref<2x128x128xf32, #tpu.memory_space<vmem>>, vector<1x1x16xf32>,
      %broadcast_in_dim3A_389 = arith.constant 0.000000e+00 : f32
      %broadcast_in_dim3A_390 = vector.broadcast %broadcast_in_dim3A_389 : f32 to vector<16xf32>
      %swap3A_391 = arith.constant 0 : i32
      %swap3A_392 = arith.index_cast %swap3A_391 : i32 to index
      %swap3A_393 = arith.index_cast %scan3A_345 : i32 to index
      %swap3A_394 = arith.constant 80 : index
      %swap3A_395 = tpu.vector_load %arg7[%swap3A_392, %swap3A_393, %swap3A_394] {strides = array<i32>} : memref<2x128x128xf32, #tpu.memory_space<vmem>>, vector<1x1x16xf32>,
      %swap3A_396 = vector.shape_cast %swap3A_395 : vector<1x1x16xf32> to vector<16xf32>
      %swap3A_397 = vector.shape_cast %broadcast_in_dim3A_390 : vector<16xf32> to vector<1x1x16xf32>
      tpu.vector_store %arg7[%swap3A_392, %swap3A_393, %swap3A_394], %swap3A_397 {strides = array<i32>} : memref<2x128x128xf32, #tpu.memory_space<vmem>>, vector<1x1x16xf32>,
      %broadcast_in_dim3A_398 = arith.constant 0.000000e+00 : f32
      %broadcast_in_dim3A_399 = vector.broadcast %broadcast_in_dim3A_398 : f32 to vector<16xf32>
      %swap3A_400 = arith.constant 0 : i32
      %swap3A_401 = arith.index_cast %swap3A_400 : i32 to index
      %swap3A_402 = arith.index_cast %scan3A_345 : i32 to index
      %swap3A_403 = arith.constant 96 : index
      %swap3A_404 = tpu.vector_load %arg7[%swap3A_401, %swap3A_402, %swap3A_403] {strides = array<i32>} : memref<2x128x128xf32, #tpu.memory_space<vmem>>, vector<1x1x16xf32>,
      %swap3A_405 = vector.shape_cast %swap3A_404 : vector<1x1x16xf32> to vector<16xf32>
      %swap3A_406 = vector.shape_cast %broadcast_in_dim3A_399 : vector<16xf32> to vector<1x1x16xf32>
      tpu.vector_store %arg7[%swap3A_401, %swap3A_402, %swap3A_403], %swap3A_406 {strides = array<i32>} : memref<2x128x128xf32, #tpu.memory_space<vmem>>, vector<1x1x16xf32>,
      %broadcast_in_dim3A_407 = arith.constant 0.000000e+00 : f32
      %broadcast_in_dim3A_408 = vector.broadcast %broadcast_in_dim3A_407 : f32 to vector<16xf32>
      %swap3A_409 = arith.constant 0 : i32
      %swap3A_410 = arith.index_cast %swap3A_409 : i32 to index
      %swap3A_411 = arith.index_cast %scan3A_345 : i32 to index
      %swap3A_412 = arith.constant 112 : index
      %swap3A_413 = tpu.vector_load %arg7[%swap3A_410, %swap3A_411, %swap3A_412] {strides = array<i32>} : memref<2x128x128xf32, #tpu.memory_space<vmem>>, vector<1x1x16xf32>,
      %swap3A_414 = vector.shape_cast %swap3A_413 : vector<1x1x16xf32> to vector<16xf32>
      %swap3A_415 = vector.shape_cast %broadcast_in_dim3A_408 : vector<16xf32> to vector<1x1x16xf32>
      tpu.vector_store %arg7[%swap3A_410, %swap3A_411, %swap3A_412], %swap3A_415 {strides = array<i32>} : memref<2x128x128xf32, #tpu.memory_space<vmem>>, vector<1x1x16xf32>,
    }
    %scan3A_4 = arith.constant 128 : i32
    %mul3A = arith.constant 640 : i32
    %mul3A_5 = arith.muli %arg1, %mul3A : i32
    %add3A = arith.constant 0 : i32
    %add3A_6 = arith.addi %mul3A_5, %add3A : i32
    %dma_start3A = arith.constant 0 : i32
    %dma_start3A_7 = arith.constant 0 : i32
    %dma_start3A_8 = arith.constant 0 : i32
    %dma_start3A_9 = tpu.memref_slice %arg7[%dma_start3A, %dma_start3A_7, %dma_start3A_8] : memref<2x128x128xf32, #tpu.memory_space<vmem>> -> memref<1x128x128xf32, #tpu.memory_space<vmem>>
    %dma_start3A_10 = tpu.memref_squeeze %dma_start3A_9 : memref<1x128x128xf32, #tpu.memory_space<vmem>> -> memref<128x128xf32, #tpu.memory_space<vmem>>
    %dma_start3A_11 = arith.constant 0 : i32
    %dma_start3A_12 = tpu.memref_slice %arg5[%add3A_6, %dma_start3A_11] : memref<10240x128xf32, #tpu.memory_space<vmem_shared>> -> memref<128x128xf32, #tpu.memory_space<vmem_shared>>
    %dma_start3A_13 = arith.constant 0 : i32
    %dma_start3A_14 = tpu.memref_slice %arg5[%add3A_6, %dma_start3A_13] : memref<10240x128xf32, #tpu.memory_space<vmem_shared>> -> memref<128x128xf32, #tpu.memory_space<vmem_shared>>
    %dma_start3A_15 = arith.constant 0 : i32
    %dma_start3A_16 = arith.constant 0 : i32
    %dma_start3A_17 = tpu.memref_slice %arg7[%dma_start3A, %dma_start3A_15, %dma_start3A_16] : memref<2x128x128xf32, #tpu.memory_space<vmem>> -> memref<1x128x128xf32, #tpu.memory_space<vmem>>
    %dma_start3A_18 = tpu.memref_squeeze %dma_start3A_17 : memref<1x128x128xf32, #tpu.memory_space<vmem>> -> memref<128x128xf32, #tpu.memory_space<vmem>>
    tpu.enqueue_dma source(%dma_start3A_18 : memref<128x128xf32, #tpu.memory_space<vmem>>) target(%dma_start3A_14 : memref<128x128xf32, #tpu.memory_space<vmem_shared>>) target_semaphore(%arg8 : memref<!tpu.dma_semaphore, #tpu.memory_space<semaphore_mem>>)
    %mul3A_19 = arith.constant 640 : i32
    %mul3A_20 = arith.muli %arg1, %mul3A_19 : i32
    %add3A_21 = arith.constant 128 : i32
    %add3A_22 = arith.addi %mul3A_20, %add3A_21 : i32
    %dma_start3A_23 = arith.constant 0 : i32
    %dma_start3A_24 = arith.constant 0 : i32
    %dma_start3A_25 = arith.constant 0 : i32
    %dma_start3A_26 = tpu.memref_slice %arg7[%dma_start3A_23, %dma_start3A_24, %dma_start3A_25] : memref<2x128x128xf32, #tpu.memory_space<vmem>> -> memref<1x128x128xf32, #tpu.memory_space<vmem>>
    %dma_start3A_27 = tpu.memref_squeeze %dma_start3A_26 : memref<1x128x128xf32, #tpu.memory_space<vmem>> -> memref<128x128xf32, #tpu.memory_space<vmem>>
    %dma_start3A_28 = arith.constant 0 : i32
    %dma_start3A_29 = tpu.memref_slice %arg5[%add3A_22, %dma_start3A_28] : memref<10240x128xf32, #tpu.memory_space<vmem_shared>> -> memref<128x128xf32, #tpu.memory_space<vmem_shared>>
    %dma_start3A_30 = arith.constant 0 : i32
    %dma_start3A_31 = tpu.memref_slice %arg5[%add3A_22, %dma_start3A_30] : memref<10240x128xf32, #tpu.memory_space<vmem_shared>> -> memref<128x128xf32, #tpu.memory_space<vmem_shared>>
    %dma_start3A_32 = arith.constant 0 : i32
    %dma_start3A_33 = arith.constant 0 : i32
    %dma_start3A_34 = tpu.memref_slice %arg7[%dma_start3A_23, %dma_start3A_32, %dma_start3A_33] : memref<2x128x128xf32, #tpu.memory_space<vmem>> -> memref<1x128x128xf32, #tpu.memory_space<vmem>>
    %dma_start3A_35 = tpu.memref_squeeze %dma_start3A_34 : memref<1x128x128xf32, #tpu.memory_space<vmem>> -> memref<128x128xf32, #tpu.memory_space<vmem>>
    tpu.enqueue_dma source(%dma_start3A_35 : memref<128x128xf32, #tpu.memory_space<vmem>>) target(%dma_start3A_31 : memref<128x128xf32, #tpu.memory_space<vmem_shared>>) target_semaphore(%arg8 : memref<!tpu.dma_semaphore, #tpu.memory_space<semaphore_mem>>)
    %mul3A_36 = arith.constant 640 : i32
    %mul3A_37 = arith.muli %arg1, %mul3A_36 : i32
    %add3A_38 = arith.constant 256 : i32
    %add3A_39 = arith.addi %mul3A_37, %add3A_38 : i32
    %dma_start3A_40 = arith.constant 0 : i32
    %dma_start3A_41 = arith.constant 0 : i32
    %dma_start3A_42 = arith.constant 0 : i32
    %dma_start3A_43 = tpu.memref_slice %arg7[%dma_start3A_40, %dma_start3A_41, %dma_start3A_42] : memref<2x128x128xf32, #tpu.memory_space<vmem>> -> memref<1x128x128xf32, #tpu.memory_space<vmem>>
    %dma_start3A_44 = tpu.memref_squeeze %dma_start3A_43 : memref<1x128x128xf32, #tpu.memory_space<vmem>> -> memref<128x128xf32, #tpu.memory_space<vmem>>
    %dma_start3A_45 = arith.constant 0 : i32
    %dma_start3A_46 = tpu.memref_slice %arg5[%add3A_39, %dma_start3A_45] : memref<10240x128xf32, #tpu.memory_space<vmem_shared>> -> memref<128x128xf32, #tpu.memory_space<vmem_shared>>
    %dma_start3A_47 = arith.constant 0 : i32
    %dma_start3A_48 = tpu.memref_slice %arg5[%add3A_39, %dma_start3A_47] : memref<10240x128xf32, #tpu.memory_space<vmem_shared>> -> memref<128x128xf32, #tpu.memory_space<vmem_shared>>
    %dma_start3A_49 = arith.constant 0 : i32
    %dma_start3A_50 = arith.constant 0 : i32
    %dma_start3A_51 = tpu.memref_slice %arg7[%dma_start3A_40, %dma_start3A_49, %dma_start3A_50] : memref<2x128x128xf32, #tpu.memory_space<vmem>> -> memref<1x128x128xf32, #tpu.memory_space<vmem>>
    %dma_start3A_52 = tpu.memref_squeeze %dma_start3A_51 : memref<1x128x128xf32, #tpu.memory_space<vmem>> -> memref<128x128xf32, #tpu.memory_space<vmem>>
    tpu.enqueue_dma source(%dma_start3A_52 : memref<128x128xf32, #tpu.memory_space<vmem>>) target(%dma_start3A_48 : memref<128x128xf32, #tpu.memory_space<vmem_shared>>) target_semaphore(%arg8 : memref<!tpu.dma_semaphore, #tpu.memory_space<semaphore_mem>>)
    %mul3A_53 = arith.constant 640 : i32
    %mul3A_54 = arith.muli %arg1, %mul3A_53 : i32
    %add3A_55 = arith.constant 384 : i32
    %add3A_56 = arith.addi %mul3A_54, %add3A_55 : i32
    %dma_start3A_57 = arith.constant 0 : i32
    %dma_start3A_58 = arith.constant 0 : i32
    %dma_start3A_59 = arith.constant 0 : i32
    %dma_start3A_60 = tpu.memref_slice %arg7[%dma_start3A_57, %dma_start3A_58, %dma_start3A_59] : memref<2x128x128xf32, #tpu.memory_space<vmem>> -> memref<1x128x128xf32, #tpu.memory_space<vmem>>
    %dma_start3A_61 = tpu.memref_squeeze %dma_start3A_60 : memref<1x128x128xf32, #tpu.memory_space<vmem>> -> memref<128x128xf32, #tpu.memory_space<vmem>>
    %dma_start3A_62 = arith.constant 0 : i32
    %dma_start3A_63 = tpu.memref_slice %arg5[%add3A_56, %dma_start3A_62] : memref<10240x128xf32, #tpu.memory_space<vmem_shared>> -> memref<128x128xf32, #tpu.memory_space<vmem_shared>>
    %dma_start3A_64 = arith.constant 0 : i32
    %dma_start3A_65 = tpu.memref_slice %arg5[%add3A_56, %dma_start3A_64] : memref<10240x128xf32, #tpu.memory_space<vmem_shared>> -> memref<128x128xf32, #tpu.memory_space<vmem_shared>>
    %dma_start3A_66 = arith.constant 0 : i32
    %dma_start3A_67 = arith.constant 0 : i32
    %dma_start3A_68 = tpu.memref_slice %arg7[%dma_start3A_57, %dma_start3A_66, %dma_start3A_67] : memref<2x128x128xf32, #tpu.memory_space<vmem>> -> memref<1x128x128xf32, #tpu.memory_space<vmem>>
    %dma_start3A_69 = tpu.memref_squeeze %dma_start3A_68 : memref<1x128x128xf32, #tpu.memory_space<vmem>> -> memref<128x128xf32, #tpu.memory_space<vmem>>
    tpu.enqueue_dma source(%dma_start3A_69 : memref<128x128xf32, #tpu.memory_space<vmem>>) target(%dma_start3A_65 : memref<128x128xf32, #tpu.memory_space<vmem_shared>>) target_semaphore(%arg8 : memref<!tpu.dma_semaphore, #tpu.memory_space<semaphore_mem>>)
    %mul3A_70 = arith.constant 640 : i32
    %mul3A_71 = arith.muli %arg1, %mul3A_70 : i32
    %add3A_72 = arith.constant 512 : i32
    %add3A_73 = arith.addi %mul3A_71, %add3A_72 : i32
    %dma_start3A_74 = arith.constant 0 : i32
    %dma_start3A_75 = arith.constant 0 : i32
    %dma_start3A_76 = arith.constant 0 : i32
    %dma_start3A_77 = tpu.memref_slice %arg7[%dma_start3A_74, %dma_start3A_75, %dma_start3A_76] : memref<2x128x128xf32, #tpu.memory_space<vmem>> -> memref<1x128x128xf32, #tpu.memory_space<vmem>>
    %dma_start3A_78 = tpu.memref_squeeze %dma_start3A_77 : memref<1x128x128xf32, #tpu.memory_space<vmem>> -> memref<128x128xf32, #tpu.memory_space<vmem>>
    %dma_start3A_79 = arith.constant 0 : i32
    %dma_start3A_80 = tpu.memref_slice %arg5[%add3A_73, %dma_start3A_79] : memref<10240x128xf32, #tpu.memory_space<vmem_shared>> -> memref<128x128xf32, #tpu.memory_space<vmem_shared>>
    %dma_start3A_81 = arith.constant 0 : i32
    %dma_start3A_82 = tpu.memref_slice %arg5[%add3A_73, %dma_start3A_81] : memref<10240x128xf32, #tpu.memory_space<vmem_shared>> -> memref<128x128xf32, #tpu.memory_space<vmem_shared>>
    %dma_start3A_83 = arith.constant 0 : i32
    %dma_start3A_84 = arith.constant 0 : i32
    %dma_start3A_85 = tpu.memref_slice %arg7[%dma_start3A_74, %dma_start3A_83, %dma_start3A_84] : memref<2x128x128xf32, #tpu.memory_space<vmem>> -> memref<1x128x128xf32, #tpu.memory_space<vmem>>
    %dma_start3A_86 = tpu.memref_squeeze %dma_start3A_85 : memref<1x128x128xf32, #tpu.memory_space<vmem>> -> memref<128x128xf32, #tpu.memory_space<vmem>>
    tpu.enqueue_dma source(%dma_start3A_86 : memref<128x128xf32, #tpu.memory_space<vmem>>) target(%dma_start3A_82 : memref<128x128xf32, #tpu.memory_space<vmem_shared>>) target_semaphore(%arg8 : memref<!tpu.dma_semaphore, #tpu.memory_space<semaphore_mem>>)
    %mul3A_87 = arith.constant 640 : i32
    %mul3A_88 = arith.muli %arg1, %mul3A_87 : i32
    %add3A_89 = arith.constant 0 : i32
    %add3A_90 = arith.addi %mul3A_88, %add3A_89 : i32
    %dma_wait3A = arith.constant 0 : i32
    %dma_wait3A_91 = arith.constant 0 : i32
    %dma_wait3A_92 = arith.constant 0 : i32
    %dma_wait3A_93 = tpu.memref_slice %arg7[%dma_wait3A, %dma_wait3A_91, %dma_wait3A_92] : memref<2x128x128xf32, #tpu.memory_space<vmem>> -> memref<1x128x128xf32, #tpu.memory_space<vmem>>
    %dma_wait3A_94 = tpu.memref_squeeze %dma_wait3A_93 : memref<1x128x128xf32, #tpu.memory_space<vmem>> -> memref<128x128xf32, #tpu.memory_space<vmem>>
    %dma_wait3A_95 = arith.constant 0 : i32
    %dma_wait3A_96 = tpu.memref_slice %arg5[%add3A_90, %dma_wait3A_95] : memref<10240x128xf32, #tpu.memory_space<vmem_shared>> -> memref<128x128xf32, #tpu.memory_space<vmem_shared>>
    %dma_wait3A_97 = arith.constant 0 : i32
    %dma_wait3A_98 = tpu.memref_slice %arg5[%add3A_90, %dma_wait3A_97] : memref<10240x128xf32, #tpu.memory_space<vmem_shared>> -> memref<128x128xf32, #tpu.memory_space<vmem_shared>>
    %dma_wait3A_99 = arith.constant 0 : i32
    %dma_wait3A_100 = arith.constant 0 : i32
    %dma_wait3A_101 = tpu.memref_slice %arg7[%dma_wait3A, %dma_wait3A_99, %dma_wait3A_100] : memref<2x128x128xf32, #tpu.memory_space<vmem>> -> memref<1x128x128xf32, #tpu.memory_space<vmem>>
    %dma_wait3A_102 = tpu.memref_squeeze %dma_wait3A_101 : memref<1x128x128xf32, #tpu.memory_space<vmem>> -> memref<128x128xf32, #tpu.memory_space<vmem>>
    tpu.wait_dma2 semaphore(%arg8 : memref<!tpu.dma_semaphore, #tpu.memory_space<semaphore_mem>>) src(%dma_wait3A_102 : memref<128x128xf32, #tpu.memory_space<vmem>>) dst(%dma_wait3A_98 : memref<128x128xf32, #tpu.memory_space<vmem_shared>>)
    %mul3A_103 = arith.constant 640 : i32
    %mul3A_104 = arith.muli %arg1, %mul3A_103 : i32
    %add3A_105 = arith.constant 128 : i32
    %add3A_106 = arith.addi %mul3A_104, %add3A_105 : i32
    %dma_wait3A_107 = arith.constant 0 : i32
    %dma_wait3A_108 = arith.constant 0 : i32
    %dma_wait3A_109 = arith.constant 0 : i32
    %dma_wait3A_110 = tpu.memref_slice %arg7[%dma_wait3A_107, %dma_wait3A_108, %dma_wait3A_109] : memref<2x128x128xf32, #tpu.memory_space<vmem>> -> memref<1x128x128xf32, #tpu.memory_space<vmem>>
    %dma_wait3A_111 = tpu.memref_squeeze %dma_wait3A_110 : memref<1x128x128xf32, #tpu.memory_space<vmem>> -> memref<128x128xf32, #tpu.memory_space<vmem>>
    %dma_wait3A_112 = arith.constant 0 : i32
    %dma_wait3A_113 = tpu.memref_slice %arg5[%add3A_106, %dma_wait3A_112] : memref<10240x128xf32, #tpu.memory_space<vmem_shared>> -> memref<128x128xf32, #tpu.memory_space<vmem_shared>>
    %dma_wait3A_114 = arith.constant 0 : i32
    %dma_wait3A_115 = tpu.memref_slice %arg5[%add3A_106, %dma_wait3A_114] : memref<10240x128xf32, #tpu.memory_space<vmem_shared>> -> memref<128x128xf32, #tpu.memory_space<vmem_shared>>
    %dma_wait3A_116 = arith.constant 0 : i32
    %dma_wait3A_117 = arith.constant 0 : i32
    %dma_wait3A_118 = tpu.memref_slice %arg7[%dma_wait3A_107, %dma_wait3A_116, %dma_wait3A_117] : memref<2x128x128xf32, #tpu.memory_space<vmem>> -> memref<1x128x128xf32, #tpu.memory_space<vmem>>
    %dma_wait3A_119 = tpu.memref_squeeze %dma_wait3A_118 : memref<1x128x128xf32, #tpu.memory_space<vmem>> -> memref<128x128xf32, #tpu.memory_space<vmem>>
    tpu.wait_dma2 semaphore(%arg8 : memref<!tpu.dma_semaphore, #tpu.memory_space<semaphore_mem>>) src(%dma_wait3A_119 : memref<128x128xf32, #tpu.memory_space<vmem>>) dst(%dma_wait3A_115 : memref<128x128xf32, #tpu.memory_space<vmem_shared>>)
    %mul3A_120 = arith.constant 640 : i32
    %mul3A_121 = arith.muli %arg1, %mul3A_120 : i32
    %add3A_122 = arith.constant 256 : i32
    %add3A_123 = arith.addi %mul3A_121, %add3A_122 : i32
    %dma_wait3A_124 = arith.constant 0 : i32
    %dma_wait3A_125 = arith.constant 0 : i32
    %dma_wait3A_126 = arith.constant 0 : i32
    %dma_wait3A_127 = tpu.memref_slice %arg7[%dma_wait3A_124, %dma_wait3A_125, %dma_wait3A_126] : memref<2x128x128xf32, #tpu.memory_space<vmem>> -> memref<1x128x128xf32, #tpu.memory_space<vmem>>
    %dma_wait3A_128 = tpu.memref_squeeze %dma_wait3A_127 : memref<1x128x128xf32, #tpu.memory_space<vmem>> -> memref<128x128xf32, #tpu.memory_space<vmem>>
    %dma_wait3A_129 = arith.constant 0 : i32
    %dma_wait3A_130 = tpu.memref_slice %arg5[%add3A_123, %dma_wait3A_129] : memref<10240x128xf32, #tpu.memory_space<vmem_shared>> -> memref<128x128xf32, #tpu.memory_space<vmem_shared>>
    %dma_wait3A_131 = arith.constant 0 : i32
    %dma_wait3A_132 = tpu.memref_slice %arg5[%add3A_123, %dma_wait3A_131] : memref<10240x128xf32, #tpu.memory_space<vmem_shared>> -> memref<128x128xf32, #tpu.memory_space<vmem_shared>>
    %dma_wait3A_133 = arith.constant 0 : i32
    %dma_wait3A_134 = arith.constant 0 : i32
    %dma_wait3A_135 = tpu.memref_slice %arg7[%dma_wait3A_124, %dma_wait3A_133, %dma_wait3A_134] : memref<2x128x128xf32, #tpu.memory_space<vmem>> -> memref<1x128x128xf32, #tpu.memory_space<vmem>>
    %dma_wait3A_136 = tpu.memref_squeeze %dma_wait3A_135 : memref<1x128x128xf32, #tpu.memory_space<vmem>> -> memref<128x128xf32, #tpu.memory_space<vmem>>
    tpu.wait_dma2 semaphore(%arg8 : memref<!tpu.dma_semaphore, #tpu.memory_space<semaphore_mem>>) src(%dma_wait3A_136 : memref<128x128xf32, #tpu.memory_space<vmem>>) dst(%dma_wait3A_132 : memref<128x128xf32, #tpu.memory_space<vmem_shared>>)
    %mul3A_137 = arith.constant 640 : i32
    %mul3A_138 = arith.muli %arg1, %mul3A_137 : i32
    %add3A_139 = arith.constant 384 : i32
    %add3A_140 = arith.addi %mul3A_138, %add3A_139 : i32
    %dma_wait3A_141 = arith.constant 0 : i32
    %dma_wait3A_142 = arith.constant 0 : i32
    %dma_wait3A_143 = arith.constant 0 : i32
    %dma_wait3A_144 = tpu.memref_slice %arg7[%dma_wait3A_141, %dma_wait3A_142, %dma_wait3A_143] : memref<2x128x128xf32, #tpu.memory_space<vmem>> -> memref<1x128x128xf32, #tpu.memory_space<vmem>>
    %dma_wait3A_145 = tpu.memref_squeeze %dma_wait3A_144 : memref<1x128x128xf32, #tpu.memory_space<vmem>> -> memref<128x128xf32, #tpu.memory_space<vmem>>
    %dma_wait3A_146 = arith.constant 0 : i32
    %dma_wait3A_147 = tpu.memref_slice %arg5[%add3A_140, %dma_wait3A_146] : memref<10240x128xf32, #tpu.memory_space<vmem_shared>> -> memref<128x128xf32, #tpu.memory_space<vmem_shared>>
    %dma_wait3A_148 = arith.constant 0 : i32
    %dma_wait3A_149 = tpu.memref_slice %arg5[%add3A_140, %dma_wait3A_148] : memref<10240x128xf32, #tpu.memory_space<vmem_shared>> -> memref<128x128xf32, #tpu.memory_space<vmem_shared>>
    %dma_wait3A_150 = arith.constant 0 : i32
    %dma_wait3A_151 = arith.constant 0 : i32
    %dma_wait3A_152 = tpu.memref_slice %arg7[%dma_wait3A_141, %dma_wait3A_150, %dma_wait3A_151] : memref<2x128x128xf32, #tpu.memory_space<vmem>> -> memref<1x128x128xf32, #tpu.memory_space<vmem>>
    %dma_wait3A_153 = tpu.memref_squeeze %dma_wait3A_152 : memref<1x128x128xf32, #tpu.memory_space<vmem>> -> memref<128x128xf32, #tpu.memory_space<vmem>>
    tpu.wait_dma2 semaphore(%arg8 : memref<!tpu.dma_semaphore, #tpu.memory_space<semaphore_mem>>) src(%dma_wait3A_153 : memref<128x128xf32, #tpu.memory_space<vmem>>) dst(%dma_wait3A_149 : memref<128x128xf32, #tpu.memory_space<vmem_shared>>)
    %mul3A_154 = arith.constant 640 : i32
    %mul3A_155 = arith.muli %arg1, %mul3A_154 : i32
    %add3A_156 = arith.constant 512 : i32
    %add3A_157 = arith.addi %mul3A_155, %add3A_156 : i32
    %dma_wait3A_158 = arith.constant 0 : i32
    %dma_wait3A_159 = arith.constant 0 : i32
    %dma_wait3A_160 = arith.constant 0 : i32
    %dma_wait3A_161 = tpu.memref_slice %arg7[%dma_wait3A_158, %dma_wait3A_159, %dma_wait3A_160] : memref<2x128x128xf32, #tpu.memory_space<vmem>> -> memref<1x128x128xf32, #tpu.memory_space<vmem>>
    %dma_wait3A_162 = tpu.memref_squeeze %dma_wait3A_161 : memref<1x128x128xf32, #tpu.memory_space<vmem>> -> memref<128x128xf32, #tpu.memory_space<vmem>>
    %dma_wait3A_163 = arith.constant 0 : i32
    %dma_wait3A_164 = tpu.memref_slice %arg5[%add3A_157, %dma_wait3A_163] : memref<10240x128xf32, #tpu.memory_space<vmem_shared>> -> memref<128x128xf32, #tpu.memory_space<vmem_shared>>
    %dma_wait3A_165 = arith.constant 0 : i32
    %dma_wait3A_166 = tpu.memref_slice %arg5[%add3A_157, %dma_wait3A_165] : memref<10240x128xf32, #tpu.memory_space<vmem_shared>> -> memref<128x128xf32, #tpu.memory_space<vmem_shared>>
    %dma_wait3A_167 = arith.constant 0 : i32
    %dma_wait3A_168 = arith.constant 0 : i32
    %dma_wait3A_169 = tpu.memref_slice %arg7[%dma_wait3A_158, %dma_wait3A_167, %dma_wait3A_168] : memref<2x128x128xf32, #tpu.memory_space<vmem>> -> memref<1x128x128xf32, #tpu.memory_space<vmem>>
    %dma_wait3A_170 = tpu.memref_squeeze %dma_wait3A_169 : memref<1x128x128xf32, #tpu.memory_space<vmem>> -> memref<128x128xf32, #tpu.memory_space<vmem>>
    tpu.wait_dma2 semaphore(%arg8 : memref<!tpu.dma_semaphore, #tpu.memory_space<semaphore_mem>>) src(%dma_wait3A_170 : memref<128x128xf32, #tpu.memory_space<vmem>>) dst(%dma_wait3A_166 : memref<128x128xf32, #tpu.memory_space<vmem_shared>>)
    %barrier3A = arith.constant 0 : index
    tpu.barrier barrier_id(%barrier3A)
    %mul3A_171 = arith.constant 32 : i32
    %mul3A_172 = arith.muli %arg0, %mul3A_171 : i32
    %eq3A = arith.constant 0 : i32
    %eq3A_173 = arith.cmpi eq, %arg0, %eq3A : i32
    %jit3A = arith.constant 32 : i32
    %jit3A_174 = arith.constant 125 : i32
    %select_n3A = arith.select %eq3A_173, %jit3A, %jit3A_174 : i32
    %add3A_175 = arith.constant 0 : i32
    %add3A_176 = arith.addi %mul3A_172, %add3A_175 : i32
    %dma_start3A_177 = arith.constant 0 : i32
    %dma_start3A_178 = arith.constant 0 : i32
    %dma_start3A_179 = arith.constant 0 : i32
    %dma_start3A_180 = tpu.memref_slice %arg6[%dma_start3A_177, %dma_start3A_178, %dma_start3A_179] : memref<4x2x128xi32, #tpu.memory_space<vmem>> -> memref<1x2x128xi32, #tpu.memory_space<vmem>>
    %dma_start3A_181 = tpu.memref_squeeze %dma_start3A_180 : memref<1x2x128xi32, #tpu.memory_space<vmem>> -> memref<2x128xi32, #tpu.memory_space<vmem>>
    %dma_start3A_182 = arith.constant 0 : i32
    %dma_start3A_183 = arith.constant 0 : i32
    %dma_start3A_184 = tpu.memref_slice %arg3[%arg1, %add3A_176, %dma_start3A_182, %dma_start3A_183] : memref<16x157x2x128xi32, #tpu.memory_space<hbm>> -> memref<1x1x2x128xi32, #tpu.memory_space<hbm>>
    %dma_start3A_185 = tpu.memref_squeeze %dma_start3A_184 : memref<1x1x2x128xi32, #tpu.memory_space<hbm>> -> memref<2x128xi32, #tpu.memory_space<hbm>>
    %dma_start3A_186 = arith.constant 0 : i32
    %dma_start3A_187 = arith.constant 0 : i32
    %dma_start3A_188 = tpu.memref_slice %arg6[%dma_start3A_177, %dma_start3A_186, %dma_start3A_187] : memref<4x2x128xi32, #tpu.memory_space<vmem>> -> memref<1x2x128xi32, #tpu.memory_space<vmem>>
    %dma_start3A_189 = tpu.memref_squeeze %dma_start3A_188 : memref<1x2x128xi32, #tpu.memory_space<vmem>> -> memref<2x128xi32, #tpu.memory_space<vmem>>
    %dma_start3A_190 = arith.constant 0 : i32
    %dma_start3A_191 = arith.constant 0 : i32
    %dma_start3A_192 = tpu.memref_slice %arg3[%arg1, %add3A_176, %dma_start3A_190, %dma_start3A_191] : memref<16x157x2x128xi32, #tpu.memory_space<hbm>> -> memref<1x1x2x128xi32, #tpu.memory_space<hbm>>
    %dma_start3A_193 = tpu.memref_squeeze %dma_start3A_192 : memref<1x1x2x128xi32, #tpu.memory_space<hbm>> -> memref<2x128xi32, #tpu.memory_space<hbm>>
    tpu.enqueue_dma source(%dma_start3A_193 : memref<2x128xi32, #tpu.memory_space<hbm>>) target(%dma_start3A_189 : memref<2x128xi32, #tpu.memory_space<vmem>>) target_semaphore(%arg8 : memref<!tpu.dma_semaphore, #tpu.memory_space<semaphore_mem>>)
    %add3A_194 = arith.constant 1 : i32
    %add3A_195 = arith.addi %mul3A_172, %add3A_194 : i32
    %dma_start3A_196 = arith.constant 1 : i32
    %dma_start3A_197 = arith.constant 0 : i32
    %dma_start3A_198 = arith.constant 0 : i32
    %dma_start3A_199 = tpu.memref_slice %arg6[%dma_start3A_196, %dma_start3A_197, %dma_start3A_198] : memref<4x2x128xi32, #tpu.memory_space<vmem>> -> memref<1x2x128xi32, #tpu.memory_space<vmem>>
    %dma_start3A_200 = tpu.memref_squeeze %dma_start3A_199 : memref<1x2x128xi32, #tpu.memory_space<vmem>> -> memref<2x128xi32, #tpu.memory_space<vmem>>
    %dma_start3A_201 = arith.constant 0 : i32
    %dma_start3A_202 = arith.constant 0 : i32
    %dma_start3A_203 = tpu.memref_slice %arg3[%arg1, %add3A_195, %dma_start3A_201, %dma_start3A_202] : memref<16x157x2x128xi32, #tpu.memory_space<hbm>> -> memref<1x1x2x128xi32, #tpu.memory_space<hbm>>
    %dma_start3A_204 = tpu.memref_squeeze %dma_start3A_203 : memref<1x1x2x128xi32, #tpu.memory_space<hbm>> -> memref<2x128xi32, #tpu.memory_space<hbm>>
    %dma_start3A_205 = arith.constant 0 : i32
    %dma_start3A_206 = arith.constant 0 : i32
    %dma_start3A_207 = tpu.memref_slice %arg6[%dma_start3A_196, %dma_start3A_205, %dma_start3A_206] : memref<4x2x128xi32, #tpu.memory_space<vmem>> -> memref<1x2x128xi32, #tpu.memory_space<vmem>>
    %dma_start3A_208 = tpu.memref_squeeze %dma_start3A_207 : memref<1x2x128xi32, #tpu.memory_space<vmem>> -> memref<2x128xi32, #tpu.memory_space<vmem>>
    %dma_start3A_209 = arith.constant 0 : i32
    %dma_start3A_210 = arith.constant 0 : i32
    %dma_start3A_211 = tpu.memref_slice %arg3[%arg1, %add3A_195, %dma_start3A_209, %dma_start3A_210] : memref<16x157x2x128xi32, #tpu.memory_space<hbm>> -> memref<1x1x2x128xi32, #tpu.memory_space<hbm>>
    %dma_start3A_212 = tpu.memref_squeeze %dma_start3A_211 : memref<1x1x2x128xi32, #tpu.memory_space<hbm>> -> memref<2x128xi32, #tpu.memory_space<hbm>>
    tpu.enqueue_dma source(%dma_start3A_212 : memref<2x128xi32, #tpu.memory_space<hbm>>) target(%dma_start3A_208 : memref<2x128xi32, #tpu.memory_space<vmem>>) target_semaphore(%arg8 : memref<!tpu.dma_semaphore, #tpu.memory_space<semaphore_mem>>)
    %add3A_213 = arith.constant 0 : i32
    %add3A_214 = arith.addi %mul3A_172, %add3A_213 : i32
    %dma_wait3A_215 = arith.constant 0 : i32
    %dma_wait3A_216 = arith.constant 0 : i32
    %dma_wait3A_217 = arith.constant 0 : i32
    %dma_wait3A_218 = tpu.memref_slice %arg6[%dma_wait3A_215, %dma_wait3A_216, %dma_wait3A_217] : memref<4x2x128xi32, #tpu.memory_space<vmem>> -> memref<1x2x128xi32, #tpu.memory_space<vmem>>
    %dma_wait3A_219 = tpu.memref_squeeze %dma_wait3A_218 : memref<1x2x128xi32, #tpu.memory_space<vmem>> -> memref<2x128xi32, #tpu.memory_space<vmem>>
    %dma_wait3A_220 = arith.constant 0 : i32
    %dma_wait3A_221 = arith.constant 0 : i32
    %dma_wait3A_222 = tpu.memref_slice %arg3[%arg1, %add3A_214, %dma_wait3A_220, %dma_wait3A_221] : memref<16x157x2x128xi32, #tpu.memory_space<hbm>> -> memref<1x1x2x128xi32, #tpu.memory_space<hbm>>
    %dma_wait3A_223 = tpu.memref_squeeze %dma_wait3A_222 : memref<1x1x2x128xi32, #tpu.memory_space<hbm>> -> memref<2x128xi32, #tpu.memory_space<hbm>>
    %dma_wait3A_224 = arith.constant 0 : i32
    %dma_wait3A_225 = arith.constant 0 : i32
    %dma_wait3A_226 = tpu.memref_slice %arg6[%dma_wait3A_215, %dma_wait3A_224, %dma_wait3A_225] : memref<4x2x128xi32, #tpu.memory_space<vmem>> -> memref<1x2x128xi32, #tpu.memory_space<vmem>>
    %dma_wait3A_227 = tpu.memref_squeeze %dma_wait3A_226 : memref<1x2x128xi32, #tpu.memory_space<vmem>> -> memref<2x128xi32, #tpu.memory_space<vmem>>
    %dma_wait3A_228 = arith.constant 0 : i32
    %dma_wait3A_229 = arith.constant 0 : i32
    %dma_wait3A_230 = tpu.memref_slice %arg3[%arg1, %add3A_214, %dma_wait3A_228, %dma_wait3A_229] : memref<16x157x2x128xi32, #tpu.memory_space<hbm>> -> memref<1x1x2x128xi32, #tpu.memory_space<hbm>>
    %dma_wait3A_231 = tpu.memref_squeeze %dma_wait3A_230 : memref<1x1x2x128xi32, #tpu.memory_space<hbm>> -> memref<2x128xi32, #tpu.memory_space<hbm>>
    tpu.wait_dma2 semaphore(%arg8 : memref<!tpu.dma_semaphore, #tpu.memory_space<semaphore_mem>>) src(%dma_wait3A_231 : memref<2x128xi32, #tpu.memory_space<hbm>>) dst(%dma_wait3A_227 : memref<2x128xi32, #tpu.memory_space<vmem>>)
    %dma_start3A_232 = arith.constant 0 : i32
    %dma_start3A_233 = arith.constant 0 : i32
    %dma_start3A_234 = arith.constant 0 : i32
    %dma_start3A_235 = arith.constant 0 : i32
    %dma_start3A_236 = arith.constant 0 : i32
    %dma_start3A_237 = tpu.memref_slice %arg7[%dma_start3A_234, %dma_start3A_235, %dma_start3A_236] : memref<2x128x128xf32, #tpu.memory_space<vmem>> -> memref<1x128x128xf32, #tpu.memory_space<vmem>>
    %dma_start3A_238 = tpu.memref_squeeze %dma_start3A_237 : memref<1x128x128xf32, #tpu.memory_space<vmem>> -> memref<128x128xf32, #tpu.memory_space<vmem>>
    %dma_start3A_239 = arith.constant 0 : i32
    %dma_start3A_240 = tpu.memref_slice %arg6[%dma_start3A_232, %dma_start3A_233, %dma_start3A_239] : memref<4x2x128xi32, #tpu.memory_space<vmem>> -> memref<1x1x128xi32, #tpu.memory_space<vmem>>
    %dma_start3A_241 = tpu.memref_squeeze %dma_start3A_240 : memref<1x1x128xi32, #tpu.memory_space<vmem>> -> memref<128xi32, #tpu.memory_space<vmem>>
    %dma_start3A_242 = arith.constant 0 : i32
    %dma_start3A_243 = arith.constant 0 : i32
    %dma_start3A_244 = tpu.memref_slice %arg2[%dma_start3A_242, %dma_start3A_243] : memref<10240x128xf32, #tpu.memory_space<hbm>> -> memref<10240x128xf32, #tpu.memory_space<hbm>>
    tpu.enqueue_indirect_dma source(%dma_start3A_244 : memref<10240x128xf32, #tpu.memory_space<hbm>>) target(%dma_start3A_238 : memref<128x128xf32, #tpu.memory_space<vmem>>) offsets(%dma_start3A_241 : memref<128xi32, #tpu.memory_space<vmem>>) semaphore(%arg9 : memref<!tpu.dma_semaphore, #tpu.memory_space<semaphore_mem>>)
    %while3A = arith.constant 0 : i32
    %while3A_245 = arith.constant 0 : i32
    %while3A_246 = arith.subi %select_n3A, %while3A_245 : i32
    %while3A_247 = arith.addi %while3A_245, %while3A_246 : i32
    %while3A_248 = arith.constant 1 : i32
    %while3A_249 = arith.divsi %while3A_246, %while3A_248 : i32
    %while3A_250 = arith.muli %while3A_249, %while3A_248 : i32
    %while3A_251 = arith.addi %while3A_245, %while3A_250 : i32
    %while3A_252 = arith.constant 1 : i32
    scf.for %while3A_345 = %while3A_245 to %while3A_251 step %while3A_252  : i32 {
      %rem3A = arith.constant 2 : i32
      %rem3A_346 = arith.remsi %while3A_345, %rem3A : i32
      %rem3A_347 = arith.constant 4 : i32
      %rem3A_348 = arith.remsi %while3A_345, %rem3A_347 : i32
      %add3A_349 = arith.constant 2 : i32
      %add3A_350 = arith.addi %while3A_345, %add3A_349 : i32
      %lt3A = arith.cmpi slt, %add3A_350, %select_n3A : i32
      %convert_element_type3A = arith.extui %lt3A : i1 to i32
      %cond3A = arith.constant 0 : i32
      %cond3A_351 = arith.cmpi ne, %convert_element_type3A, %cond3A : i32
      scf.if %cond3A_351 {
        %add3A_369 = arith.constant 2 : i32
        %add3A_370 = arith.addi %while3A_345, %add3A_369 : i32
        %add3A_371 = arith.constant 2 : i32
        %add3A_372 = arith.addi %while3A_345, %add3A_371 : i32
        %rem3A_373 = arith.constant 4 : i32
        %rem3A_374 = arith.remsi %add3A_372, %rem3A_373 : i32
        %add3A_375 = arith.addi %mul3A_172, %add3A_370 : i32
        %dma_start3A_376 = arith.constant 0 : i32
        %dma_start3A_377 = arith.constant 0 : i32
        %dma_start3A_378 = tpu.memref_slice %arg6[%rem3A_374, %dma_start3A_376, %dma_start3A_377] : memref<4x2x128xi32, #tpu.memory_space<vmem>> -> memref<1x2x128xi32, #tpu.memory_space<vmem>>
        %dma_start3A_379 = tpu.memref_squeeze %dma_start3A_378 : memref<1x2x128xi32, #tpu.memory_space<vmem>> -> memref<2x128xi32, #tpu.memory_space<vmem>>
        %dma_start3A_380 = arith.constant 0 : i32
        %dma_start3A_381 = arith.constant 0 : i32
        %dma_start3A_382 = tpu.memref_slice %arg3[%arg1, %add3A_375, %dma_start3A_380, %dma_start3A_381] : memref<16x157x2x128xi32, #tpu.memory_space<hbm>> -> memref<1x1x2x128xi32, #tpu.memory_space<hbm>>
        %dma_start3A_383 = tpu.memref_squeeze %dma_start3A_382 : memref<1x1x2x128xi32, #tpu.memory_space<hbm>> -> memref<2x128xi32, #tpu.memory_space<hbm>>
        %dma_start3A_384 = arith.constant 0 : i32
        %dma_start3A_385 = arith.constant 0 : i32
        %dma_start3A_386 = tpu.memref_slice %arg6[%rem3A_374, %dma_start3A_384, %dma_start3A_385] : memref<4x2x128xi32, #tpu.memory_space<vmem>> -> memref<1x2x128xi32, #tpu.memory_space<vmem>>
        %dma_start3A_387 = tpu.memref_squeeze %dma_start3A_386 : memref<1x2x128xi32, #tpu.memory_space<vmem>> -> memref<2x128xi32, #tpu.memory_space<vmem>>
        %dma_start3A_388 = arith.constant 0 : i32
        %dma_start3A_389 = arith.constant 0 : i32
        %dma_start3A_390 = tpu.memref_slice %arg3[%arg1, %add3A_375, %dma_start3A_388, %dma_start3A_389] : memref<16x157x2x128xi32, #tpu.memory_space<hbm>> -> memref<1x1x2x128xi32, #tpu.memory_space<hbm>>
        %dma_start3A_391 = tpu.memref_squeeze %dma_start3A_390 : memref<1x1x2x128xi32, #tpu.memory_space<hbm>> -> memref<2x128xi32, #tpu.memory_space<hbm>>
        tpu.enqueue_dma source(%dma_start3A_391 : memref<2x128xi32, #tpu.memory_space<hbm>>) target(%dma_start3A_387 : memref<2x128xi32, #tpu.memory_space<vmem>>) target_semaphore(%arg8 : memref<!tpu.dma_semaphore, #tpu.memory_space<semaphore_mem>>)
      } else {
      }
      %add3A_352 = arith.constant 1 : i32
      %add3A_353 = arith.addi %while3A_345, %add3A_352 : i32
      %lt3A_354 = arith.cmpi slt, %add3A_353, %select_n3A : i32
      %convert_element_type3A_355 = arith.extui %lt3A_354 : i1 to i32
      %cond3A_356 = arith.constant 0 : i32
      %cond3A_357 = arith.cmpi ne, %convert_element_type3A_355, %cond3A_356 : i32
      scf.if %cond3A_357 {
        %add3A_369 = arith.constant 1 : i32
        %add3A_370 = arith.addi %while3A_345, %add3A_369 : i32
        %add3A_371 = arith.constant 1 : i32
        %add3A_372 = arith.addi %while3A_345, %add3A_371 : i32
        %rem3A_373 = arith.constant 4 : i32
        %rem3A_374 = arith.remsi %add3A_372, %rem3A_373 : i32
        %add3A_375 = arith.addi %mul3A_172, %add3A_370 : i32
        %dma_wait3A_376 = arith.constant 0 : i32
        %dma_wait3A_377 = arith.constant 0 : i32
        %dma_wait3A_378 = tpu.memref_slice %arg6[%rem3A_374, %dma_wait3A_376, %dma_wait3A_377] : memref<4x2x128xi32, #tpu.memory_space<vmem>> -> memref<1x2x128xi32, #tpu.memory_space<vmem>>
        %dma_wait3A_379 = tpu.memref_squeeze %dma_wait3A_378 : memref<1x2x128xi32, #tpu.memory_space<vmem>> -> memref<2x128xi32, #tpu.memory_space<vmem>>
        %dma_wait3A_380 = arith.constant 0 : i32
        %dma_wait3A_381 = arith.constant 0 : i32
        %dma_wait3A_382 = tpu.memref_slice %arg3[%arg1, %add3A_375, %dma_wait3A_380, %dma_wait3A_381] : memref<16x157x2x128xi32, #tpu.memory_space<hbm>> -> memref<1x1x2x128xi32, #tpu.memory_space<hbm>>
        %dma_wait3A_383 = tpu.memref_squeeze %dma_wait3A_382 : memref<1x1x2x128xi32, #tpu.memory_space<hbm>> -> memref<2x128xi32, #tpu.memory_space<hbm>>
        %dma_wait3A_384 = arith.constant 0 : i32
        %dma_wait3A_385 = arith.constant 0 : i32
        %dma_wait3A_386 = tpu.memref_slice %arg6[%rem3A_374, %dma_wait3A_384, %dma_wait3A_385] : memref<4x2x128xi32, #tpu.memory_space<vmem>> -> memref<1x2x128xi32, #tpu.memory_space<vmem>>
        %dma_wait3A_387 = tpu.memref_squeeze %dma_wait3A_386 : memref<1x2x128xi32, #tpu.memory_space<vmem>> -> memref<2x128xi32, #tpu.memory_space<vmem>>
        %dma_wait3A_388 = arith.constant 0 : i32
        %dma_wait3A_389 = arith.constant 0 : i32
        %dma_wait3A_390 = tpu.memref_slice %arg3[%arg1, %add3A_375, %dma_wait3A_388, %dma_wait3A_389] : memref<16x157x2x128xi32, #tpu.memory_space<hbm>> -> memref<1x1x2x128xi32, #tpu.memory_space<hbm>>
        %dma_wait3A_391 = tpu.memref_squeeze %dma_wait3A_390 : memref<1x1x2x128xi32, #tpu.memory_space<hbm>> -> memref<2x128xi32, #tpu.memory_space<hbm>>
        tpu.wait_dma2 semaphore(%arg8 : memref<!tpu.dma_semaphore, #tpu.memory_space<semaphore_mem>>) src(%dma_wait3A_391 : memref<2x128xi32, #tpu.memory_space<hbm>>) dst(%dma_wait3A_387 : memref<2x128xi32, #tpu.memory_space<vmem>>)
        %add3A_392 = arith.constant 1 : i32
        %add3A_393 = arith.addi %while3A_345, %add3A_392 : i32
        %rem3A_394 = arith.constant 4 : i32
        %rem3A_395 = arith.remsi %add3A_393, %rem3A_394 : i32
        %sub3A = arith.constant 1 : i32
        %sub3A_396 = arith.subi %sub3A, %rem3A_346 : i32
        %dma_start3A_397 = arith.constant 0 : i32
        %dma_start3A_398 = arith.constant 0 : i32
        %dma_start3A_399 = arith.constant 0 : i32
        %dma_start3A_400 = tpu.memref_slice %arg7[%sub3A_396, %dma_start3A_398, %dma_start3A_399] : memref<2x128x128xf32, #tpu.memory_space<vmem>> -> memref<1x128x128xf32, #tpu.memory_space<vmem>>
        %dma_start3A_401 = tpu.memref_squeeze %dma_start3A_400 : memref<1x128x128xf32, #tpu.memory_space<vmem>> -> memref<128x128xf32, #tpu.memory_space<vmem>>
        %dma_start3A_402 = arith.constant 0 : i32
        %dma_start3A_403 = tpu.memref_slice %arg6[%rem3A_395, %dma_start3A_397, %dma_start3A_402] : memref<4x2x128xi32, #tpu.memory_space<vmem>> -> memref<1x1x128xi32, #tpu.memory_space<vmem>>
        %dma_start3A_404 = tpu.memref_squeeze %dma_start3A_403 : memref<1x1x128xi32, #tpu.memory_space<vmem>> -> memref<128xi32, #tpu.memory_space<vmem>>
        %dma_start3A_405 = arith.constant 0 : i32
        %dma_start3A_406 = arith.constant 0 : i32
        %dma_start3A_407 = tpu.memref_slice %arg2[%dma_start3A_405, %dma_start3A_406] : memref<10240x128xf32, #tpu.memory_space<hbm>> -> memref<10240x128xf32, #tpu.memory_space<hbm>>
        tpu.enqueue_indirect_dma source(%dma_start3A_407 : memref<10240x128xf32, #tpu.memory_space<hbm>>) target(%dma_start3A_401 : memref<128x128xf32, #tpu.memory_space<vmem>>) offsets(%dma_start3A_404 : memref<128xi32, #tpu.memory_space<vmem>>) semaphore(%arg9 : memref<!tpu.dma_semaphore, #tpu.memory_space<semaphore_mem>>)
      } else {
      }
      %dma_wait3A_358 = arith.constant 0 : i32
      %dma_wait3A_359 = arith.constant 0 : i32
      %dma_wait3A_360 = arith.constant 0 : i32
      %dma_wait3A_361 = tpu.memref_slice %arg7[%rem3A_346, %dma_wait3A_359, %dma_wait3A_360] : memref<2x128x128xf32, #tpu.memory_space<vmem>> -> memref<1x128x128xf32, #tpu.memory_space<vmem>>
      %dma_wait3A_362 = tpu.memref_squeeze %dma_wait3A_361 : memref<1x128x128xf32, #tpu.memory_space<vmem>> -> memref<128x128xf32, #tpu.memory_space<vmem>>
      %dma_wait3A_363 = arith.constant 0 : i32
      %dma_wait3A_364 = tpu.memref_slice %arg6[%rem3A_348, %dma_wait3A_358, %dma_wait3A_363] : memref<4x2x128xi32, #tpu.memory_space<vmem>> -> memref<1x1x128xi32, #tpu.memory_space<vmem>>
      %dma_wait3A_365 = tpu.memref_squeeze %dma_wait3A_364 : memref<1x1x128xi32, #tpu.memory_space<vmem>> -> memref<128xi32, #tpu.memory_space<vmem>>
      %dma_wait3A_366 = arith.constant 0 : i32
      %dma_wait3A_367 = arith.constant 0 : i32
      %dma_wait3A_368 = tpu.memref_slice %arg2[%dma_wait3A_366, %dma_wait3A_367] : memref<10240x128xf32, #tpu.memory_space<hbm>> -> memref<10240x128xf32, #tpu.memory_space<hbm>>
      tpu.wait_indirect_dma semaphore(%arg9 : memref<!tpu.dma_semaphore, #tpu.memory_space<semaphore_mem>>) src(%dma_wait3A_368 : memref<10240x128xf32, #tpu.memory_space<hbm>>) dst(%dma_wait3A_362 : memref<128x128xf32, #tpu.memory_space<vmem>>)
      %run_scoped3A = arith.constant 1 : i32
      "tpu.region"() ({
        %run_scoped3A_369 = tpu.sem_alloc : memref<!tpu.dma_semaphore, #tpu.memory_space<semaphore_mem>>
        %dma_start3A_370 = arith.constant 0 : i32
        %dma_start3A_371 = arith.constant 0 : i32
        %dma_start3A_372 = tpu.memref_slice %arg7[%rem3A_346, %dma_start3A_370, %dma_start3A_371] : memref<2x128x128xf32, #tpu.memory_space<vmem>> -> memref<1x128x128xf32, #tpu.memory_space<vmem>>
        %dma_start3A_373 = tpu.memref_squeeze %dma_start3A_372 : memref<1x128x128xf32, #tpu.memory_space<vmem>> -> memref<128x128xf32, #tpu.memory_space<vmem>>
        %dma_start3A_374 = arith.constant 0 : i32
        %dma_start3A_375 = tpu.memref_slice %arg6[%rem3A_348, %run_scoped3A, %dma_start3A_374] : memref<4x2x128xi32, #tpu.memory_space<vmem>> -> memref<1x1x128xi32, #tpu.memory_space<vmem>>
        %dma_start3A_376 = tpu.memref_squeeze %dma_start3A_375 : memref<1x1x128xi32, #tpu.memory_space<vmem>> -> memref<128xi32, #tpu.memory_space<vmem>>
        %dma_start3A_377 = arith.constant 0 : i32
        %dma_start3A_378 = arith.constant 0 : i32
        %dma_start3A_379 = tpu.memref_slice %arg5[%dma_start3A_377, %dma_start3A_378] : memref<10240x128xf32, #tpu.memory_space<vmem_shared>> -> memref<10240x128xf32, #tpu.memory_space<vmem_shared>>
        tpu.enqueue_indirect_dma source(%dma_start3A_373 : memref<128x128xf32, #tpu.memory_space<vmem>>) target(%dma_start3A_379 : memref<10240x128xf32, #tpu.memory_space<vmem_shared>>) offsets(%dma_start3A_376 : memref<128xi32, #tpu.memory_space<vmem>>) semaphore(%run_scoped3A_369 : memref<!tpu.dma_semaphore, #tpu.memory_space<semaphore_mem>>) {add = true}
        %dma_wait3A_380 = arith.constant 0 : i32
        %dma_wait3A_381 = arith.constant 0 : i32
        %dma_wait3A_382 = tpu.memref_slice %arg7[%rem3A_346, %dma_wait3A_380, %dma_wait3A_381] : memref<2x128x128xf32, #tpu.memory_space<vmem>> -> memref<1x128x128xf32, #tpu.memory_space<vmem>>
        %dma_wait3A_383 = tpu.memref_squeeze %dma_wait3A_382 : memref<1x128x128xf32, #tpu.memory_space<vmem>> -> memref<128x128xf32, #tpu.memory_space<vmem>>
        %dma_wait3A_384 = arith.constant 0 : i32
        %dma_wait3A_385 = tpu.memref_slice %arg6[%rem3A_348, %run_scoped3A, %dma_wait3A_384] : memref<4x2x128xi32, #tpu.memory_space<vmem>> -> memref<1x1x128xi32, #tpu.memory_space<vmem>>
        %dma_wait3A_386 = tpu.memref_squeeze %dma_wait3A_385 : memref<1x1x128xi32, #tpu.memory_space<vmem>> -> memref<128xi32, #tpu.memory_space<vmem>>
        %dma_wait3A_387 = arith.constant 0 : i32
        %dma_wait3A_388 = arith.constant 0 : i32
        %dma_wait3A_389 = tpu.memref_slice %arg5[%dma_wait3A_387, %dma_wait3A_388] : memref<10240x128xf32, #tpu.memory_space<vmem_shared>> -> memref<10240x128xf32, #tpu.memory_space<vmem_shared>>
        tpu.wait_indirect_dma semaphore(%run_scoped3A_369 : memref<!tpu.dma_semaphore, #tpu.memory_space<semaphore_mem>>) src(%dma_wait3A_383 : memref<128x128xf32, #tpu.memory_space<vmem>>) dst(%dma_wait3A_389 : memref<10240x128xf32, #tpu.memory_space<vmem_shared>>)
        tpu.yield
      }) : () -> ()
    }
    %while3A_253 = arith.constant 1 : i32
    scf.for %while3A_345 = %while3A_251 to %while3A_247 step %while3A_253  : i32 {
      %rem3A = arith.constant 2 : i32
      %rem3A_346 = arith.remsi %while3A_345, %rem3A : i32
      %rem3A_347 = arith.constant 4 : i32
      %rem3A_348 = arith.remsi %while3A_345, %rem3A_347 : i32
      %add3A_349 = arith.constant 2 : i32
      %add3A_350 = arith.addi %while3A_345, %add3A_349 : i32
      %lt3A = arith.cmpi slt, %add3A_350, %select_n3A : i32
      %convert_element_type3A = arith.extui %lt3A : i1 to i32
      %cond3A = arith.constant 0 : i32
      %cond3A_351 = arith.cmpi ne, %convert_element_type3A, %cond3A : i32
      scf.if %cond3A_351 {
        %add3A_369 = arith.constant 2 : i32
        %add3A_370 = arith.addi %while3A_345, %add3A_369 : i32
        %add3A_371 = arith.constant 2 : i32
        %add3A_372 = arith.addi %while3A_345, %add3A_371 : i32
        %rem3A_373 = arith.constant 4 : i32
        %rem3A_374 = arith.remsi %add3A_372, %rem3A_373 : i32
        %add3A_375 = arith.addi %mul3A_172, %add3A_370 : i32
        %dma_start3A_376 = arith.constant 0 : i32
        %dma_start3A_377 = arith.constant 0 : i32
        %dma_start3A_378 = tpu.memref_slice %arg6[%rem3A_374, %dma_start3A_376, %dma_start3A_377] : memref<4x2x128xi32, #tpu.memory_space<vmem>> -> memref<1x2x128xi32, #tpu.memory_space<vmem>>
        %dma_start3A_379 = tpu.memref_squeeze %dma_start3A_378 : memref<1x2x128xi32, #tpu.memory_space<vmem>> -> memref<2x128xi32, #tpu.memory_space<vmem>>
        %dma_start3A_380 = arith.constant 0 : i32
        %dma_start3A_381 = arith.constant 0 : i32
        %dma_start3A_382 = tpu.memref_slice %arg3[%arg1, %add3A_375, %dma_start3A_380, %dma_start3A_381] : memref<16x157x2x128xi32, #tpu.memory_space<hbm>> -> memref<1x1x2x128xi32, #tpu.memory_space<hbm>>
        %dma_start3A_383 = tpu.memref_squeeze %dma_start3A_382 : memref<1x1x2x128xi32, #tpu.memory_space<hbm>> -> memref<2x128xi32, #tpu.memory_space<hbm>>
        %dma_start3A_384 = arith.constant 0 : i32
        %dma_start3A_385 = arith.constant 0 : i32
        %dma_start3A_386 = tpu.memref_slice %arg6[%rem3A_374, %dma_start3A_384, %dma_start3A_385] : memref<4x2x128xi32, #tpu.memory_space<vmem>> -> memref<1x2x128xi32, #tpu.memory_space<vmem>>
        %dma_start3A_387 = tpu.memref_squeeze %dma_start3A_386 : memref<1x2x128xi32, #tpu.memory_space<vmem>> -> memref<2x128xi32, #tpu.memory_space<vmem>>
        %dma_start3A_388 = arith.constant 0 : i32
        %dma_start3A_389 = arith.constant 0 : i32
        %dma_start3A_390 = tpu.memref_slice %arg3[%arg1, %add3A_375, %dma_start3A_388, %dma_start3A_389] : memref<16x157x2x128xi32, #tpu.memory_space<hbm>> -> memref<1x1x2x128xi32, #tpu.memory_space<hbm>>
        %dma_start3A_391 = tpu.memref_squeeze %dma_start3A_390 : memref<1x1x2x128xi32, #tpu.memory_space<hbm>> -> memref<2x128xi32, #tpu.memory_space<hbm>>
        tpu.enqueue_dma source(%dma_start3A_391 : memref<2x128xi32, #tpu.memory_space<hbm>>) target(%dma_start3A_387 : memref<2x128xi32, #tpu.memory_space<vmem>>) target_semaphore(%arg8 : memref<!tpu.dma_semaphore, #tpu.memory_space<semaphore_mem>>)
      } else {
      }
      %add3A_352 = arith.constant 1 : i32
      %add3A_353 = arith.addi %while3A_345, %add3A_352 : i32
      %lt3A_354 = arith.cmpi slt, %add3A_353, %select_n3A : i32
      %convert_element_type3A_355 = arith.extui %lt3A_354 : i1 to i32
      %cond3A_356 = arith.constant 0 : i32
      %cond3A_357 = arith.cmpi ne, %convert_element_type3A_355, %cond3A_356 : i32
      scf.if %cond3A_357 {
        %add3A_369 = arith.constant 1 : i32
        %add3A_370 = arith.addi %while3A_345, %add3A_369 : i32
        %add3A_371 = arith.constant 1 : i32
        %add3A_372 = arith.addi %while3A_345, %add3A_371 : i32
        %rem3A_373 = arith.constant 4 : i32
        %rem3A_374 = arith.remsi %add3A_372, %rem3A_373 : i32
        %add3A_375 = arith.addi %mul3A_172, %add3A_370 : i32
        %dma_wait3A_376 = arith.constant 0 : i32
        %dma_wait3A_377 = arith.constant 0 : i32
        %dma_wait3A_378 = tpu.memref_slice %arg6[%rem3A_374, %dma_wait3A_376, %dma_wait3A_377] : memref<4x2x128xi32, #tpu.memory_space<vmem>> -> memref<1x2x128xi32, #tpu.memory_space<vmem>>
        %dma_wait3A_379 = tpu.memref_squeeze %dma_wait3A_378 : memref<1x2x128xi32, #tpu.memory_space<vmem>> -> memref<2x128xi32, #tpu.memory_space<vmem>>
        %dma_wait3A_380 = arith.constant 0 : i32
        %dma_wait3A_381 = arith.constant 0 : i32
        %dma_wait3A_382 = tpu.memref_slice %arg3[%arg1, %add3A_375, %dma_wait3A_380, %dma_wait3A_381] : memref<16x157x2x128xi32, #tpu.memory_space<hbm>> -> memref<1x1x2x128xi32, #tpu.memory_space<hbm>>
        %dma_wait3A_383 = tpu.memref_squeeze %dma_wait3A_382 : memref<1x1x2x128xi32, #tpu.memory_space<hbm>> -> memref<2x128xi32, #tpu.memory_space<hbm>>
        %dma_wait3A_384 = arith.constant 0 : i32
        %dma_wait3A_385 = arith.constant 0 : i32
        %dma_wait3A_386 = tpu.memref_slice %arg6[%rem3A_374, %dma_wait3A_384, %dma_wait3A_385] : memref<4x2x128xi32, #tpu.memory_space<vmem>> -> memref<1x2x128xi32, #tpu.memory_space<vmem>>
        %dma_wait3A_387 = tpu.memref_squeeze %dma_wait3A_386 : memref<1x2x128xi32, #tpu.memory_space<vmem>> -> memref<2x128xi32, #tpu.memory_space<vmem>>
        %dma_wait3A_388 = arith.constant 0 : i32
        %dma_wait3A_389 = arith.constant 0 : i32
        %dma_wait3A_390 = tpu.memref_slice %arg3[%arg1, %add3A_375, %dma_wait3A_388, %dma_wait3A_389] : memref<16x157x2x128xi32, #tpu.memory_space<hbm>> -> memref<1x1x2x128xi32, #tpu.memory_space<hbm>>
        %dma_wait3A_391 = tpu.memref_squeeze %dma_wait3A_390 : memref<1x1x2x128xi32, #tpu.memory_space<hbm>> -> memref<2x128xi32, #tpu.memory_space<hbm>>
        tpu.wait_dma2 semaphore(%arg8 : memref<!tpu.dma_semaphore, #tpu.memory_space<semaphore_mem>>) src(%dma_wait3A_391 : memref<2x128xi32, #tpu.memory_space<hbm>>) dst(%dma_wait3A_387 : memref<2x128xi32, #tpu.memory_space<vmem>>)
        %add3A_392 = arith.constant 1 : i32
        %add3A_393 = arith.addi %while3A_345, %add3A_392 : i32
        %rem3A_394 = arith.constant 4 : i32
        %rem3A_395 = arith.remsi %add3A_393, %rem3A_394 : i32
        %sub3A = arith.constant 1 : i32
        %sub3A_396 = arith.subi %sub3A, %rem3A_346 : i32
        %dma_start3A_397 = arith.constant 0 : i32
        %dma_start3A_398 = arith.constant 0 : i32
        %dma_start3A_399 = arith.constant 0 : i32
        %dma_start3A_400 = tpu.memref_slice %arg7[%sub3A_396, %dma_start3A_398, %dma_start3A_399] : memref<2x128x128xf32, #tpu.memory_space<vmem>> -> memref<1x128x128xf32, #tpu.memory_space<vmem>>
        %dma_start3A_401 = tpu.memref_squeeze %dma_start3A_400 : memref<1x128x128xf32, #tpu.memory_space<vmem>> -> memref<128x128xf32, #tpu.memory_space<vmem>>
        %dma_start3A_402 = arith.constant 0 : i32
        %dma_start3A_403 = tpu.memref_slice %arg6[%rem3A_395, %dma_start3A_397, %dma_start3A_402] : memref<4x2x128xi32, #tpu.memory_space<vmem>> -> memref<1x1x128xi32, #tpu.memory_space<vmem>>
        %dma_start3A_404 = tpu.memref_squeeze %dma_start3A_403 : memref<1x1x128xi32, #tpu.memory_space<vmem>> -> memref<128xi32, #tpu.memory_space<vmem>>
        %dma_start3A_405 = arith.constant 0 : i32
        %dma_start3A_406 = arith.constant 0 : i32
        %dma_start3A_407 = tpu.memref_slice %arg2[%dma_start3A_405, %dma_start3A_406] : memref<10240x128xf32, #tpu.memory_space<hbm>> -> memref<10240x128xf32, #tpu.memory_space<hbm>>
        tpu.enqueue_indirect_dma source(%dma_start3A_407 : memref<10240x128xf32, #tpu.memory_space<hbm>>) target(%dma_start3A_401 : memref<128x128xf32, #tpu.memory_space<vmem>>) offsets(%dma_start3A_404 : memref<128xi32, #tpu.memory_space<vmem>>) semaphore(%arg9 : memref<!tpu.dma_semaphore, #tpu.memory_space<semaphore_mem>>)
      } else {
      }
      %dma_wait3A_358 = arith.constant 0 : i32
      %dma_wait3A_359 = arith.constant 0 : i32
      %dma_wait3A_360 = arith.constant 0 : i32
      %dma_wait3A_361 = tpu.memref_slice %arg7[%rem3A_346, %dma_wait3A_359, %dma_wait3A_360] : memref<2x128x128xf32, #tpu.memory_space<vmem>> -> memref<1x128x128xf32, #tpu.memory_space<vmem>>
      %dma_wait3A_362 = tpu.memref_squeeze %dma_wait3A_361 : memref<1x128x128xf32, #tpu.memory_space<vmem>> -> memref<128x128xf32, #tpu.memory_space<vmem>>
      %dma_wait3A_363 = arith.constant 0 : i32
      %dma_wait3A_364 = tpu.memref_slice %arg6[%rem3A_348, %dma_wait3A_358, %dma_wait3A_363] : memref<4x2x128xi32, #tpu.memory_space<vmem>> -> memref<1x1x128xi32, #tpu.memory_space<vmem>>
      %dma_wait3A_365 = tpu.memref_squeeze %dma_wait3A_364 : memref<1x1x128xi32, #tpu.memory_space<vmem>> -> memref<128xi32, #tpu.memory_space<vmem>>
      %dma_wait3A_366 = arith.constant 0 : i32
      %dma_wait3A_367 = arith.constant 0 : i32
      %dma_wait3A_368 = tpu.memref_slice %arg2[%dma_wait3A_366, %dma_wait3A_367] : memref<10240x128xf32, #tpu.memory_space<hbm>> -> memref<10240x128xf32, #tpu.memory_space<hbm>>
      tpu.wait_indirect_dma semaphore(%arg9 : memref<!tpu.dma_semaphore, #tpu.memory_space<semaphore_mem>>) src(%dma_wait3A_368 : memref<10240x128xf32, #tpu.memory_space<hbm>>) dst(%dma_wait3A_362 : memref<128x128xf32, #tpu.memory_space<vmem>>)
      %run_scoped3A = arith.constant 1 : i32
      "tpu.region"() ({
        %run_scoped3A_369 = tpu.sem_alloc : memref<!tpu.dma_semaphore, #tpu.memory_space<semaphore_mem>>
        %dma_start3A_370 = arith.constant 0 : i32
        %dma_start3A_371 = arith.constant 0 : i32
        %dma_start3A_372 = tpu.memref_slice %arg7[%rem3A_346, %dma_start3A_370, %dma_start3A_371] : memref<2x128x128xf32, #tpu.memory_space<vmem>> -> memref<1x128x128xf32, #tpu.memory_space<vmem>>
        %dma_start3A_373 = tpu.memref_squeeze %dma_start3A_372 : memref<1x128x128xf32, #tpu.memory_space<vmem>> -> memref<128x128xf32, #tpu.memory_space<vmem>>
        %dma_start3A_374 = arith.constant 0 : i32
        %dma_start3A_375 = tpu.memref_slice %arg6[%rem3A_348, %run_scoped3A, %dma_start3A_374] : memref<4x2x128xi32, #tpu.memory_space<vmem>> -> memref<1x1x128xi32, #tpu.memory_space<vmem>>
        %dma_start3A_376 = tpu.memref_squeeze %dma_start3A_375 : memref<1x1x128xi32, #tpu.memory_space<vmem>> -> memref<128xi32, #tpu.memory_space<vmem>>
        %dma_start3A_377 = arith.constant 0 : i32
        %dma_start3A_378 = arith.constant 0 : i32
        %dma_start3A_379 = tpu.memref_slice %arg5[%dma_start3A_377, %dma_start3A_378] : memref<10240x128xf32, #tpu.memory_space<vmem_shared>> -> memref<10240x128xf32, #tpu.memory_space<vmem_shared>>
        tpu.enqueue_indirect_dma source(%dma_start3A_373 : memref<128x128xf32, #tpu.memory_space<vmem>>) target(%dma_start3A_379 : memref<10240x128xf32, #tpu.memory_space<vmem_shared>>) offsets(%dma_start3A_376 : memref<128xi32, #tpu.memory_space<vmem>>) semaphore(%run_scoped3A_369 : memref<!tpu.dma_semaphore, #tpu.memory_space<semaphore_mem>>) {add = true}
        %dma_wait3A_380 = arith.constant 0 : i32
        %dma_wait3A_381 = arith.constant 0 : i32
        %dma_wait3A_382 = tpu.memref_slice %arg7[%rem3A_346, %dma_wait3A_380, %dma_wait3A_381] : memref<2x128x128xf32, #tpu.memory_space<vmem>> -> memref<1x128x128xf32, #tpu.memory_space<vmem>>
        %dma_wait3A_383 = tpu.memref_squeeze %dma_wait3A_382 : memref<1x128x128xf32, #tpu.memory_space<vmem>> -> memref<128x128xf32, #tpu.memory_space<vmem>>
        %dma_wait3A_384 = arith.constant 0 : i32
        %dma_wait3A_385 = tpu.memref_slice %arg6[%rem3A_348, %run_scoped3A, %dma_wait3A_384] : memref<4x2x128xi32, #tpu.memory_space<vmem>> -> memref<1x1x128xi32, #tpu.memory_space<vmem>>
        %dma_wait3A_386 = tpu.memref_squeeze %dma_wait3A_385 : memref<1x1x128xi32, #tpu.memory_space<vmem>> -> memref<128xi32, #tpu.memory_space<vmem>>
        %dma_wait3A_387 = arith.constant 0 : i32
        %dma_wait3A_388 = arith.constant 0 : i32
        %dma_wait3A_389 = tpu.memref_slice %arg5[%dma_wait3A_387, %dma_wait3A_388] : memref<10240x128xf32, #tpu.memory_space<vmem_shared>> -> memref<10240x128xf32, #tpu.memory_space<vmem_shared>>
        tpu.wait_indirect_dma semaphore(%run_scoped3A_369 : memref<!tpu.dma_semaphore, #tpu.memory_space<semaphore_mem>>) src(%dma_wait3A_383 : memref<128x128xf32, #tpu.memory_space<vmem>>) dst(%dma_wait3A_389 : memref<10240x128xf32, #tpu.memory_space<vmem_shared>>)
        tpu.yield
      }) : () -> ()
    }
    %barrier3A_254 = arith.constant 0 : index
    tpu.barrier barrier_id(%barrier3A_254)
    %mul3A_255 = arith.constant 640 : i32
    %mul3A_256 = arith.muli %arg1, %mul3A_255 : i32
    %add3A_257 = arith.constant 0 : i32
    %add3A_258 = arith.addi %mul3A_256, %add3A_257 : i32
    %dma_start3A_259 = arith.constant 0 : i32
    %dma_start3A_260 = tpu.memref_slice %arg4[%arg0, %add3A_258, %dma_start3A_259] : memref<2x10240x128xf32, #tpu.memory_space<hbm>> -> memref<1x128x128xf32, #tpu.memory_space<hbm>>
    %dma_start3A_261 = tpu.memref_squeeze %dma_start3A_260 : memref<1x128x128xf32, #tpu.memory_space<hbm>> -> memref<128x128xf32, #tpu.memory_space<hbm>>
    %dma_start3A_262 = arith.constant 0 : i32
    %dma_start3A_263 = tpu.memref_slice %arg5[%add3A_258, %dma_start3A_262] : memref<10240x128xf32, #tpu.memory_space<vmem_shared>> -> memref<128x128xf32, #tpu.memory_space<vmem_shared>>
    tpu.enqueue_dma source(%dma_start3A_263 : memref<128x128xf32, #tpu.memory_space<vmem_shared>>) target(%dma_start3A_261 : memref<128x128xf32, #tpu.memory_space<hbm>>) target_semaphore(%arg8 : memref<!tpu.dma_semaphore, #tpu.memory_space<semaphore_mem>>)
    %mul3A_264 = arith.constant 640 : i32
    %mul3A_265 = arith.muli %arg1, %mul3A_264 : i32
    %add3A_266 = arith.constant 128 : i32
    %add3A_267 = arith.addi %mul3A_265, %add3A_266 : i32
    %dma_start3A_268 = arith.constant 0 : i32
    %dma_start3A_269 = tpu.memref_slice %arg4[%arg0, %add3A_267, %dma_start3A_268] : memref<2x10240x128xf32, #tpu.memory_space<hbm>> -> memref<1x128x128xf32, #tpu.memory_space<hbm>>
    %dma_start3A_270 = tpu.memref_squeeze %dma_start3A_269 : memref<1x128x128xf32, #tpu.memory_space<hbm>> -> memref<128x128xf32, #tpu.memory_space<hbm>>
    %dma_start3A_271 = arith.constant 0 : i32
    %dma_start3A_272 = tpu.memref_slice %arg5[%add3A_267, %dma_start3A_271] : memref<10240x128xf32, #tpu.memory_space<vmem_shared>> -> memref<128x128xf32, #tpu.memory_space<vmem_shared>>
    tpu.enqueue_dma source(%dma_start3A_272 : memref<128x128xf32, #tpu.memory_space<vmem_shared>>) target(%dma_start3A_270 : memref<128x128xf32, #tpu.memory_space<hbm>>) target_semaphore(%arg8 : memref<!tpu.dma_semaphore, #tpu.memory_space<semaphore_mem>>)
    %mul3A_273 = arith.constant 640 : i32
    %mul3A_274 = arith.muli %arg1, %mul3A_273 : i32
    %add3A_275 = arith.constant 256 : i32
    %add3A_276 = arith.addi %mul3A_274, %add3A_275 : i32
    %dma_start3A_277 = arith.constant 0 : i32
    %dma_start3A_278 = tpu.memref_slice %arg4[%arg0, %add3A_276, %dma_start3A_277] : memref<2x10240x128xf32, #tpu.memory_space<hbm>> -> memref<1x128x128xf32, #tpu.memory_space<hbm>>
    %dma_start3A_279 = tpu.memref_squeeze %dma_start3A_278 : memref<1x128x128xf32, #tpu.memory_space<hbm>> -> memref<128x128xf32, #tpu.memory_space<hbm>>
    %dma_start3A_280 = arith.constant 0 : i32
    %dma_start3A_281 = tpu.memref_slice %arg5[%add3A_276, %dma_start3A_280] : memref<10240x128xf32, #tpu.memory_space<vmem_shared>> -> memref<128x128xf32, #tpu.memory_space<vmem_shared>>
    tpu.enqueue_dma source(%dma_start3A_281 : memref<128x128xf32, #tpu.memory_space<vmem_shared>>) target(%dma_start3A_279 : memref<128x128xf32, #tpu.memory_space<hbm>>) target_semaphore(%arg8 : memref<!tpu.dma_semaphore, #tpu.memory_space<semaphore_mem>>)
    %mul3A_282 = arith.constant 640 : i32
    %mul3A_283 = arith.muli %arg1, %mul3A_282 : i32
    %add3A_284 = arith.constant 384 : i32
    %add3A_285 = arith.addi %mul3A_283, %add3A_284 : i32
    %dma_start3A_286 = arith.constant 0 : i32
    %dma_start3A_287 = tpu.memref_slice %arg4[%arg0, %add3A_285, %dma_start3A_286] : memref<2x10240x128xf32, #tpu.memory_space<hbm>> -> memref<1x128x128xf32, #tpu.memory_space<hbm>>
    %dma_start3A_288 = tpu.memref_squeeze %dma_start3A_287 : memref<1x128x128xf32, #tpu.memory_space<hbm>> -> memref<128x128xf32, #tpu.memory_space<hbm>>
    %dma_start3A_289 = arith.constant 0 : i32
    %dma_start3A_290 = tpu.memref_slice %arg5[%add3A_285, %dma_start3A_289] : memref<10240x128xf32, #tpu.memory_space<vmem_shared>> -> memref<128x128xf32, #tpu.memory_space<vmem_shared>>
    tpu.enqueue_dma source(%dma_start3A_290 : memref<128x128xf32, #tpu.memory_space<vmem_shared>>) target(%dma_start3A_288 : memref<128x128xf32, #tpu.memory_space<hbm>>) target_semaphore(%arg8 : memref<!tpu.dma_semaphore, #tpu.memory_space<semaphore_mem>>)
    %mul3A_291 = arith.constant 640 : i32
    %mul3A_292 = arith.muli %arg1, %mul3A_291 : i32
    %add3A_293 = arith.constant 512 : i32
    %add3A_294 = arith.addi %mul3A_292, %add3A_293 : i32
    %dma_start3A_295 = arith.constant 0 : i32
    %dma_start3A_296 = tpu.memref_slice %arg4[%arg0, %add3A_294, %dma_start3A_295] : memref<2x10240x128xf32, #tpu.memory_space<hbm>> -> memref<1x128x128xf32, #tpu.memory_space<hbm>>
    %dma_start3A_297 = tpu.memref_squeeze %dma_start3A_296 : memref<1x128x128xf32, #tpu.memory_space<hbm>> -> memref<128x128xf32, #tpu.memory_space<hbm>>
    %dma_start3A_298 = arith.constant 0 : i32
    %dma_start3A_299 = tpu.memref_slice %arg5[%add3A_294, %dma_start3A_298] : memref<10240x128xf32, #tpu.memory_space<vmem_shared>> -> memref<128x128xf32, #tpu.memory_space<vmem_shared>>
    tpu.enqueue_dma source(%dma_start3A_299 : memref<128x128xf32, #tpu.memory_space<vmem_shared>>) target(%dma_start3A_297 : memref<128x128xf32, #tpu.memory_space<hbm>>) target_semaphore(%arg8 : memref<!tpu.dma_semaphore, #tpu.memory_space<semaphore_mem>>)
    %mul3A_300 = arith.constant 640 : i32
    %mul3A_301 = arith.muli %arg1, %mul3A_300 : i32
    %add3A_302 = arith.constant 0 : i32
    %add3A_303 = arith.addi %mul3A_301, %add3A_302 : i32
    %dma_wait3A_304 = arith.constant 0 : i32
    %dma_wait3A_305 = tpu.memref_slice %arg4[%arg0, %add3A_303, %dma_wait3A_304] : memref<2x10240x128xf32, #tpu.memory_space<hbm>> -> memref<1x128x128xf32, #tpu.memory_space<hbm>>
    %dma_wait3A_306 = tpu.memref_squeeze %dma_wait3A_305 : memref<1x128x128xf32, #tpu.memory_space<hbm>> -> memref<128x128xf32, #tpu.memory_space<hbm>>
    %dma_wait3A_307 = arith.constant 0 : i32
    %dma_wait3A_308 = tpu.memref_slice %arg5[%add3A_303, %dma_wait3A_307] : memref<10240x128xf32, #tpu.memory_space<vmem_shared>> -> memref<128x128xf32, #tpu.memory_space<vmem_shared>>
    tpu.wait_dma2 semaphore(%arg8 : memref<!tpu.dma_semaphore, #tpu.memory_space<semaphore_mem>>) src(%dma_wait3A_308 : memref<128x128xf32, #tpu.memory_space<vmem_shared>>) dst(%dma_wait3A_306 : memref<128x128xf32, #tpu.memory_space<hbm>>)
    %mul3A_309 = arith.constant 640 : i32
    %mul3A_310 = arith.muli %arg1, %mul3A_309 : i32
    %add3A_311 = arith.constant 128 : i32
    %add3A_312 = arith.addi %mul3A_310, %add3A_311 : i32
    %dma_wait3A_313 = arith.constant 0 : i32
    %dma_wait3A_314 = tpu.memref_slice %arg4[%arg0, %add3A_312, %dma_wait3A_313] : memref<2x10240x128xf32, #tpu.memory_space<hbm>> -> memref<1x128x128xf32, #tpu.memory_space<hbm>>
    %dma_wait3A_315 = tpu.memref_squeeze %dma_wait3A_314 : memref<1x128x128xf32, #tpu.memory_space<hbm>> -> memref<128x128xf32, #tpu.memory_space<hbm>>
    %dma_wait3A_316 = arith.constant 0 : i32
    %dma_wait3A_317 = tpu.memref_slice %arg5[%add3A_312, %dma_wait3A_316] : memref<10240x128xf32, #tpu.memory_space<vmem_shared>> -> memref<128x128xf32, #tpu.memory_space<vmem_shared>>
    tpu.wait_dma2 semaphore(%arg8 : memref<!tpu.dma_semaphore, #tpu.memory_space<semaphore_mem>>) src(%dma_wait3A_317 : memref<128x128xf32, #tpu.memory_space<vmem_shared>>) dst(%dma_wait3A_315 : memref<128x128xf32, #tpu.memory_space<hbm>>)
    %mul3A_318 = arith.constant 640 : i32
    %mul3A_319 = arith.muli %arg1, %mul3A_318 : i32
    %add3A_320 = arith.constant 256 : i32
    %add3A_321 = arith.addi %mul3A_319, %add3A_320 : i32
    %dma_wait3A_322 = arith.constant 0 : i32
    %dma_wait3A_323 = tpu.memref_slice %arg4[%arg0, %add3A_321, %dma_wait3A_322] : memref<2x10240x128xf32, #tpu.memory_space<hbm>> -> memref<1x128x128xf32, #tpu.memory_space<hbm>>
    %dma_wait3A_324 = tpu.memref_squeeze %dma_wait3A_323 : memref<1x128x128xf32, #tpu.memory_space<hbm>> -> memref<128x128xf32, #tpu.memory_space<hbm>>
    %dma_wait3A_325 = arith.constant 0 : i32
    %dma_wait3A_326 = tpu.memref_slice %arg5[%add3A_321, %dma_wait3A_325] : memref<10240x128xf32, #tpu.memory_space<vmem_shared>> -> memref<128x128xf32, #tpu.memory_space<vmem_shared>>
    tpu.wait_dma2 semaphore(%arg8 : memref<!tpu.dma_semaphore, #tpu.memory_space<semaphore_mem>>) src(%dma_wait3A_326 : memref<128x128xf32, #tpu.memory_space<vmem_shared>>) dst(%dma_wait3A_324 : memref<128x128xf32, #tpu.memory_space<hbm>>)
    %mul3A_327 = arith.constant 640 : i32
    %mul3A_328 = arith.muli %arg1, %mul3A_327 : i32
    %add3A_329 = arith.constant 384 : i32
    %add3A_330 = arith.addi %mul3A_328, %add3A_329 : i32
    %dma_wait3A_331 = arith.constant 0 : i32
    %dma_wait3A_332 = tpu.memref_slice %arg4[%arg0, %add3A_330, %dma_wait3A_331] : memref<2x10240x128xf32, #tpu.memory_space<hbm>> -> memref<1x128x128xf32, #tpu.memory_space<hbm>>
    %dma_wait3A_333 = tpu.memref_squeeze %dma_wait3A_332 : memref<1x128x128xf32, #tpu.memory_space<hbm>> -> memref<128x128xf32, #tpu.memory_space<hbm>>
    %dma_wait3A_334 = arith.constant 0 : i32
    %dma_wait3A_335 = tpu.memref_slice %arg5[%add3A_330, %dma_wait3A_334] : memref<10240x128xf32, #tpu.memory_space<vmem_shared>> -> memref<128x128xf32, #tpu.memory_space<vmem_shared>>
    tpu.wait_dma2 semaphore(%arg8 : memref<!tpu.dma_semaphore, #tpu.memory_space<semaphore_mem>>) src(%dma_wait3A_335 : memref<128x128xf32, #tpu.memory_space<vmem_shared>>) dst(%dma_wait3A_333 : memref<128x128xf32, #tpu.memory_space<hbm>>)
    %mul3A_336 = arith.constant 640 : i32
    %mul3A_337 = arith.muli %arg1, %mul3A_336 : i32
    %add3A_338 = arith.constant 512 : i32
    %add3A_339 = arith.addi %mul3A_337, %add3A_338 : i32
    %dma_wait3A_340 = arith.constant 0 : i32
    %dma_wait3A_341 = tpu.memref_slice %arg4[%arg0, %add3A_339, %dma_wait3A_340] : memref<2x10240x128xf32, #tpu.memory_space<hbm>> -> memref<1x128x128xf32, #tpu.memory_space<hbm>>
    %dma_wait3A_342 = tpu.memref_squeeze %dma_wait3A_341 : memref<1x128x128xf32, #tpu.memory_space<hbm>> -> memref<128x128xf32, #tpu.memory_space<hbm>>
    %dma_wait3A_343 = arith.constant 0 : i32
    %dma_wait3A_344 = tpu.memref_slice %arg5[%add3A_339, %dma_wait3A_343] : memref<10240x128xf32, #tpu.memory_space<vmem_shared>> -> memref<128x128xf32, #tpu.memory_space<vmem_shared>>
    tpu.wait_dma2 semaphore(%arg8 : memref<!tpu.dma_semaphore, #tpu.memory_space<semaphore_mem>>) src(%dma_wait3A_344 : memref<128x128xf32, #tpu.memory_space<vmem_shared>>) dst(%dma_wait3A_342 : memref<128x128xf32, #tpu.memory_space<hbm>>)
    return
  }
}

#map = affine_map<(d0, d1) -> (0, 0)>
#map1 = affine_map<(d0, d1) -> (0, 0, 0, 0)>
#map2 = affine_map<(d0, d1) -> (0, 0, 0)>
module attributes {stable_mosaic.version = 14 : i64} {
  func.func @_seg_body(%arg0: i32, %arg1: i32, %arg2: memref<10240x128xf32, #tpu.memory_space<hbm>>, %arg3: memref<16x157x2x128xi32, #tpu.memory_space<hbm>>, %arg4: memref<2x10240x128xf32, #tpu.memory_space<hbm>>, %arg5: memref<10240x128xf32, #tpu.memory_space<vmem_shared>>, %arg6: memref<4x2x128xi32, #tpu.memory_space<vmem>>, %arg7: memref<2x128x128xf32, #tpu.memory_space<vmem>>, %arg8: memref<!tpu.dma_semaphore, #tpu.memory_space<semaphore_mem>>, %arg9: memref<!tpu.dma_semaphore, #tpu.memory_space<semaphore_mem>>) attributes {dimension_semantics = [#tpu.dimension_semantics<core_parallel>, #tpu.dimension_semantics<subcore_parallel>], iteration_bounds = array<i64: 2, 16>, scalar_prefetch = 0 : i64, scratch_operands = 5 : i64, tpu.core_type = #tpu.core_type<sc_vector_subcore>, window_params = [{transform_indices = #map}, {transform_indices = #map1}, {transform_indices = #map2}]} {
    %scan3A = arith.constant 0 : i32
    %scan3A_0 = arith.constant 0 : i32
    %scan3A_1 = arith.constant 128 : i32
    %scan3A_2 = arith.addi %scan3A_0, %scan3A_1 : i32
    %scan3A_3 = arith.constant 1 : i32
    scf.for %scan3A_345 = %scan3A_0 to %scan3A_2 step %scan3A_3  : i32 {
      %broadcast_in_dim3A = arith.constant 0.000000e+00 : f32
      %broadcast_in_dim3A_346 = vector.broadcast %broadcast_in_dim3A : f32 to vector<16xf32>
      %swap3A = arith.constant 0 : i32
      %swap3A_347 = arith.index_cast %swap3A : i32 to index
      %swap3A_348 = arith.index_cast %scan3A_345 : i32 to index
      %swap3A_349 = arith.constant 0 : index
      %swap3A_350 = tpu.vector_load %arg7[%swap3A_347, %swap3A_348, %swap3A_349] {strides = array<i32>} : memref<2x128x128xf32, #tpu.memory_space<vmem>>, vector<1x1x16xf32>,
      %swap3A_351 = vector.shape_cast %swap3A_350 : vector<1x1x16xf32> to vector<16xf32>
      %swap3A_352 = vector.shape_cast %broadcast_in_dim3A_346 : vector<16xf32> to vector<1x1x16xf32>
      tpu.vector_store %arg7[%swap3A_347, %swap3A_348, %swap3A_349], %swap3A_352 {strides = array<i32>} : memref<2x128x128xf32, #tpu.memory_space<vmem>>, vector<1x1x16xf32>,
      %broadcast_in_dim3A_353 = arith.constant 0.000000e+00 : f32
      %broadcast_in_dim3A_354 = vector.broadcast %broadcast_in_dim3A_353 : f32 to vector<16xf32>
      %swap3A_355 = arith.constant 0 : i32
      %swap3A_356 = arith.index_cast %swap3A_355 : i32 to index
      %swap3A_357 = arith.index_cast %scan3A_345 : i32 to index
      %swap3A_358 = arith.constant 16 : index
      %swap3A_359 = tpu.vector_load %arg7[%swap3A_356, %swap3A_357, %swap3A_358] {strides = array<i32>} : memref<2x128x128xf32, #tpu.memory_space<vmem>>, vector<1x1x16xf32>,
      %swap3A_360 = vector.shape_cast %swap3A_359 : vector<1x1x16xf32> to vector<16xf32>
      %swap3A_361 = vector.shape_cast %broadcast_in_dim3A_354 : vector<16xf32> to vector<1x1x16xf32>
      tpu.vector_store %arg7[%swap3A_356, %swap3A_357, %swap3A_358], %swap3A_361 {strides = array<i32>} : memref<2x128x128xf32, #tpu.memory_space<vmem>>, vector<1x1x16xf32>,
      %broadcast_in_dim3A_362 = arith.constant 0.000000e+00 : f32
      %broadcast_in_dim3A_363 = vector.broadcast %broadcast_in_dim3A_362 : f32 to vector<16xf32>
      %swap3A_364 = arith.constant 0 : i32
      %swap3A_365 = arith.index_cast %swap3A_364 : i32 to index
      %swap3A_366 = arith.index_cast %scan3A_345 : i32 to index
      %swap3A_367 = arith.constant 32 : index
      %swap3A_368 = tpu.vector_load %arg7[%swap3A_365, %swap3A_366, %swap3A_367] {strides = array<i32>} : memref<2x128x128xf32, #tpu.memory_space<vmem>>, vector<1x1x16xf32>,
      %swap3A_369 = vector.shape_cast %swap3A_368 : vector<1x1x16xf32> to vector<16xf32>
      %swap3A_370 = vector.shape_cast %broadcast_in_dim3A_363 : vector<16xf32> to vector<1x1x16xf32>
      tpu.vector_store %arg7[%swap3A_365, %swap3A_366, %swap3A_367], %swap3A_370 {strides = array<i32>} : memref<2x128x128xf32, #tpu.memory_space<vmem>>, vector<1x1x16xf32>,
      %broadcast_in_dim3A_371 = arith.constant 0.000000e+00 : f32
      %broadcast_in_dim3A_372 = vector.broadcast %broadcast_in_dim3A_371 : f32 to vector<16xf32>
      %swap3A_373 = arith.constant 0 : i32
      %swap3A_374 = arith.index_cast %swap3A_373 : i32 to index
      %swap3A_375 = arith.index_cast %scan3A_345 : i32 to index
      %swap3A_376 = arith.constant 48 : index
      %swap3A_377 = tpu.vector_load %arg7[%swap3A_374, %swap3A_375, %swap3A_376] {strides = array<i32>} : memref<2x128x128xf32, #tpu.memory_space<vmem>>, vector<1x1x16xf32>,
      %swap3A_378 = vector.shape_cast %swap3A_377 : vector<1x1x16xf32> to vector<16xf32>
      %swap3A_379 = vector.shape_cast %broadcast_in_dim3A_372 : vector<16xf32> to vector<1x1x16xf32>
      tpu.vector_store %arg7[%swap3A_374, %swap3A_375, %swap3A_376], %swap3A_379 {strides = array<i32>} : memref<2x128x128xf32, #tpu.memory_space<vmem>>, vector<1x1x16xf32>,
      %broadcast_in_dim3A_380 = arith.constant 0.000000e+00 : f32
      %broadcast_in_dim3A_381 = vector.broadcast %broadcast_in_dim3A_380 : f32 to vector<16xf32>
      %swap3A_382 = arith.constant 0 : i32
      %swap3A_383 = arith.index_cast %swap3A_382 : i32 to index
      %swap3A_384 = arith.index_cast %scan3A_345 : i32 to index
      %swap3A_385 = arith.constant 64 : index
      %swap3A_386 = tpu.vector_load %arg7[%swap3A_383, %swap3A_384, %swap3A_385] {strides = array<i32>} : memref<2x128x128xf32, #tpu.memory_space<vmem>>, vector<1x1x16xf32>,
      %swap3A_387 = vector.shape_cast %swap3A_386 : vector<1x1x16xf32> to vector<16xf32>
      %swap3A_388 = vector.shape_cast %broadcast_in_dim3A_381 : vector<16xf32> to vector<1x1x16xf32>
      tpu.vector_store %arg7[%swap3A_383, %swap3A_384, %swap3A_385], %swap3A_388 {strides = array<i32>} : memref<2x128x128xf32, #tpu.memory_space<vmem>>, vector<1x1x16xf32>,
      %broadcast_in_dim3A_389 = arith.constant 0.000000e+00 : f32
      %broadcast_in_dim3A_390 = vector.broadcast %broadcast_in_dim3A_389 : f32 to vector<16xf32>
      %swap3A_391 = arith.constant 0 : i32
      %swap3A_392 = arith.index_cast %swap3A_391 : i32 to index
      %swap3A_393 = arith.index_cast %scan3A_345 : i32 to index
      %swap3A_394 = arith.constant 80 : index
      %swap3A_395 = tpu.vector_load %arg7[%swap3A_392, %swap3A_393, %swap3A_394] {strides = array<i32>} : memref<2x128x128xf32, #tpu.memory_space<vmem>>, vector<1x1x16xf32>,
      %swap3A_396 = vector.shape_cast %swap3A_395 : vector<1x1x16xf32> to vector<16xf32>
      %swap3A_397 = vector.shape_cast %broadcast_in_dim3A_390 : vector<16xf32> to vector<1x1x16xf32>
      tpu.vector_store %arg7[%swap3A_392, %swap3A_393, %swap3A_394], %swap3A_397 {strides = array<i32>} : memref<2x128x128xf32, #tpu.memory_space<vmem>>, vector<1x1x16xf32>,
      %broadcast_in_dim3A_398 = arith.constant 0.000000e+00 : f32
      %broadcast_in_dim3A_399 = vector.broadcast %broadcast_in_dim3A_398 : f32 to vector<16xf32>
      %swap3A_400 = arith.constant 0 : i32
      %swap3A_401 = arith.index_cast %swap3A_400 : i32 to index
      %swap3A_402 = arith.index_cast %scan3A_345 : i32 to index
      %swap3A_403 = arith.constant 96 : index
      %swap3A_404 = tpu.vector_load %arg7[%swap3A_401, %swap3A_402, %swap3A_403] {strides = array<i32>} : memref<2x128x128xf32, #tpu.memory_space<vmem>>, vector<1x1x16xf32>,
      %swap3A_405 = vector.shape_cast %swap3A_404 : vector<1x1x16xf32> to vector<16xf32>
      %swap3A_406 = vector.shape_cast %broadcast_in_dim3A_399 : vector<16xf32> to vector<1x1x16xf32>
      tpu.vector_store %arg7[%swap3A_401, %swap3A_402, %swap3A_403], %swap3A_406 {strides = array<i32>} : memref<2x128x128xf32, #tpu.memory_space<vmem>>, vector<1x1x16xf32>,
      %broadcast_in_dim3A_407 = arith.constant 0.000000e+00 : f32
      %broadcast_in_dim3A_408 = vector.broadcast %broadcast_in_dim3A_407 : f32 to vector<16xf32>
      %swap3A_409 = arith.constant 0 : i32
      %swap3A_410 = arith.index_cast %swap3A_409 : i32 to index
      %swap3A_411 = arith.index_cast %scan3A_345 : i32 to index
      %swap3A_412 = arith.constant 112 : index
      %swap3A_413 = tpu.vector_load %arg7[%swap3A_410, %swap3A_411, %swap3A_412] {strides = array<i32>} : memref<2x128x128xf32, #tpu.memory_space<vmem>>, vector<1x1x16xf32>,
      %swap3A_414 = vector.shape_cast %swap3A_413 : vector<1x1x16xf32> to vector<16xf32>
      %swap3A_415 = vector.shape_cast %broadcast_in_dim3A_408 : vector<16xf32> to vector<1x1x16xf32>
      tpu.vector_store %arg7[%swap3A_410, %swap3A_411, %swap3A_412], %swap3A_415 {strides = array<i32>} : memref<2x128x128xf32, #tpu.memory_space<vmem>>, vector<1x1x16xf32>,
    }
    %scan3A_4 = arith.constant 128 : i32
    %mul3A = arith.constant 640 : i32
    %mul3A_5 = arith.muli %arg1, %mul3A : i32
    %add3A = arith.constant 0 : i32
    %add3A_6 = arith.addi %mul3A_5, %add3A : i32
    %dma_start3A = arith.constant 0 : i32
    %dma_start3A_7 = arith.constant 0 : i32
    %dma_start3A_8 = arith.constant 0 : i32
    %dma_start3A_9 = tpu.memref_slice %arg7[%dma_start3A, %dma_start3A_7, %dma_start3A_8] : memref<2x128x128xf32, #tpu.memory_space<vmem>> -> memref<1x128x128xf32, #tpu.memory_space<vmem>>
    %dma_start3A_10 = tpu.memref_squeeze %dma_start3A_9 : memref<1x128x128xf32, #tpu.memory_space<vmem>> -> memref<128x128xf32, #tpu.memory_space<vmem>>
    %dma_start3A_11 = arith.constant 0 : i32
    %dma_start3A_12 = tpu.memref_slice %arg5[%add3A_6, %dma_start3A_11] : memref<10240x128xf32, #tpu.memory_space<vmem_shared>> -> memref<128x128xf32, #tpu.memory_space<vmem_shared>>
    %dma_start3A_13 = arith.constant 0 : i32
    %dma_start3A_14 = tpu.memref_slice %arg5[%add3A_6, %dma_start3A_13] : memref<10240x128xf32, #tpu.memory_space<vmem_shared>> -> memref<128x128xf32, #tpu.memory_space<vmem_shared>>
    %dma_start3A_15 = arith.constant 0 : i32
    %dma_start3A_16 = arith.constant 0 : i32
    %dma_start3A_17 = tpu.memref_slice %arg7[%dma_start3A, %dma_start3A_15, %dma_start3A_16] : memref<2x128x128xf32, #tpu.memory_space<vmem>> -> memref<1x128x128xf32, #tpu.memory_space<vmem>>
    %dma_start3A_18 = tpu.memref_squeeze %dma_start3A_17 : memref<1x128x128xf32, #tpu.memory_space<vmem>> -> memref<128x128xf32, #tpu.memory_space<vmem>>
    tpu.enqueue_dma source(%dma_start3A_18 : memref<128x128xf32, #tpu.memory_space<vmem>>) target(%dma_start3A_14 : memref<128x128xf32, #tpu.memory_space<vmem_shared>>) target_semaphore(%arg8 : memref<!tpu.dma_semaphore, #tpu.memory_space<semaphore_mem>>)
    %mul3A_19 = arith.constant 640 : i32
    %mul3A_20 = arith.muli %arg1, %mul3A_19 : i32
    %add3A_21 = arith.constant 128 : i32
    %add3A_22 = arith.addi %mul3A_20, %add3A_21 : i32
    %dma_start3A_23 = arith.constant 0 : i32
    %dma_start3A_24 = arith.constant 0 : i32
    %dma_start3A_25 = arith.constant 0 : i32
    %dma_start3A_26 = tpu.memref_slice %arg7[%dma_start3A_23, %dma_start3A_24, %dma_start3A_25] : memref<2x128x128xf32, #tpu.memory_space<vmem>> -> memref<1x128x128xf32, #tpu.memory_space<vmem>>
    %dma_start3A_27 = tpu.memref_squeeze %dma_start3A_26 : memref<1x128x128xf32, #tpu.memory_space<vmem>> -> memref<128x128xf32, #tpu.memory_space<vmem>>
    %dma_start3A_28 = arith.constant 0 : i32
    %dma_start3A_29 = tpu.memref_slice %arg5[%add3A_22, %dma_start3A_28] : memref<10240x128xf32, #tpu.memory_space<vmem_shared>> -> memref<128x128xf32, #tpu.memory_space<vmem_shared>>
    %dma_start3A_30 = arith.constant 0 : i32
    %dma_start3A_31 = tpu.memref_slice %arg5[%add3A_22, %dma_start3A_30] : memref<10240x128xf32, #tpu.memory_space<vmem_shared>> -> memref<128x128xf32, #tpu.memory_space<vmem_shared>>
    %dma_start3A_32 = arith.constant 0 : i32
    %dma_start3A_33 = arith.constant 0 : i32
    %dma_start3A_34 = tpu.memref_slice %arg7[%dma_start3A_23, %dma_start3A_32, %dma_start3A_33] : memref<2x128x128xf32, #tpu.memory_space<vmem>> -> memref<1x128x128xf32, #tpu.memory_space<vmem>>
    %dma_start3A_35 = tpu.memref_squeeze %dma_start3A_34 : memref<1x128x128xf32, #tpu.memory_space<vmem>> -> memref<128x128xf32, #tpu.memory_space<vmem>>
    tpu.enqueue_dma source(%dma_start3A_35 : memref<128x128xf32, #tpu.memory_space<vmem>>) target(%dma_start3A_31 : memref<128x128xf32, #tpu.memory_space<vmem_shared>>) target_semaphore(%arg8 : memref<!tpu.dma_semaphore, #tpu.memory_space<semaphore_mem>>)
    %mul3A_36 = arith.constant 640 : i32
    %mul3A_37 = arith.muli %arg1, %mul3A_36 : i32
    %add3A_38 = arith.constant 256 : i32
    %add3A_39 = arith.addi %mul3A_37, %add3A_38 : i32
    %dma_start3A_40 = arith.constant 0 : i32
    %dma_start3A_41 = arith.constant 0 : i32
    %dma_start3A_42 = arith.constant 0 : i32
    %dma_start3A_43 = tpu.memref_slice %arg7[%dma_start3A_40, %dma_start3A_41, %dma_start3A_42] : memref<2x128x128xf32, #tpu.memory_space<vmem>> -> memref<1x128x128xf32, #tpu.memory_space<vmem>>
    %dma_start3A_44 = tpu.memref_squeeze %dma_start3A_43 : memref<1x128x128xf32, #tpu.memory_space<vmem>> -> memref<128x128xf32, #tpu.memory_space<vmem>>
    %dma_start3A_45 = arith.constant 0 : i32
    %dma_start3A_46 = tpu.memref_slice %arg5[%add3A_39, %dma_start3A_45] : memref<10240x128xf32, #tpu.memory_space<vmem_shared>> -> memref<128x128xf32, #tpu.memory_space<vmem_shared>>
    %dma_start3A_47 = arith.constant 0 : i32
    %dma_start3A_48 = tpu.memref_slice %arg5[%add3A_39, %dma_start3A_47] : memref<10240x128xf32, #tpu.memory_space<vmem_shared>> -> memref<128x128xf32, #tpu.memory_space<vmem_shared>>
    %dma_start3A_49 = arith.constant 0 : i32
    %dma_start3A_50 = arith.constant 0 : i32
    %dma_start3A_51 = tpu.memref_slice %arg7[%dma_start3A_40, %dma_start3A_49, %dma_start3A_50] : memref<2x128x128xf32, #tpu.memory_space<vmem>> -> memref<1x128x128xf32, #tpu.memory_space<vmem>>
    %dma_start3A_52 = tpu.memref_squeeze %dma_start3A_51 : memref<1x128x128xf32, #tpu.memory_space<vmem>> -> memref<128x128xf32, #tpu.memory_space<vmem>>
    tpu.enqueue_dma source(%dma_start3A_52 : memref<128x128xf32, #tpu.memory_space<vmem>>) target(%dma_start3A_48 : memref<128x128xf32, #tpu.memory_space<vmem_shared>>) target_semaphore(%arg8 : memref<!tpu.dma_semaphore, #tpu.memory_space<semaphore_mem>>)
    %mul3A_53 = arith.constant 640 : i32
    %mul3A_54 = arith.muli %arg1, %mul3A_53 : i32
    %add3A_55 = arith.constant 384 : i32
    %add3A_56 = arith.addi %mul3A_54, %add3A_55 : i32
    %dma_start3A_57 = arith.constant 0 : i32
    %dma_start3A_58 = arith.constant 0 : i32
    %dma_start3A_59 = arith.constant 0 : i32
    %dma_start3A_60 = tpu.memref_slice %arg7[%dma_start3A_57, %dma_start3A_58, %dma_start3A_59] : memref<2x128x128xf32, #tpu.memory_space<vmem>> -> memref<1x128x128xf32, #tpu.memory_space<vmem>>
    %dma_start3A_61 = tpu.memref_squeeze %dma_start3A_60 : memref<1x128x128xf32, #tpu.memory_space<vmem>> -> memref<128x128xf32, #tpu.memory_space<vmem>>
    %dma_start3A_62 = arith.constant 0 : i32
    %dma_start3A_63 = tpu.memref_slice %arg5[%add3A_56, %dma_start3A_62] : memref<10240x128xf32, #tpu.memory_space<vmem_shared>> -> memref<128x128xf32, #tpu.memory_space<vmem_shared>>
    %dma_start3A_64 = arith.constant 0 : i32
    %dma_start3A_65 = tpu.memref_slice %arg5[%add3A_56, %dma_start3A_64] : memref<10240x128xf32, #tpu.memory_space<vmem_shared>> -> memref<128x128xf32, #tpu.memory_space<vmem_shared>>
    %dma_start3A_66 = arith.constant 0 : i32
    %dma_start3A_67 = arith.constant 0 : i32
    %dma_start3A_68 = tpu.memref_slice %arg7[%dma_start3A_57, %dma_start3A_66, %dma_start3A_67] : memref<2x128x128xf32, #tpu.memory_space<vmem>> -> memref<1x128x128xf32, #tpu.memory_space<vmem>>
    %dma_start3A_69 = tpu.memref_squeeze %dma_start3A_68 : memref<1x128x128xf32, #tpu.memory_space<vmem>> -> memref<128x128xf32, #tpu.memory_space<vmem>>
    tpu.enqueue_dma source(%dma_start3A_69 : memref<128x128xf32, #tpu.memory_space<vmem>>) target(%dma_start3A_65 : memref<128x128xf32, #tpu.memory_space<vmem_shared>>) target_semaphore(%arg8 : memref<!tpu.dma_semaphore, #tpu.memory_space<semaphore_mem>>)
    %mul3A_70 = arith.constant 640 : i32
    %mul3A_71 = arith.muli %arg1, %mul3A_70 : i32
    %add3A_72 = arith.constant 512 : i32
    %add3A_73 = arith.addi %mul3A_71, %add3A_72 : i32
    %dma_start3A_74 = arith.constant 0 : i32
    %dma_start3A_75 = arith.constant 0 : i32
    %dma_start3A_76 = arith.constant 0 : i32
    %dma_start3A_77 = tpu.memref_slice %arg7[%dma_start3A_74, %dma_start3A_75, %dma_start3A_76] : memref<2x128x128xf32, #tpu.memory_space<vmem>> -> memref<1x128x128xf32, #tpu.memory_space<vmem>>
    %dma_start3A_78 = tpu.memref_squeeze %dma_start3A_77 : memref<1x128x128xf32, #tpu.memory_space<vmem>> -> memref<128x128xf32, #tpu.memory_space<vmem>>
    %dma_start3A_79 = arith.constant 0 : i32
    %dma_start3A_80 = tpu.memref_slice %arg5[%add3A_73, %dma_start3A_79] : memref<10240x128xf32, #tpu.memory_space<vmem_shared>> -> memref<128x128xf32, #tpu.memory_space<vmem_shared>>
    %dma_start3A_81 = arith.constant 0 : i32
    %dma_start3A_82 = tpu.memref_slice %arg5[%add3A_73, %dma_start3A_81] : memref<10240x128xf32, #tpu.memory_space<vmem_shared>> -> memref<128x128xf32, #tpu.memory_space<vmem_shared>>
    %dma_start3A_83 = arith.constant 0 : i32
    %dma_start3A_84 = arith.constant 0 : i32
    %dma_start3A_85 = tpu.memref_slice %arg7[%dma_start3A_74, %dma_start3A_83, %dma_start3A_84] : memref<2x128x128xf32, #tpu.memory_space<vmem>> -> memref<1x128x128xf32, #tpu.memory_space<vmem>>
    %dma_start3A_86 = tpu.memref_squeeze %dma_start3A_85 : memref<1x128x128xf32, #tpu.memory_space<vmem>> -> memref<128x128xf32, #tpu.memory_space<vmem>>
    tpu.enqueue_dma source(%dma_start3A_86 : memref<128x128xf32, #tpu.memory_space<vmem>>) target(%dma_start3A_82 : memref<128x128xf32, #tpu.memory_space<vmem_shared>>) target_semaphore(%arg8 : memref<!tpu.dma_semaphore, #tpu.memory_space<semaphore_mem>>)
    %mul3A_87 = arith.constant 640 : i32
    %mul3A_88 = arith.muli %arg1, %mul3A_87 : i32
    %add3A_89 = arith.constant 0 : i32
    %add3A_90 = arith.addi %mul3A_88, %add3A_89 : i32
    %dma_wait3A = arith.constant 0 : i32
    %dma_wait3A_91 = arith.constant 0 : i32
    %dma_wait3A_92 = arith.constant 0 : i32
    %dma_wait3A_93 = tpu.memref_slice %arg7[%dma_wait3A, %dma_wait3A_91, %dma_wait3A_92] : memref<2x128x128xf32, #tpu.memory_space<vmem>> -> memref<1x128x128xf32, #tpu.memory_space<vmem>>
    %dma_wait3A_94 = tpu.memref_squeeze %dma_wait3A_93 : memref<1x128x128xf32, #tpu.memory_space<vmem>> -> memref<128x128xf32, #tpu.memory_space<vmem>>
    %dma_wait3A_95 = arith.constant 0 : i32
    %dma_wait3A_96 = tpu.memref_slice %arg5[%add3A_90, %dma_wait3A_95] : memref<10240x128xf32, #tpu.memory_space<vmem_shared>> -> memref<128x128xf32, #tpu.memory_space<vmem_shared>>
    %dma_wait3A_97 = arith.constant 0 : i32
    %dma_wait3A_98 = tpu.memref_slice %arg5[%add3A_90, %dma_wait3A_97] : memref<10240x128xf32, #tpu.memory_space<vmem_shared>> -> memref<128x128xf32, #tpu.memory_space<vmem_shared>>
    %dma_wait3A_99 = arith.constant 0 : i32
    %dma_wait3A_100 = arith.constant 0 : i32
    %dma_wait3A_101 = tpu.memref_slice %arg7[%dma_wait3A, %dma_wait3A_99, %dma_wait3A_100] : memref<2x128x128xf32, #tpu.memory_space<vmem>> -> memref<1x128x128xf32, #tpu.memory_space<vmem>>
    %dma_wait3A_102 = tpu.memref_squeeze %dma_wait3A_101 : memref<1x128x128xf32, #tpu.memory_space<vmem>> -> memref<128x128xf32, #tpu.memory_space<vmem>>
    tpu.wait_dma2 semaphore(%arg8 : memref<!tpu.dma_semaphore, #tpu.memory_space<semaphore_mem>>) src(%dma_wait3A_102 : memref<128x128xf32, #tpu.memory_space<vmem>>) dst(%dma_wait3A_98 : memref<128x128xf32, #tpu.memory_space<vmem_shared>>)
    %mul3A_103 = arith.constant 640 : i32
    %mul3A_104 = arith.muli %arg1, %mul3A_103 : i32
    %add3A_105 = arith.constant 128 : i32
    %add3A_106 = arith.addi %mul3A_104, %add3A_105 : i32
    %dma_wait3A_107 = arith.constant 0 : i32
    %dma_wait3A_108 = arith.constant 0 : i32
    %dma_wait3A_109 = arith.constant 0 : i32
    %dma_wait3A_110 = tpu.memref_slice %arg7[%dma_wait3A_107, %dma_wait3A_108, %dma_wait3A_109] : memref<2x128x128xf32, #tpu.memory_space<vmem>> -> memref<1x128x128xf32, #tpu.memory_space<vmem>>
    %dma_wait3A_111 = tpu.memref_squeeze %dma_wait3A_110 : memref<1x128x128xf32, #tpu.memory_space<vmem>> -> memref<128x128xf32, #tpu.memory_space<vmem>>
    %dma_wait3A_112 = arith.constant 0 : i32
    %dma_wait3A_113 = tpu.memref_slice %arg5[%add3A_106, %dma_wait3A_112] : memref<10240x128xf32, #tpu.memory_space<vmem_shared>> -> memref<128x128xf32, #tpu.memory_space<vmem_shared>>
    %dma_wait3A_114 = arith.constant 0 : i32
    %dma_wait3A_115 = tpu.memref_slice %arg5[%add3A_106, %dma_wait3A_114] : memref<10240x128xf32, #tpu.memory_space<vmem_shared>> -> memref<128x128xf32, #tpu.memory_space<vmem_shared>>
    %dma_wait3A_116 = arith.constant 0 : i32
    %dma_wait3A_117 = arith.constant 0 : i32
    %dma_wait3A_118 = tpu.memref_slice %arg7[%dma_wait3A_107, %dma_wait3A_116, %dma_wait3A_117] : memref<2x128x128xf32, #tpu.memory_space<vmem>> -> memref<1x128x128xf32, #tpu.memory_space<vmem>>
    %dma_wait3A_119 = tpu.memref_squeeze %dma_wait3A_118 : memref<1x128x128xf32, #tpu.memory_space<vmem>> -> memref<128x128xf32, #tpu.memory_space<vmem>>
    tpu.wait_dma2 semaphore(%arg8 : memref<!tpu.dma_semaphore, #tpu.memory_space<semaphore_mem>>) src(%dma_wait3A_119 : memref<128x128xf32, #tpu.memory_space<vmem>>) dst(%dma_wait3A_115 : memref<128x128xf32, #tpu.memory_space<vmem_shared>>)
    %mul3A_120 = arith.constant 640 : i32
    %mul3A_121 = arith.muli %arg1, %mul3A_120 : i32
    %add3A_122 = arith.constant 256 : i32
    %add3A_123 = arith.addi %mul3A_121, %add3A_122 : i32
    %dma_wait3A_124 = arith.constant 0 : i32
    %dma_wait3A_125 = arith.constant 0 : i32
    %dma_wait3A_126 = arith.constant 0 : i32
    %dma_wait3A_127 = tpu.memref_slice %arg7[%dma_wait3A_124, %dma_wait3A_125, %dma_wait3A_126] : memref<2x128x128xf32, #tpu.memory_space<vmem>> -> memref<1x128x128xf32, #tpu.memory_space<vmem>>
    %dma_wait3A_128 = tpu.memref_squeeze %dma_wait3A_127 : memref<1x128x128xf32, #tpu.memory_space<vmem>> -> memref<128x128xf32, #tpu.memory_space<vmem>>
    %dma_wait3A_129 = arith.constant 0 : i32
    %dma_wait3A_130 = tpu.memref_slice %arg5[%add3A_123, %dma_wait3A_129] : memref<10240x128xf32, #tpu.memory_space<vmem_shared>> -> memref<128x128xf32, #tpu.memory_space<vmem_shared>>
    %dma_wait3A_131 = arith.constant 0 : i32
    %dma_wait3A_132 = tpu.memref_slice %arg5[%add3A_123, %dma_wait3A_131] : memref<10240x128xf32, #tpu.memory_space<vmem_shared>> -> memref<128x128xf32, #tpu.memory_space<vmem_shared>>
    %dma_wait3A_133 = arith.constant 0 : i32
    %dma_wait3A_134 = arith.constant 0 : i32
    %dma_wait3A_135 = tpu.memref_slice %arg7[%dma_wait3A_124, %dma_wait3A_133, %dma_wait3A_134] : memref<2x128x128xf32, #tpu.memory_space<vmem>> -> memref<1x128x128xf32, #tpu.memory_space<vmem>>
    %dma_wait3A_136 = tpu.memref_squeeze %dma_wait3A_135 : memref<1x128x128xf32, #tpu.memory_space<vmem>> -> memref<128x128xf32, #tpu.memory_space<vmem>>
    tpu.wait_dma2 semaphore(%arg8 : memref<!tpu.dma_semaphore, #tpu.memory_space<semaphore_mem>>) src(%dma_wait3A_136 : memref<128x128xf32, #tpu.memory_space<vmem>>) dst(%dma_wait3A_132 : memref<128x128xf32, #tpu.memory_space<vmem_shared>>)
    %mul3A_137 = arith.constant 640 : i32
    %mul3A_138 = arith.muli %arg1, %mul3A_137 : i32
    %add3A_139 = arith.constant 384 : i32
    %add3A_140 = arith.addi %mul3A_138, %add3A_139 : i32
    %dma_wait3A_141 = arith.constant 0 : i32
    %dma_wait3A_142 = arith.constant 0 : i32
    %dma_wait3A_143 = arith.constant 0 : i32
    %dma_wait3A_144 = tpu.memref_slice %arg7[%dma_wait3A_141, %dma_wait3A_142, %dma_wait3A_143] : memref<2x128x128xf32, #tpu.memory_space<vmem>> -> memref<1x128x128xf32, #tpu.memory_space<vmem>>
    %dma_wait3A_145 = tpu.memref_squeeze %dma_wait3A_144 : memref<1x128x128xf32, #tpu.memory_space<vmem>> -> memref<128x128xf32, #tpu.memory_space<vmem>>
    %dma_wait3A_146 = arith.constant 0 : i32
    %dma_wait3A_147 = tpu.memref_slice %arg5[%add3A_140, %dma_wait3A_146] : memref<10240x128xf32, #tpu.memory_space<vmem_shared>> -> memref<128x128xf32, #tpu.memory_space<vmem_shared>>
    %dma_wait3A_148 = arith.constant 0 : i32
    %dma_wait3A_149 = tpu.memref_slice %arg5[%add3A_140, %dma_wait3A_148] : memref<10240x128xf32, #tpu.memory_space<vmem_shared>> -> memref<128x128xf32, #tpu.memory_space<vmem_shared>>
    %dma_wait3A_150 = arith.constant 0 : i32
    %dma_wait3A_151 = arith.constant 0 : i32
    %dma_wait3A_152 = tpu.memref_slice %arg7[%dma_wait3A_141, %dma_wait3A_150, %dma_wait3A_151] : memref<2x128x128xf32, #tpu.memory_space<vmem>> -> memref<1x128x128xf32, #tpu.memory_space<vmem>>
    %dma_wait3A_153 = tpu.memref_squeeze %dma_wait3A_152 : memref<1x128x128xf32, #tpu.memory_space<vmem>> -> memref<128x128xf32, #tpu.memory_space<vmem>>
    tpu.wait_dma2 semaphore(%arg8 : memref<!tpu.dma_semaphore, #tpu.memory_space<semaphore_mem>>) src(%dma_wait3A_153 : memref<128x128xf32, #tpu.memory_space<vmem>>) dst(%dma_wait3A_149 : memref<128x128xf32, #tpu.memory_space<vmem_shared>>)
    %mul3A_154 = arith.constant 640 : i32
    %mul3A_155 = arith.muli %arg1, %mul3A_154 : i32
    %add3A_156 = arith.constant 512 : i32
    %add3A_157 = arith.addi %mul3A_155, %add3A_156 : i32
    %dma_wait3A_158 = arith.constant 0 : i32
    %dma_wait3A_159 = arith.constant 0 : i32
    %dma_wait3A_160 = arith.constant 0 : i32
    %dma_wait3A_161 = tpu.memref_slice %arg7[%dma_wait3A_158, %dma_wait3A_159, %dma_wait3A_160] : memref<2x128x128xf32, #tpu.memory_space<vmem>> -> memref<1x128x128xf32, #tpu.memory_space<vmem>>
    %dma_wait3A_162 = tpu.memref_squeeze %dma_wait3A_161 : memref<1x128x128xf32, #tpu.memory_space<vmem>> -> memref<128x128xf32, #tpu.memory_space<vmem>>
    %dma_wait3A_163 = arith.constant 0 : i32
    %dma_wait3A_164 = tpu.memref_slice %arg5[%add3A_157, %dma_wait3A_163] : memref<10240x128xf32, #tpu.memory_space<vmem_shared>> -> memref<128x128xf32, #tpu.memory_space<vmem_shared>>
    %dma_wait3A_165 = arith.constant 0 : i32
    %dma_wait3A_166 = tpu.memref_slice %arg5[%add3A_157, %dma_wait3A_165] : memref<10240x128xf32, #tpu.memory_space<vmem_shared>> -> memref<128x128xf32, #tpu.memory_space<vmem_shared>>
    %dma_wait3A_167 = arith.constant 0 : i32
    %dma_wait3A_168 = arith.constant 0 : i32
    %dma_wait3A_169 = tpu.memref_slice %arg7[%dma_wait3A_158, %dma_wait3A_167, %dma_wait3A_168] : memref<2x128x128xf32, #tpu.memory_space<vmem>> -> memref<1x128x128xf32, #tpu.memory_space<vmem>>
    %dma_wait3A_170 = tpu.memref_squeeze %dma_wait3A_169 : memref<1x128x128xf32, #tpu.memory_space<vmem>> -> memref<128x128xf32, #tpu.memory_space<vmem>>
    tpu.wait_dma2 semaphore(%arg8 : memref<!tpu.dma_semaphore, #tpu.memory_space<semaphore_mem>>) src(%dma_wait3A_170 : memref<128x128xf32, #tpu.memory_space<vmem>>) dst(%dma_wait3A_166 : memref<128x128xf32, #tpu.memory_space<vmem_shared>>)
    %barrier3A = arith.constant 0 : index
    tpu.barrier barrier_id(%barrier3A)
    %mul3A_171 = arith.constant 32 : i32
    %mul3A_172 = arith.muli %arg0, %mul3A_171 : i32
    %eq3A = arith.constant 0 : i32
    %eq3A_173 = arith.cmpi eq, %arg0, %eq3A : i32
    %jit3A = arith.constant 32 : i32
    %jit3A_174 = arith.constant 125 : i32
    %select_n3A = arith.select %eq3A_173, %jit3A, %jit3A_174 : i32
    %add3A_175 = arith.constant 0 : i32
    %add3A_176 = arith.addi %mul3A_172, %add3A_175 : i32
    %dma_start3A_177 = arith.constant 0 : i32
    %dma_start3A_178 = arith.constant 0 : i32
    %dma_start3A_179 = arith.constant 0 : i32
    %dma_start3A_180 = tpu.memref_slice %arg6[%dma_start3A_177, %dma_start3A_178, %dma_start3A_179] : memref<4x2x128xi32, #tpu.memory_space<vmem>> -> memref<1x2x128xi32, #tpu.memory_space<vmem>>
    %dma_start3A_181 = tpu.memref_squeeze %dma_start3A_180 : memref<1x2x128xi32, #tpu.memory_space<vmem>> -> memref<2x128xi32, #tpu.memory_space<vmem>>
    %dma_start3A_182 = arith.constant 0 : i32
    %dma_start3A_183 = arith.constant 0 : i32
    %dma_start3A_184 = tpu.memref_slice %arg3[%arg1, %add3A_176, %dma_start3A_182, %dma_start3A_183] : memref<16x157x2x128xi32, #tpu.memory_space<hbm>> -> memref<1x1x2x128xi32, #tpu.memory_space<hbm>>
    %dma_start3A_185 = tpu.memref_squeeze %dma_start3A_184 : memref<1x1x2x128xi32, #tpu.memory_space<hbm>> -> memref<2x128xi32, #tpu.memory_space<hbm>>
    %dma_start3A_186 = arith.constant 0 : i32
    %dma_start3A_187 = arith.constant 0 : i32
    %dma_start3A_188 = tpu.memref_slice %arg6[%dma_start3A_177, %dma_start3A_186, %dma_start3A_187] : memref<4x2x128xi32, #tpu.memory_space<vmem>> -> memref<1x2x128xi32, #tpu.memory_space<vmem>>
    %dma_start3A_189 = tpu.memref_squeeze %dma_start3A_188 : memref<1x2x128xi32, #tpu.memory_space<vmem>> -> memref<2x128xi32, #tpu.memory_space<vmem>>
    %dma_start3A_190 = arith.constant 0 : i32
    %dma_start3A_191 = arith.constant 0 : i32
    %dma_start3A_192 = tpu.memref_slice %arg3[%arg1, %add3A_176, %dma_start3A_190, %dma_start3A_191] : memref<16x157x2x128xi32, #tpu.memory_space<hbm>> -> memref<1x1x2x128xi32, #tpu.memory_space<hbm>>
    %dma_start3A_193 = tpu.memref_squeeze %dma_start3A_192 : memref<1x1x2x128xi32, #tpu.memory_space<hbm>> -> memref<2x128xi32, #tpu.memory_space<hbm>>
    tpu.enqueue_dma source(%dma_start3A_193 : memref<2x128xi32, #tpu.memory_space<hbm>>) target(%dma_start3A_189 : memref<2x128xi32, #tpu.memory_space<vmem>>) target_semaphore(%arg8 : memref<!tpu.dma_semaphore, #tpu.memory_space<semaphore_mem>>)
    %add3A_194 = arith.constant 1 : i32
    %add3A_195 = arith.addi %mul3A_172, %add3A_194 : i32
    %dma_start3A_196 = arith.constant 1 : i32
    %dma_start3A_197 = arith.constant 0 : i32
    %dma_start3A_198 = arith.constant 0 : i32
    %dma_start3A_199 = tpu.memref_slice %arg6[%dma_start3A_196, %dma_start3A_197, %dma_start3A_198] : memref<4x2x128xi32, #tpu.memory_space<vmem>> -> memref<1x2x128xi32, #tpu.memory_space<vmem>>
    %dma_start3A_200 = tpu.memref_squeeze %dma_start3A_199 : memref<1x2x128xi32, #tpu.memory_space<vmem>> -> memref<2x128xi32, #tpu.memory_space<vmem>>
    %dma_start3A_201 = arith.constant 0 : i32
    %dma_start3A_202 = arith.constant 0 : i32
    %dma_start3A_203 = tpu.memref_slice %arg3[%arg1, %add3A_195, %dma_start3A_201, %dma_start3A_202] : memref<16x157x2x128xi32, #tpu.memory_space<hbm>> -> memref<1x1x2x128xi32, #tpu.memory_space<hbm>>
    %dma_start3A_204 = tpu.memref_squeeze %dma_start3A_203 : memref<1x1x2x128xi32, #tpu.memory_space<hbm>> -> memref<2x128xi32, #tpu.memory_space<hbm>>
    %dma_start3A_205 = arith.constant 0 : i32
    %dma_start3A_206 = arith.constant 0 : i32
    %dma_start3A_207 = tpu.memref_slice %arg6[%dma_start3A_196, %dma_start3A_205, %dma_start3A_206] : memref<4x2x128xi32, #tpu.memory_space<vmem>> -> memref<1x2x128xi32, #tpu.memory_space<vmem>>
    %dma_start3A_208 = tpu.memref_squeeze %dma_start3A_207 : memref<1x2x128xi32, #tpu.memory_space<vmem>> -> memref<2x128xi32, #tpu.memory_space<vmem>>
    %dma_start3A_209 = arith.constant 0 : i32
    %dma_start3A_210 = arith.constant 0 : i32
    %dma_start3A_211 = tpu.memref_slice %arg3[%arg1, %add3A_195, %dma_start3A_209, %dma_start3A_210] : memref<16x157x2x128xi32, #tpu.memory_space<hbm>> -> memref<1x1x2x128xi32, #tpu.memory_space<hbm>>
    %dma_start3A_212 = tpu.memref_squeeze %dma_start3A_211 : memref<1x1x2x128xi32, #tpu.memory_space<hbm>> -> memref<2x128xi32, #tpu.memory_space<hbm>>
    tpu.enqueue_dma source(%dma_start3A_212 : memref<2x128xi32, #tpu.memory_space<hbm>>) target(%dma_start3A_208 : memref<2x128xi32, #tpu.memory_space<vmem>>) target_semaphore(%arg8 : memref<!tpu.dma_semaphore, #tpu.memory_space<semaphore_mem>>)
    %add3A_213 = arith.constant 0 : i32
    %add3A_214 = arith.addi %mul3A_172, %add3A_213 : i32
    %dma_wait3A_215 = arith.constant 0 : i32
    %dma_wait3A_216 = arith.constant 0 : i32
    %dma_wait3A_217 = arith.constant 0 : i32
    %dma_wait3A_218 = tpu.memref_slice %arg6[%dma_wait3A_215, %dma_wait3A_216, %dma_wait3A_217] : memref<4x2x128xi32, #tpu.memory_space<vmem>> -> memref<1x2x128xi32, #tpu.memory_space<vmem>>
    %dma_wait3A_219 = tpu.memref_squeeze %dma_wait3A_218 : memref<1x2x128xi32, #tpu.memory_space<vmem>> -> memref<2x128xi32, #tpu.memory_space<vmem>>
    %dma_wait3A_220 = arith.constant 0 : i32
    %dma_wait3A_221 = arith.constant 0 : i32
    %dma_wait3A_222 = tpu.memref_slice %arg3[%arg1, %add3A_214, %dma_wait3A_220, %dma_wait3A_221] : memref<16x157x2x128xi32, #tpu.memory_space<hbm>> -> memref<1x1x2x128xi32, #tpu.memory_space<hbm>>
    %dma_wait3A_223 = tpu.memref_squeeze %dma_wait3A_222 : memref<1x1x2x128xi32, #tpu.memory_space<hbm>> -> memref<2x128xi32, #tpu.memory_space<hbm>>
    %dma_wait3A_224 = arith.constant 0 : i32
    %dma_wait3A_225 = arith.constant 0 : i32
    %dma_wait3A_226 = tpu.memref_slice %arg6[%dma_wait3A_215, %dma_wait3A_224, %dma_wait3A_225] : memref<4x2x128xi32, #tpu.memory_space<vmem>> -> memref<1x2x128xi32, #tpu.memory_space<vmem>>
    %dma_wait3A_227 = tpu.memref_squeeze %dma_wait3A_226 : memref<1x2x128xi32, #tpu.memory_space<vmem>> -> memref<2x128xi32, #tpu.memory_space<vmem>>
    %dma_wait3A_228 = arith.constant 0 : i32
    %dma_wait3A_229 = arith.constant 0 : i32
    %dma_wait3A_230 = tpu.memref_slice %arg3[%arg1, %add3A_214, %dma_wait3A_228, %dma_wait3A_229] : memref<16x157x2x128xi32, #tpu.memory_space<hbm>> -> memref<1x1x2x128xi32, #tpu.memory_space<hbm>>
    %dma_wait3A_231 = tpu.memref_squeeze %dma_wait3A_230 : memref<1x1x2x128xi32, #tpu.memory_space<hbm>> -> memref<2x128xi32, #tpu.memory_space<hbm>>
    tpu.wait_dma2 semaphore(%arg8 : memref<!tpu.dma_semaphore, #tpu.memory_space<semaphore_mem>>) src(%dma_wait3A_231 : memref<2x128xi32, #tpu.memory_space<hbm>>) dst(%dma_wait3A_227 : memref<2x128xi32, #tpu.memory_space<vmem>>)
    %dma_start3A_232 = arith.constant 0 : i32
    %dma_start3A_233 = arith.constant 0 : i32
    %dma_start3A_234 = arith.constant 0 : i32
    %dma_start3A_235 = arith.constant 0 : i32
    %dma_start3A_236 = arith.constant 0 : i32
    %dma_start3A_237 = tpu.memref_slice %arg7[%dma_start3A_234, %dma_start3A_235, %dma_start3A_236] : memref<2x128x128xf32, #tpu.memory_space<vmem>> -> memref<1x128x128xf32, #tpu.memory_space<vmem>>
    %dma_start3A_238 = tpu.memref_squeeze %dma_start3A_237 : memref<1x128x128xf32, #tpu.memory_space<vmem>> -> memref<128x128xf32, #tpu.memory_space<vmem>>
    %dma_start3A_239 = arith.constant 0 : i32
    %dma_start3A_240 = tpu.memref_slice %arg6[%dma_start3A_232, %dma_start3A_233, %dma_start3A_239] : memref<4x2x128xi32, #tpu.memory_space<vmem>> -> memref<1x1x128xi32, #tpu.memory_space<vmem>>
    %dma_start3A_241 = tpu.memref_squeeze %dma_start3A_240 : memref<1x1x128xi32, #tpu.memory_space<vmem>> -> memref<128xi32, #tpu.memory_space<vmem>>
    %dma_start3A_242 = arith.constant 0 : i32
    %dma_start3A_243 = arith.constant 0 : i32
    %dma_start3A_244 = tpu.memref_slice %arg2[%dma_start3A_242, %dma_start3A_243] : memref<10240x128xf32, #tpu.memory_space<hbm>> -> memref<10240x128xf32, #tpu.memory_space<hbm>>
    tpu.enqueue_indirect_dma source(%dma_start3A_244 : memref<10240x128xf32, #tpu.memory_space<hbm>>) target(%dma_start3A_238 : memref<128x128xf32, #tpu.memory_space<vmem>>) offsets(%dma_start3A_241 : memref<128xi32, #tpu.memory_space<vmem>>) semaphore(%arg9 : memref<!tpu.dma_semaphore, #tpu.memory_space<semaphore_mem>>)
    %while3A = arith.constant 0 : i32
    %while3A_245 = arith.constant 0 : i32
    %while3A_246 = arith.subi %select_n3A, %while3A_245 : i32
    %while3A_247 = arith.addi %while3A_245, %while3A_246 : i32
    %while3A_248 = arith.constant 1 : i32
    %while3A_249 = arith.divsi %while3A_246, %while3A_248 : i32
    %while3A_250 = arith.muli %while3A_249, %while3A_248 : i32
    %while3A_251 = arith.addi %while3A_245, %while3A_250 : i32
    %while3A_252 = arith.constant 1 : i32
    scf.for %while3A_345 = %while3A_245 to %while3A_251 step %while3A_252  : i32 {
      %rem3A = arith.constant 2 : i32
      %rem3A_346 = arith.remsi %while3A_345, %rem3A : i32
      %rem3A_347 = arith.constant 4 : i32
      %rem3A_348 = arith.remsi %while3A_345, %rem3A_347 : i32
      %add3A_349 = arith.constant 2 : i32
      %add3A_350 = arith.addi %while3A_345, %add3A_349 : i32
      %lt3A = arith.cmpi slt, %add3A_350, %select_n3A : i32
      %convert_element_type3A = arith.extui %lt3A : i1 to i32
      %cond3A = arith.constant 0 : i32
      %cond3A_351 = arith.cmpi ne, %convert_element_type3A, %cond3A : i32
      scf.if %cond3A_351 {
        %add3A_369 = arith.constant 2 : i32
        %add3A_370 = arith.addi %while3A_345, %add3A_369 : i32
        %add3A_371 = arith.constant 2 : i32
        %add3A_372 = arith.addi %while3A_345, %add3A_371 : i32
        %rem3A_373 = arith.constant 4 : i32
        %rem3A_374 = arith.remsi %add3A_372, %rem3A_373 : i32
        %add3A_375 = arith.addi %mul3A_172, %add3A_370 : i32
        %dma_start3A_376 = arith.constant 0 : i32
        %dma_start3A_377 = arith.constant 0 : i32
        %dma_start3A_378 = tpu.memref_slice %arg6[%rem3A_374, %dma_start3A_376, %dma_start3A_377] : memref<4x2x128xi32, #tpu.memory_space<vmem>> -> memref<1x2x128xi32, #tpu.memory_space<vmem>>
        %dma_start3A_379 = tpu.memref_squeeze %dma_start3A_378 : memref<1x2x128xi32, #tpu.memory_space<vmem>> -> memref<2x128xi32, #tpu.memory_space<vmem>>
        %dma_start3A_380 = arith.constant 0 : i32
        %dma_start3A_381 = arith.constant 0 : i32
        %dma_start3A_382 = tpu.memref_slice %arg3[%arg1, %add3A_375, %dma_start3A_380, %dma_start3A_381] : memref<16x157x2x128xi32, #tpu.memory_space<hbm>> -> memref<1x1x2x128xi32, #tpu.memory_space<hbm>>
        %dma_start3A_383 = tpu.memref_squeeze %dma_start3A_382 : memref<1x1x2x128xi32, #tpu.memory_space<hbm>> -> memref<2x128xi32, #tpu.memory_space<hbm>>
        %dma_start3A_384 = arith.constant 0 : i32
        %dma_start3A_385 = arith.constant 0 : i32
        %dma_start3A_386 = tpu.memref_slice %arg6[%rem3A_374, %dma_start3A_384, %dma_start3A_385] : memref<4x2x128xi32, #tpu.memory_space<vmem>> -> memref<1x2x128xi32, #tpu.memory_space<vmem>>
        %dma_start3A_387 = tpu.memref_squeeze %dma_start3A_386 : memref<1x2x128xi32, #tpu.memory_space<vmem>> -> memref<2x128xi32, #tpu.memory_space<vmem>>
        %dma_start3A_388 = arith.constant 0 : i32
        %dma_start3A_389 = arith.constant 0 : i32
        %dma_start3A_390 = tpu.memref_slice %arg3[%arg1, %add3A_375, %dma_start3A_388, %dma_start3A_389] : memref<16x157x2x128xi32, #tpu.memory_space<hbm>> -> memref<1x1x2x128xi32, #tpu.memory_space<hbm>>
        %dma_start3A_391 = tpu.memref_squeeze %dma_start3A_390 : memref<1x1x2x128xi32, #tpu.memory_space<hbm>> -> memref<2x128xi32, #tpu.memory_space<hbm>>
        tpu.enqueue_dma source(%dma_start3A_391 : memref<2x128xi32, #tpu.memory_space<hbm>>) target(%dma_start3A_387 : memref<2x128xi32, #tpu.memory_space<vmem>>) target_semaphore(%arg8 : memref<!tpu.dma_semaphore, #tpu.memory_space<semaphore_mem>>)
      } else {
      }
      %add3A_352 = arith.constant 1 : i32
      %add3A_353 = arith.addi %while3A_345, %add3A_352 : i32
      %lt3A_354 = arith.cmpi slt, %add3A_353, %select_n3A : i32
      %convert_element_type3A_355 = arith.extui %lt3A_354 : i1 to i32
      %cond3A_356 = arith.constant 0 : i32
      %cond3A_357 = arith.cmpi ne, %convert_element_type3A_355, %cond3A_356 : i32
      scf.if %cond3A_357 {
        %add3A_369 = arith.constant 1 : i32
        %add3A_370 = arith.addi %while3A_345, %add3A_369 : i32
        %add3A_371 = arith.constant 1 : i32
        %add3A_372 = arith.addi %while3A_345, %add3A_371 : i32
        %rem3A_373 = arith.constant 4 : i32
        %rem3A_374 = arith.remsi %add3A_372, %rem3A_373 : i32
        %add3A_375 = arith.addi %mul3A_172, %add3A_370 : i32
        %dma_wait3A_376 = arith.constant 0 : i32
        %dma_wait3A_377 = arith.constant 0 : i32
        %dma_wait3A_378 = tpu.memref_slice %arg6[%rem3A_374, %dma_wait3A_376, %dma_wait3A_377] : memref<4x2x128xi32, #tpu.memory_space<vmem>> -> memref<1x2x128xi32, #tpu.memory_space<vmem>>
        %dma_wait3A_379 = tpu.memref_squeeze %dma_wait3A_378 : memref<1x2x128xi32, #tpu.memory_space<vmem>> -> memref<2x128xi32, #tpu.memory_space<vmem>>
        %dma_wait3A_380 = arith.constant 0 : i32
        %dma_wait3A_381 = arith.constant 0 : i32
        %dma_wait3A_382 = tpu.memref_slice %arg3[%arg1, %add3A_375, %dma_wait3A_380, %dma_wait3A_381] : memref<16x157x2x128xi32, #tpu.memory_space<hbm>> -> memref<1x1x2x128xi32, #tpu.memory_space<hbm>>
        %dma_wait3A_383 = tpu.memref_squeeze %dma_wait3A_382 : memref<1x1x2x128xi32, #tpu.memory_space<hbm>> -> memref<2x128xi32, #tpu.memory_space<hbm>>
        %dma_wait3A_384 = arith.constant 0 : i32
        %dma_wait3A_385 = arith.constant 0 : i32
        %dma_wait3A_386 = tpu.memref_slice %arg6[%rem3A_374, %dma_wait3A_384, %dma_wait3A_385] : memref<4x2x128xi32, #tpu.memory_space<vmem>> -> memref<1x2x128xi32, #tpu.memory_space<vmem>>
        %dma_wait3A_387 = tpu.memref_squeeze %dma_wait3A_386 : memref<1x2x128xi32, #tpu.memory_space<vmem>> -> memref<2x128xi32, #tpu.memory_space<vmem>>
        %dma_wait3A_388 = arith.constant 0 : i32
        %dma_wait3A_389 = arith.constant 0 : i32
        %dma_wait3A_390 = tpu.memref_slice %arg3[%arg1, %add3A_375, %dma_wait3A_388, %dma_wait3A_389] : memref<16x157x2x128xi32, #tpu.memory_space<hbm>> -> memref<1x1x2x128xi32, #tpu.memory_space<hbm>>
        %dma_wait3A_391 = tpu.memref_squeeze %dma_wait3A_390 : memref<1x1x2x128xi32, #tpu.memory_space<hbm>> -> memref<2x128xi32, #tpu.memory_space<hbm>>
        tpu.wait_dma2 semaphore(%arg8 : memref<!tpu.dma_semaphore, #tpu.memory_space<semaphore_mem>>) src(%dma_wait3A_391 : memref<2x128xi32, #tpu.memory_space<hbm>>) dst(%dma_wait3A_387 : memref<2x128xi32, #tpu.memory_space<vmem>>)
        %add3A_392 = arith.constant 1 : i32
        %add3A_393 = arith.addi %while3A_345, %add3A_392 : i32
        %rem3A_394 = arith.constant 4 : i32
        %rem3A_395 = arith.remsi %add3A_393, %rem3A_394 : i32
        %sub3A = arith.constant 1 : i32
        %sub3A_396 = arith.subi %sub3A, %rem3A_346 : i32
        %dma_start3A_397 = arith.constant 0 : i32
        %dma_start3A_398 = arith.constant 0 : i32
        %dma_start3A_399 = arith.constant 0 : i32
        %dma_start3A_400 = tpu.memref_slice %arg7[%sub3A_396, %dma_start3A_398, %dma_start3A_399] : memref<2x128x128xf32, #tpu.memory_space<vmem>> -> memref<1x128x128xf32, #tpu.memory_space<vmem>>
        %dma_start3A_401 = tpu.memref_squeeze %dma_start3A_400 : memref<1x128x128xf32, #tpu.memory_space<vmem>> -> memref<128x128xf32, #tpu.memory_space<vmem>>
        %dma_start3A_402 = arith.constant 0 : i32
        %dma_start3A_403 = tpu.memref_slice %arg6[%rem3A_395, %dma_start3A_397, %dma_start3A_402] : memref<4x2x128xi32, #tpu.memory_space<vmem>> -> memref<1x1x128xi32, #tpu.memory_space<vmem>>
        %dma_start3A_404 = tpu.memref_squeeze %dma_start3A_403 : memref<1x1x128xi32, #tpu.memory_space<vmem>> -> memref<128xi32, #tpu.memory_space<vmem>>
        %dma_start3A_405 = arith.constant 0 : i32
        %dma_start3A_406 = arith.constant 0 : i32
        %dma_start3A_407 = tpu.memref_slice %arg2[%dma_start3A_405, %dma_start3A_406] : memref<10240x128xf32, #tpu.memory_space<hbm>> -> memref<10240x128xf32, #tpu.memory_space<hbm>>
        tpu.enqueue_indirect_dma source(%dma_start3A_407 : memref<10240x128xf32, #tpu.memory_space<hbm>>) target(%dma_start3A_401 : memref<128x128xf32, #tpu.memory_space<vmem>>) offsets(%dma_start3A_404 : memref<128xi32, #tpu.memory_space<vmem>>) semaphore(%arg9 : memref<!tpu.dma_semaphore, #tpu.memory_space<semaphore_mem>>)
      } else {
      }
      %dma_wait3A_358 = arith.constant 0 : i32
      %dma_wait3A_359 = arith.constant 0 : i32
      %dma_wait3A_360 = arith.constant 0 : i32
      %dma_wait3A_361 = tpu.memref_slice %arg7[%rem3A_346, %dma_wait3A_359, %dma_wait3A_360] : memref<2x128x128xf32, #tpu.memory_space<vmem>> -> memref<1x128x128xf32, #tpu.memory_space<vmem>>
      %dma_wait3A_362 = tpu.memref_squeeze %dma_wait3A_361 : memref<1x128x128xf32, #tpu.memory_space<vmem>> -> memref<128x128xf32, #tpu.memory_space<vmem>>
      %dma_wait3A_363 = arith.constant 0 : i32
      %dma_wait3A_364 = tpu.memref_slice %arg6[%rem3A_348, %dma_wait3A_358, %dma_wait3A_363] : memref<4x2x128xi32, #tpu.memory_space<vmem>> -> memref<1x1x128xi32, #tpu.memory_space<vmem>>
      %dma_wait3A_365 = tpu.memref_squeeze %dma_wait3A_364 : memref<1x1x128xi32, #tpu.memory_space<vmem>> -> memref<128xi32, #tpu.memory_space<vmem>>
      %dma_wait3A_366 = arith.constant 0 : i32
      %dma_wait3A_367 = arith.constant 0 : i32
      %dma_wait3A_368 = tpu.memref_slice %arg2[%dma_wait3A_366, %dma_wait3A_367] : memref<10240x128xf32, #tpu.memory_space<hbm>> -> memref<10240x128xf32, #tpu.memory_space<hbm>>
      tpu.wait_indirect_dma semaphore(%arg9 : memref<!tpu.dma_semaphore, #tpu.memory_space<semaphore_mem>>) src(%dma_wait3A_368 : memref<10240x128xf32, #tpu.memory_space<hbm>>) dst(%dma_wait3A_362 : memref<128x128xf32, #tpu.memory_space<vmem>>)
      %run_scoped3A = arith.constant 1 : i32
      "tpu.region"() ({
        %run_scoped3A_369 = tpu.sem_alloc : memref<!tpu.dma_semaphore, #tpu.memory_space<semaphore_mem>>
        %dma_start3A_370 = arith.constant 0 : i32
        %dma_start3A_371 = arith.constant 0 : i32
        %dma_start3A_372 = tpu.memref_slice %arg7[%rem3A_346, %dma_start3A_370, %dma_start3A_371] : memref<2x128x128xf32, #tpu.memory_space<vmem>> -> memref<1x128x128xf32, #tpu.memory_space<vmem>>
        %dma_start3A_373 = tpu.memref_squeeze %dma_start3A_372 : memref<1x128x128xf32, #tpu.memory_space<vmem>> -> memref<128x128xf32, #tpu.memory_space<vmem>>
        %dma_start3A_374 = arith.constant 0 : i32
        %dma_start3A_375 = tpu.memref_slice %arg6[%rem3A_348, %run_scoped3A, %dma_start3A_374] : memref<4x2x128xi32, #tpu.memory_space<vmem>> -> memref<1x1x128xi32, #tpu.memory_space<vmem>>
        %dma_start3A_376 = tpu.memref_squeeze %dma_start3A_375 : memref<1x1x128xi32, #tpu.memory_space<vmem>> -> memref<128xi32, #tpu.memory_space<vmem>>
        %dma_start3A_377 = arith.constant 0 : i32
        %dma_start3A_378 = arith.constant 0 : i32
        %dma_start3A_379 = tpu.memref_slice %arg5[%dma_start3A_377, %dma_start3A_378] : memref<10240x128xf32, #tpu.memory_space<vmem_shared>> -> memref<10240x128xf32, #tpu.memory_space<vmem_shared>>
        tpu.enqueue_indirect_dma source(%dma_start3A_373 : memref<128x128xf32, #tpu.memory_space<vmem>>) target(%dma_start3A_379 : memref<10240x128xf32, #tpu.memory_space<vmem_shared>>) offsets(%dma_start3A_376 : memref<128xi32, #tpu.memory_space<vmem>>) semaphore(%run_scoped3A_369 : memref<!tpu.dma_semaphore, #tpu.memory_space<semaphore_mem>>) {add = true}
        %dma_wait3A_380 = arith.constant 0 : i32
        %dma_wait3A_381 = arith.constant 0 : i32
        %dma_wait3A_382 = tpu.memref_slice %arg7[%rem3A_346, %dma_wait3A_380, %dma_wait3A_381] : memref<2x128x128xf32, #tpu.memory_space<vmem>> -> memref<1x128x128xf32, #tpu.memory_space<vmem>>
        %dma_wait3A_383 = tpu.memref_squeeze %dma_wait3A_382 : memref<1x128x128xf32, #tpu.memory_space<vmem>> -> memref<128x128xf32, #tpu.memory_space<vmem>>
        %dma_wait3A_384 = arith.constant 0 : i32
        %dma_wait3A_385 = tpu.memref_slice %arg6[%rem3A_348, %run_scoped3A, %dma_wait3A_384] : memref<4x2x128xi32, #tpu.memory_space<vmem>> -> memref<1x1x128xi32, #tpu.memory_space<vmem>>
        %dma_wait3A_386 = tpu.memref_squeeze %dma_wait3A_385 : memref<1x1x128xi32, #tpu.memory_space<vmem>> -> memref<128xi32, #tpu.memory_space<vmem>>
        %dma_wait3A_387 = arith.constant 0 : i32
        %dma_wait3A_388 = arith.constant 0 : i32
        %dma_wait3A_389 = tpu.memref_slice %arg5[%dma_wait3A_387, %dma_wait3A_388] : memref<10240x128xf32, #tpu.memory_space<vmem_shared>> -> memref<10240x128xf32, #tpu.memory_space<vmem_shared>>
        tpu.wait_indirect_dma semaphore(%run_scoped3A_369 : memref<!tpu.dma_semaphore, #tpu.memory_space<semaphore_mem>>) src(%dma_wait3A_383 : memref<128x128xf32, #tpu.memory_space<vmem>>) dst(%dma_wait3A_389 : memref<10240x128xf32, #tpu.memory_space<vmem_shared>>)
        tpu.yield
      }) : () -> ()
    }
    %while3A_253 = arith.constant 1 : i32
    scf.for %while3A_345 = %while3A_251 to %while3A_247 step %while3A_253  : i32 {
      %rem3A = arith.constant 2 : i32
      %rem3A_346 = arith.remsi %while3A_345, %rem3A : i32
      %rem3A_347 = arith.constant 4 : i32
      %rem3A_348 = arith.remsi %while3A_345, %rem3A_347 : i32
      %add3A_349 = arith.constant 2 : i32
      %add3A_350 = arith.addi %while3A_345, %add3A_349 : i32
      %lt3A = arith.cmpi slt, %add3A_350, %select_n3A : i32
      %convert_element_type3A = arith.extui %lt3A : i1 to i32
      %cond3A = arith.constant 0 : i32
      %cond3A_351 = arith.cmpi ne, %convert_element_type3A, %cond3A : i32
      scf.if %cond3A_351 {
        %add3A_369 = arith.constant 2 : i32
        %add3A_370 = arith.addi %while3A_345, %add3A_369 : i32
        %add3A_371 = arith.constant 2 : i32
        %add3A_372 = arith.addi %while3A_345, %add3A_371 : i32
        %rem3A_373 = arith.constant 4 : i32
        %rem3A_374 = arith.remsi %add3A_372, %rem3A_373 : i32
        %add3A_375 = arith.addi %mul3A_172, %add3A_370 : i32
        %dma_start3A_376 = arith.constant 0 : i32
        %dma_start3A_377 = arith.constant 0 : i32
        %dma_start3A_378 = tpu.memref_slice %arg6[%rem3A_374, %dma_start3A_376, %dma_start3A_377] : memref<4x2x128xi32, #tpu.memory_space<vmem>> -> memref<1x2x128xi32, #tpu.memory_space<vmem>>
        %dma_start3A_379 = tpu.memref_squeeze %dma_start3A_378 : memref<1x2x128xi32, #tpu.memory_space<vmem>> -> memref<2x128xi32, #tpu.memory_space<vmem>>
        %dma_start3A_380 = arith.constant 0 : i32
        %dma_start3A_381 = arith.constant 0 : i32
        %dma_start3A_382 = tpu.memref_slice %arg3[%arg1, %add3A_375, %dma_start3A_380, %dma_start3A_381] : memref<16x157x2x128xi32, #tpu.memory_space<hbm>> -> memref<1x1x2x128xi32, #tpu.memory_space<hbm>>
        %dma_start3A_383 = tpu.memref_squeeze %dma_start3A_382 : memref<1x1x2x128xi32, #tpu.memory_space<hbm>> -> memref<2x128xi32, #tpu.memory_space<hbm>>
        %dma_start3A_384 = arith.constant 0 : i32
        %dma_start3A_385 = arith.constant 0 : i32
        %dma_start3A_386 = tpu.memref_slice %arg6[%rem3A_374, %dma_start3A_384, %dma_start3A_385] : memref<4x2x128xi32, #tpu.memory_space<vmem>> -> memref<1x2x128xi32, #tpu.memory_space<vmem>>
        %dma_start3A_387 = tpu.memref_squeeze %dma_start3A_386 : memref<1x2x128xi32, #tpu.memory_space<vmem>> -> memref<2x128xi32, #tpu.memory_space<vmem>>
        %dma_start3A_388 = arith.constant 0 : i32
        %dma_start3A_389 = arith.constant 0 : i32
        %dma_start3A_390 = tpu.memref_slice %arg3[%arg1, %add3A_375, %dma_start3A_388, %dma_start3A_389] : memref<16x157x2x128xi32, #tpu.memory_space<hbm>> -> memref<1x1x2x128xi32, #tpu.memory_space<hbm>>
        %dma_start3A_391 = tpu.memref_squeeze %dma_start3A_390 : memref<1x1x2x128xi32, #tpu.memory_space<hbm>> -> memref<2x128xi32, #tpu.memory_space<hbm>>
        tpu.enqueue_dma source(%dma_start3A_391 : memref<2x128xi32, #tpu.memory_space<hbm>>) target(%dma_start3A_387 : memref<2x128xi32, #tpu.memory_space<vmem>>) target_semaphore(%arg8 : memref<!tpu.dma_semaphore, #tpu.memory_space<semaphore_mem>>)
      } else {
      }
      %add3A_352 = arith.constant 1 : i32
      %add3A_353 = arith.addi %while3A_345, %add3A_352 : i32
      %lt3A_354 = arith.cmpi slt, %add3A_353, %select_n3A : i32
      %convert_element_type3A_355 = arith.extui %lt3A_354 : i1 to i32
      %cond3A_356 = arith.constant 0 : i32
      %cond3A_357 = arith.cmpi ne, %convert_element_type3A_355, %cond3A_356 : i32
      scf.if %cond3A_357 {
        %add3A_369 = arith.constant 1 : i32
        %add3A_370 = arith.addi %while3A_345, %add3A_369 : i32
        %add3A_371 = arith.constant 1 : i32
        %add3A_372 = arith.addi %while3A_345, %add3A_371 : i32
        %rem3A_373 = arith.constant 4 : i32
        %rem3A_374 = arith.remsi %add3A_372, %rem3A_373 : i32
        %add3A_375 = arith.addi %mul3A_172, %add3A_370 : i32
        %dma_wait3A_376 = arith.constant 0 : i32
        %dma_wait3A_377 = arith.constant 0 : i32
        %dma_wait3A_378 = tpu.memref_slice %arg6[%rem3A_374, %dma_wait3A_376, %dma_wait3A_377] : memref<4x2x128xi32, #tpu.memory_space<vmem>> -> memref<1x2x128xi32, #tpu.memory_space<vmem>>
        %dma_wait3A_379 = tpu.memref_squeeze %dma_wait3A_378 : memref<1x2x128xi32, #tpu.memory_space<vmem>> -> memref<2x128xi32, #tpu.memory_space<vmem>>
        %dma_wait3A_380 = arith.constant 0 : i32
        %dma_wait3A_381 = arith.constant 0 : i32
        %dma_wait3A_382 = tpu.memref_slice %arg3[%arg1, %add3A_375, %dma_wait3A_380, %dma_wait3A_381] : memref<16x157x2x128xi32, #tpu.memory_space<hbm>> -> memref<1x1x2x128xi32, #tpu.memory_space<hbm>>
        %dma_wait3A_383 = tpu.memref_squeeze %dma_wait3A_382 : memref<1x1x2x128xi32, #tpu.memory_space<hbm>> -> memref<2x128xi32, #tpu.memory_space<hbm>>
        %dma_wait3A_384 = arith.constant 0 : i32
        %dma_wait3A_385 = arith.constant 0 : i32
        %dma_wait3A_386 = tpu.memref_slice %arg6[%rem3A_374, %dma_wait3A_384, %dma_wait3A_385] : memref<4x2x128xi32, #tpu.memory_space<vmem>> -> memref<1x2x128xi32, #tpu.memory_space<vmem>>
        %dma_wait3A_387 = tpu.memref_squeeze %dma_wait3A_386 : memref<1x2x128xi32, #tpu.memory_space<vmem>> -> memref<2x128xi32, #tpu.memory_space<vmem>>
        %dma_wait3A_388 = arith.constant 0 : i32
        %dma_wait3A_389 = arith.constant 0 : i32
        %dma_wait3A_390 = tpu.memref_slice %arg3[%arg1, %add3A_375, %dma_wait3A_388, %dma_wait3A_389] : memref<16x157x2x128xi32, #tpu.memory_space<hbm>> -> memref<1x1x2x128xi32, #tpu.memory_space<hbm>>
        %dma_wait3A_391 = tpu.memref_squeeze %dma_wait3A_390 : memref<1x1x2x128xi32, #tpu.memory_space<hbm>> -> memref<2x128xi32, #tpu.memory_space<hbm>>
        tpu.wait_dma2 semaphore(%arg8 : memref<!tpu.dma_semaphore, #tpu.memory_space<semaphore_mem>>) src(%dma_wait3A_391 : memref<2x128xi32, #tpu.memory_space<hbm>>) dst(%dma_wait3A_387 : memref<2x128xi32, #tpu.memory_space<vmem>>)
        %add3A_392 = arith.constant 1 : i32
        %add3A_393 = arith.addi %while3A_345, %add3A_392 : i32
        %rem3A_394 = arith.constant 4 : i32
        %rem3A_395 = arith.remsi %add3A_393, %rem3A_394 : i32
        %sub3A = arith.constant 1 : i32
        %sub3A_396 = arith.subi %sub3A, %rem3A_346 : i32
        %dma_start3A_397 = arith.constant 0 : i32
        %dma_start3A_398 = arith.constant 0 : i32
        %dma_start3A_399 = arith.constant 0 : i32
        %dma_start3A_400 = tpu.memref_slice %arg7[%sub3A_396, %dma_start3A_398, %dma_start3A_399] : memref<2x128x128xf32, #tpu.memory_space<vmem>> -> memref<1x128x128xf32, #tpu.memory_space<vmem>>
        %dma_start3A_401 = tpu.memref_squeeze %dma_start3A_400 : memref<1x128x128xf32, #tpu.memory_space<vmem>> -> memref<128x128xf32, #tpu.memory_space<vmem>>
        %dma_start3A_402 = arith.constant 0 : i32
        %dma_start3A_403 = tpu.memref_slice %arg6[%rem3A_395, %dma_start3A_397, %dma_start3A_402] : memref<4x2x128xi32, #tpu.memory_space<vmem>> -> memref<1x1x128xi32, #tpu.memory_space<vmem>>
        %dma_start3A_404 = tpu.memref_squeeze %dma_start3A_403 : memref<1x1x128xi32, #tpu.memory_space<vmem>> -> memref<128xi32, #tpu.memory_space<vmem>>
        %dma_start3A_405 = arith.constant 0 : i32
        %dma_start3A_406 = arith.constant 0 : i32
        %dma_start3A_407 = tpu.memref_slice %arg2[%dma_start3A_405, %dma_start3A_406] : memref<10240x128xf32, #tpu.memory_space<hbm>> -> memref<10240x128xf32, #tpu.memory_space<hbm>>
        tpu.enqueue_indirect_dma source(%dma_start3A_407 : memref<10240x128xf32, #tpu.memory_space<hbm>>) target(%dma_start3A_401 : memref<128x128xf32, #tpu.memory_space<vmem>>) offsets(%dma_start3A_404 : memref<128xi32, #tpu.memory_space<vmem>>) semaphore(%arg9 : memref<!tpu.dma_semaphore, #tpu.memory_space<semaphore_mem>>)
      } else {
      }
      %dma_wait3A_358 = arith.constant 0 : i32
      %dma_wait3A_359 = arith.constant 0 : i32
      %dma_wait3A_360 = arith.constant 0 : i32
      %dma_wait3A_361 = tpu.memref_slice %arg7[%rem3A_346, %dma_wait3A_359, %dma_wait3A_360] : memref<2x128x128xf32, #tpu.memory_space<vmem>> -> memref<1x128x128xf32, #tpu.memory_space<vmem>>
      %dma_wait3A_362 = tpu.memref_squeeze %dma_wait3A_361 : memref<1x128x128xf32, #tpu.memory_space<vmem>> -> memref<128x128xf32, #tpu.memory_space<vmem>>
      %dma_wait3A_363 = arith.constant 0 : i32
      %dma_wait3A_364 = tpu.memref_slice %arg6[%rem3A_348, %dma_wait3A_358, %dma_wait3A_363] : memref<4x2x128xi32, #tpu.memory_space<vmem>> -> memref<1x1x128xi32, #tpu.memory_space<vmem>>
      %dma_wait3A_365 = tpu.memref_squeeze %dma_wait3A_364 : memref<1x1x128xi32, #tpu.memory_space<vmem>> -> memref<128xi32, #tpu.memory_space<vmem>>
      %dma_wait3A_366 = arith.constant 0 : i32
      %dma_wait3A_367 = arith.constant 0 : i32
      %dma_wait3A_368 = tpu.memref_slice %arg2[%dma_wait3A_366, %dma_wait3A_367] : memref<10240x128xf32, #tpu.memory_space<hbm>> -> memref<10240x128xf32, #tpu.memory_space<hbm>>
      tpu.wait_indirect_dma semaphore(%arg9 : memref<!tpu.dma_semaphore, #tpu.memory_space<semaphore_mem>>) src(%dma_wait3A_368 : memref<10240x128xf32, #tpu.memory_space<hbm>>) dst(%dma_wait3A_362 : memref<128x128xf32, #tpu.memory_space<vmem>>)
      %run_scoped3A = arith.constant 1 : i32
      "tpu.region"() ({
        %run_scoped3A_369 = tpu.sem_alloc : memref<!tpu.dma_semaphore, #tpu.memory_space<semaphore_mem>>
        %dma_start3A_370 = arith.constant 0 : i32
        %dma_start3A_371 = arith.constant 0 : i32
        %dma_start3A_372 = tpu.memref_slice %arg7[%rem3A_346, %dma_start3A_370, %dma_start3A_371] : memref<2x128x128xf32, #tpu.memory_space<vmem>> -> memref<1x128x128xf32, #tpu.memory_space<vmem>>
        %dma_start3A_373 = tpu.memref_squeeze %dma_start3A_372 : memref<1x128x128xf32, #tpu.memory_space<vmem>> -> memref<128x128xf32, #tpu.memory_space<vmem>>
        %dma_start3A_374 = arith.constant 0 : i32
        %dma_start3A_375 = tpu.memref_slice %arg6[%rem3A_348, %run_scoped3A, %dma_start3A_374] : memref<4x2x128xi32, #tpu.memory_space<vmem>> -> memref<1x1x128xi32, #tpu.memory_space<vmem>>
        %dma_start3A_376 = tpu.memref_squeeze %dma_start3A_375 : memref<1x1x128xi32, #tpu.memory_space<vmem>> -> memref<128xi32, #tpu.memory_space<vmem>>
        %dma_start3A_377 = arith.constant 0 : i32
        %dma_start3A_378 = arith.constant 0 : i32
        %dma_start3A_379 = tpu.memref_slice %arg5[%dma_start3A_377, %dma_start3A_378] : memref<10240x128xf32, #tpu.memory_space<vmem_shared>> -> memref<10240x128xf32, #tpu.memory_space<vmem_shared>>
        tpu.enqueue_indirect_dma source(%dma_start3A_373 : memref<128x128xf32, #tpu.memory_space<vmem>>) target(%dma_start3A_379 : memref<10240x128xf32, #tpu.memory_space<vmem_shared>>) offsets(%dma_start3A_376 : memref<128xi32, #tpu.memory_space<vmem>>) semaphore(%run_scoped3A_369 : memref<!tpu.dma_semaphore, #tpu.memory_space<semaphore_mem>>) {add = true}
        %dma_wait3A_380 = arith.constant 0 : i32
        %dma_wait3A_381 = arith.constant 0 : i32
        %dma_wait3A_382 = tpu.memref_slice %arg7[%rem3A_346, %dma_wait3A_380, %dma_wait3A_381] : memref<2x128x128xf32, #tpu.memory_space<vmem>> -> memref<1x128x128xf32, #tpu.memory_space<vmem>>
        %dma_wait3A_383 = tpu.memref_squeeze %dma_wait3A_382 : memref<1x128x128xf32, #tpu.memory_space<vmem>> -> memref<128x128xf32, #tpu.memory_space<vmem>>
        %dma_wait3A_384 = arith.constant 0 : i32
        %dma_wait3A_385 = tpu.memref_slice %arg6[%rem3A_348, %run_scoped3A, %dma_wait3A_384] : memref<4x2x128xi32, #tpu.memory_space<vmem>> -> memref<1x1x128xi32, #tpu.memory_space<vmem>>
        %dma_wait3A_386 = tpu.memref_squeeze %dma_wait3A_385 : memref<1x1x128xi32, #tpu.memory_space<vmem>> -> memref<128xi32, #tpu.memory_space<vmem>>
        %dma_wait3A_387 = arith.constant 0 : i32
        %dma_wait3A_388 = arith.constant 0 : i32
        %dma_wait3A_389 = tpu.memref_slice %arg5[%dma_wait3A_387, %dma_wait3A_388] : memref<10240x128xf32, #tpu.memory_space<vmem_shared>> -> memref<10240x128xf32, #tpu.memory_space<vmem_shared>>
        tpu.wait_indirect_dma semaphore(%run_scoped3A_369 : memref<!tpu.dma_semaphore, #tpu.memory_space<semaphore_mem>>) src(%dma_wait3A_383 : memref<128x128xf32, #tpu.memory_space<vmem>>) dst(%dma_wait3A_389 : memref<10240x128xf32, #tpu.memory_space<vmem_shared>>)
        tpu.yield
      }) : () -> ()
    }
    %barrier3A_254 = arith.constant 0 : index
    tpu.barrier barrier_id(%barrier3A_254)
    %mul3A_255 = arith.constant 640 : i32
    %mul3A_256 = arith.muli %arg1, %mul3A_255 : i32
    %add3A_257 = arith.constant 0 : i32
    %add3A_258 = arith.addi %mul3A_256, %add3A_257 : i32
    %dma_start3A_259 = arith.constant 0 : i32
    %dma_start3A_260 = tpu.memref_slice %arg4[%arg0, %add3A_258, %dma_start3A_259] : memref<2x10240x128xf32, #tpu.memory_space<hbm>> -> memref<1x128x128xf32, #tpu.memory_space<hbm>>
    %dma_start3A_261 = tpu.memref_squeeze %dma_start3A_260 : memref<1x128x128xf32, #tpu.memory_space<hbm>> -> memref<128x128xf32, #tpu.memory_space<hbm>>
    %dma_start3A_262 = arith.constant 0 : i32
    %dma_start3A_263 = tpu.memref_slice %arg5[%add3A_258, %dma_start3A_262] : memref<10240x128xf32, #tpu.memory_space<vmem_shared>> -> memref<128x128xf32, #tpu.memory_space<vmem_shared>>
    tpu.enqueue_dma source(%dma_start3A_263 : memref<128x128xf32, #tpu.memory_space<vmem_shared>>) target(%dma_start3A_261 : memref<128x128xf32, #tpu.memory_space<hbm>>) target_semaphore(%arg8 : memref<!tpu.dma_semaphore, #tpu.memory_space<semaphore_mem>>)
    %mul3A_264 = arith.constant 640 : i32
    %mul3A_265 = arith.muli %arg1, %mul3A_264 : i32
    %add3A_266 = arith.constant 128 : i32
    %add3A_267 = arith.addi %mul3A_265, %add3A_266 : i32
    %dma_start3A_268 = arith.constant 0 : i32
    %dma_start3A_269 = tpu.memref_slice %arg4[%arg0, %add3A_267, %dma_start3A_268] : memref<2x10240x128xf32, #tpu.memory_space<hbm>> -> memref<1x128x128xf32, #tpu.memory_space<hbm>>
    %dma_start3A_270 = tpu.memref_squeeze %dma_start3A_269 : memref<1x128x128xf32, #tpu.memory_space<hbm>> -> memref<128x128xf32, #tpu.memory_space<hbm>>
    %dma_start3A_271 = arith.constant 0 : i32
    %dma_start3A_272 = tpu.memref_slice %arg5[%add3A_267, %dma_start3A_271] : memref<10240x128xf32, #tpu.memory_space<vmem_shared>> -> memref<128x128xf32, #tpu.memory_space<vmem_shared>>
    tpu.enqueue_dma source(%dma_start3A_272 : memref<128x128xf32, #tpu.memory_space<vmem_shared>>) target(%dma_start3A_270 : memref<128x128xf32, #tpu.memory_space<hbm>>) target_semaphore(%arg8 : memref<!tpu.dma_semaphore, #tpu.memory_space<semaphore_mem>>)
    %mul3A_273 = arith.constant 640 : i32
    %mul3A_274 = arith.muli %arg1, %mul3A_273 : i32
    %add3A_275 = arith.constant 256 : i32
    %add3A_276 = arith.addi %mul3A_274, %add3A_275 : i32
    %dma_start3A_277 = arith.constant 0 : i32
    %dma_start3A_278 = tpu.memref_slice %arg4[%arg0, %add3A_276, %dma_start3A_277] : memref<2x10240x128xf32, #tpu.memory_space<hbm>> -> memref<1x128x128xf32, #tpu.memory_space<hbm>>
    %dma_start3A_279 = tpu.memref_squeeze %dma_start3A_278 : memref<1x128x128xf32, #tpu.memory_space<hbm>> -> memref<128x128xf32, #tpu.memory_space<hbm>>
    %dma_start3A_280 = arith.constant 0 : i32
    %dma_start3A_281 = tpu.memref_slice %arg5[%add3A_276, %dma_start3A_280] : memref<10240x128xf32, #tpu.memory_space<vmem_shared>> -> memref<128x128xf32, #tpu.memory_space<vmem_shared>>
    tpu.enqueue_dma source(%dma_start3A_281 : memref<128x128xf32, #tpu.memory_space<vmem_shared>>) target(%dma_start3A_279 : memref<128x128xf32, #tpu.memory_space<hbm>>) target_semaphore(%arg8 : memref<!tpu.dma_semaphore, #tpu.memory_space<semaphore_mem>>)
    %mul3A_282 = arith.constant 640 : i32
    %mul3A_283 = arith.muli %arg1, %mul3A_282 : i32
    %add3A_284 = arith.constant 384 : i32
    %add3A_285 = arith.addi %mul3A_283, %add3A_284 : i32
    %dma_start3A_286 = arith.constant 0 : i32
    %dma_start3A_287 = tpu.memref_slice %arg4[%arg0, %add3A_285, %dma_start3A_286] : memref<2x10240x128xf32, #tpu.memory_space<hbm>> -> memref<1x128x128xf32, #tpu.memory_space<hbm>>
    %dma_start3A_288 = tpu.memref_squeeze %dma_start3A_287 : memref<1x128x128xf32, #tpu.memory_space<hbm>> -> memref<128x128xf32, #tpu.memory_space<hbm>>
    %dma_start3A_289 = arith.constant 0 : i32
    %dma_start3A_290 = tpu.memref_slice %arg5[%add3A_285, %dma_start3A_289] : memref<10240x128xf32, #tpu.memory_space<vmem_shared>> -> memref<128x128xf32, #tpu.memory_space<vmem_shared>>
    tpu.enqueue_dma source(%dma_start3A_290 : memref<128x128xf32, #tpu.memory_space<vmem_shared>>) target(%dma_start3A_288 : memref<128x128xf32, #tpu.memory_space<hbm>>) target_semaphore(%arg8 : memref<!tpu.dma_semaphore, #tpu.memory_space<semaphore_mem>>)
    %mul3A_291 = arith.constant 640 : i32
    %mul3A_292 = arith.muli %arg1, %mul3A_291 : i32
    %add3A_293 = arith.constant 512 : i32
    %add3A_294 = arith.addi %mul3A_292, %add3A_293 : i32
    %dma_start3A_295 = arith.constant 0 : i32
    %dma_start3A_296 = tpu.memref_slice %arg4[%arg0, %add3A_294, %dma_start3A_295] : memref<2x10240x128xf32, #tpu.memory_space<hbm>> -> memref<1x128x128xf32, #tpu.memory_space<hbm>>
    %dma_start3A_297 = tpu.memref_squeeze %dma_start3A_296 : memref<1x128x128xf32, #tpu.memory_space<hbm>> -> memref<128x128xf32, #tpu.memory_space<hbm>>
    %dma_start3A_298 = arith.constant 0 : i32
    %dma_start3A_299 = tpu.memref_slice %arg5[%add3A_294, %dma_start3A_298] : memref<10240x128xf32, #tpu.memory_space<vmem_shared>> -> memref<128x128xf32, #tpu.memory_space<vmem_shared>>
    tpu.enqueue_dma source(%dma_start3A_299 : memref<128x128xf32, #tpu.memory_space<vmem_shared>>) target(%dma_start3A_297 : memref<128x128xf32, #tpu.memory_space<hbm>>) target_semaphore(%arg8 : memref<!tpu.dma_semaphore, #tpu.memory_space<semaphore_mem>>)
    %mul3A_300 = arith.constant 640 : i32
    %mul3A_301 = arith.muli %arg1, %mul3A_300 : i32
    %add3A_302 = arith.constant 0 : i32
    %add3A_303 = arith.addi %mul3A_301, %add3A_302 : i32
    %dma_wait3A_304 = arith.constant 0 : i32
    %dma_wait3A_305 = tpu.memref_slice %arg4[%arg0, %add3A_303, %dma_wait3A_304] : memref<2x10240x128xf32, #tpu.memory_space<hbm>> -> memref<1x128x128xf32, #tpu.memory_space<hbm>>
    %dma_wait3A_306 = tpu.memref_squeeze %dma_wait3A_305 : memref<1x128x128xf32, #tpu.memory_space<hbm>> -> memref<128x128xf32, #tpu.memory_space<hbm>>
    %dma_wait3A_307 = arith.constant 0 : i32
    %dma_wait3A_308 = tpu.memref_slice %arg5[%add3A_303, %dma_wait3A_307] : memref<10240x128xf32, #tpu.memory_space<vmem_shared>> -> memref<128x128xf32, #tpu.memory_space<vmem_shared>>
    tpu.wait_dma2 semaphore(%arg8 : memref<!tpu.dma_semaphore, #tpu.memory_space<semaphore_mem>>) src(%dma_wait3A_308 : memref<128x128xf32, #tpu.memory_space<vmem_shared>>) dst(%dma_wait3A_306 : memref<128x128xf32, #tpu.memory_space<hbm>>)
    %mul3A_309 = arith.constant 640 : i32
    %mul3A_310 = arith.muli %arg1, %mul3A_309 : i32
    %add3A_311 = arith.constant 128 : i32
    %add3A_312 = arith.addi %mul3A_310, %add3A_311 : i32
    %dma_wait3A_313 = arith.constant 0 : i32
    %dma_wait3A_314 = tpu.memref_slice %arg4[%arg0, %add3A_312, %dma_wait3A_313] : memref<2x10240x128xf32, #tpu.memory_space<hbm>> -> memref<1x128x128xf32, #tpu.memory_space<hbm>>
    %dma_wait3A_315 = tpu.memref_squeeze %dma_wait3A_314 : memref<1x128x128xf32, #tpu.memory_space<hbm>> -> memref<128x128xf32, #tpu.memory_space<hbm>>
    %dma_wait3A_316 = arith.constant 0 : i32
    %dma_wait3A_317 = tpu.memref_slice %arg5[%add3A_312, %dma_wait3A_316] : memref<10240x128xf32, #tpu.memory_space<vmem_shared>> -> memref<128x128xf32, #tpu.memory_space<vmem_shared>>
    tpu.wait_dma2 semaphore(%arg8 : memref<!tpu.dma_semaphore, #tpu.memory_space<semaphore_mem>>) src(%dma_wait3A_317 : memref<128x128xf32, #tpu.memory_space<vmem_shared>>) dst(%dma_wait3A_315 : memref<128x128xf32, #tpu.memory_space<hbm>>)
    %mul3A_318 = arith.constant 640 : i32
    %mul3A_319 = arith.muli %arg1, %mul3A_318 : i32
    %add3A_320 = arith.constant 256 : i32
    %add3A_321 = arith.addi %mul3A_319, %add3A_320 : i32
    %dma_wait3A_322 = arith.constant 0 : i32
    %dma_wait3A_323 = tpu.memref_slice %arg4[%arg0, %add3A_321, %dma_wait3A_322] : memref<2x10240x128xf32, #tpu.memory_space<hbm>> -> memref<1x128x128xf32, #tpu.memory_space<hbm>>
    %dma_wait3A_324 = tpu.memref_squeeze %dma_wait3A_323 : memref<1x128x128xf32, #tpu.memory_space<hbm>> -> memref<128x128xf32, #tpu.memory_space<hbm>>
    %dma_wait3A_325 = arith.constant 0 : i32
    %dma_wait3A_326 = tpu.memref_slice %arg5[%add3A_321, %dma_wait3A_325] : memref<10240x128xf32, #tpu.memory_space<vmem_shared>> -> memref<128x128xf32, #tpu.memory_space<vmem_shared>>
    tpu.wait_dma2 semaphore(%arg8 : memref<!tpu.dma_semaphore, #tpu.memory_space<semaphore_mem>>) src(%dma_wait3A_326 : memref<128x128xf32, #tpu.memory_space<vmem_shared>>) dst(%dma_wait3A_324 : memref<128x128xf32, #tpu.memory_space<hbm>>)
    %mul3A_327 = arith.constant 640 : i32
    %mul3A_328 = arith.muli %arg1, %mul3A_327 : i32
    %add3A_329 = arith.constant 384 : i32
    %add3A_330 = arith.addi %mul3A_328, %add3A_329 : i32
    %dma_wait3A_331 = arith.constant 0 : i32
    %dma_wait3A_332 = tpu.memref_slice %arg4[%arg0, %add3A_330, %dma_wait3A_331] : memref<2x10240x128xf32, #tpu.memory_space<hbm>> -> memref<1x128x128xf32, #tpu.memory_space<hbm>>
    %dma_wait3A_333 = tpu.memref_squeeze %dma_wait3A_332 : memref<1x128x128xf32, #tpu.memory_space<hbm>> -> memref<128x128xf32, #tpu.memory_space<hbm>>
    %dma_wait3A_334 = arith.constant 0 : i32
    %dma_wait3A_335 = tpu.memref_slice %arg5[%add3A_330, %dma_wait3A_334] : memref<10240x128xf32, #tpu.memory_space<vmem_shared>> -> memref<128x128xf32, #tpu.memory_space<vmem_shared>>
    tpu.wait_dma2 semaphore(%arg8 : memref<!tpu.dma_semaphore, #tpu.memory_space<semaphore_mem>>) src(%dma_wait3A_335 : memref<128x128xf32, #tpu.memory_space<vmem_shared>>) dst(%dma_wait3A_333 : memref<128x128xf32, #tpu.memory_space<hbm>>)
    %mul3A_336 = arith.constant 640 : i32
    %mul3A_337 = arith.muli %arg1, %mul3A_336 : i32
    %add3A_338 = arith.constant 512 : i32
    %add3A_339 = arith.addi %mul3A_337, %add3A_338 : i32
    %dma_wait3A_340 = arith.constant 0 : i32
    %dma_wait3A_341 = tpu.memref_slice %arg4[%arg0, %add3A_339, %dma_wait3A_340] : memref<2x10240x128xf32, #tpu.memory_space<hbm>> -> memref<1x128x128xf32, #tpu.memory_space<hbm>>
    %dma_wait3A_342 = tpu.memref_squeeze %dma_wait3A_341 : memref<1x128x128xf32, #tpu.memory_space<hbm>> -> memref<128x128xf32, #tpu.memory_space<hbm>>
    %dma_wait3A_343 = arith.constant 0 : i32
    %dma_wait3A_344 = tpu.memref_slice %arg5[%add3A_339, %dma_wait3A_343] : memref<10240x128xf32, #tpu.memory_space<vmem_shared>> -> memref<128x128xf32, #tpu.memory_space<vmem_shared>>
    tpu.wait_dma2 semaphore(%arg8 : memref<!tpu.dma_semaphore, #tpu.memory_space<semaphore_mem>>) src(%dma_wait3A_344 : memref<128x128xf32, #tpu.memory_space<vmem_shared>>) dst(%dma_wait3A_342 : memref<128x128xf32, #tpu.memory_space<hbm>>)
    return
  }
}

#map = affine_map<(d0, d1) -> (0, 0)>
#map1 = affine_map<(d0, d1) -> (0, 0, 0, 0)>
#map2 = affine_map<(d0, d1) -> (0, 0, 0)>
module attributes {stable_mosaic.version = 14 : i64} {
  func.func @_seg_body(%arg0: i32, %arg1: i32, %arg2: memref<10240x128xf32, #tpu.memory_space<hbm>>, %arg3: memref<16x157x2x128xi32, #tpu.memory_space<hbm>>, %arg4: memref<2x10240x128xf32, #tpu.memory_space<hbm>>, %arg5: memref<10240x128xf32, #tpu.memory_space<vmem_shared>>, %arg6: memref<4x2x128xi32, #tpu.memory_space<vmem>>, %arg7: memref<2x128x128xf32, #tpu.memory_space<vmem>>, %arg8: memref<!tpu.dma_semaphore, #tpu.memory_space<semaphore_mem>>, %arg9: memref<!tpu.dma_semaphore, #tpu.memory_space<semaphore_mem>>) attributes {dimension_semantics = [#tpu.dimension_semantics<core_parallel>, #tpu.dimension_semantics<subcore_parallel>], iteration_bounds = array<i64: 2, 16>, scalar_prefetch = 0 : i64, scratch_operands = 5 : i64, tpu.core_type = #tpu.core_type<sc_vector_subcore>, window_params = [{transform_indices = #map}, {transform_indices = #map1}, {transform_indices = #map2}]} {
    %scan3A = arith.constant 0 : i32
    %scan3A_0 = arith.constant 0 : i32
    %scan3A_1 = arith.constant 128 : i32
    %scan3A_2 = arith.addi %scan3A_0, %scan3A_1 : i32
    %scan3A_3 = arith.constant 1 : i32
    scf.for %scan3A_345 = %scan3A_0 to %scan3A_2 step %scan3A_3  : i32 {
      %broadcast_in_dim3A = arith.constant 0.000000e+00 : f32
      %broadcast_in_dim3A_346 = vector.broadcast %broadcast_in_dim3A : f32 to vector<16xf32>
      %swap3A = arith.constant 0 : i32
      %swap3A_347 = arith.index_cast %swap3A : i32 to index
      %swap3A_348 = arith.index_cast %scan3A_345 : i32 to index
      %swap3A_349 = arith.constant 0 : index
      %swap3A_350 = tpu.vector_load %arg7[%swap3A_347, %swap3A_348, %swap3A_349] {strides = array<i32>} : memref<2x128x128xf32, #tpu.memory_space<vmem>>, vector<1x1x16xf32>,
      %swap3A_351 = vector.shape_cast %swap3A_350 : vector<1x1x16xf32> to vector<16xf32>
      %swap3A_352 = vector.shape_cast %broadcast_in_dim3A_346 : vector<16xf32> to vector<1x1x16xf32>
      tpu.vector_store %arg7[%swap3A_347, %swap3A_348, %swap3A_349], %swap3A_352 {strides = array<i32>} : memref<2x128x128xf32, #tpu.memory_space<vmem>>, vector<1x1x16xf32>,
      %broadcast_in_dim3A_353 = arith.constant 0.000000e+00 : f32
      %broadcast_in_dim3A_354 = vector.broadcast %broadcast_in_dim3A_353 : f32 to vector<16xf32>
      %swap3A_355 = arith.constant 0 : i32
      %swap3A_356 = arith.index_cast %swap3A_355 : i32 to index
      %swap3A_357 = arith.index_cast %scan3A_345 : i32 to index
      %swap3A_358 = arith.constant 16 : index
      %swap3A_359 = tpu.vector_load %arg7[%swap3A_356, %swap3A_357, %swap3A_358] {strides = array<i32>} : memref<2x128x128xf32, #tpu.memory_space<vmem>>, vector<1x1x16xf32>,
      %swap3A_360 = vector.shape_cast %swap3A_359 : vector<1x1x16xf32> to vector<16xf32>
      %swap3A_361 = vector.shape_cast %broadcast_in_dim3A_354 : vector<16xf32> to vector<1x1x16xf32>
      tpu.vector_store %arg7[%swap3A_356, %swap3A_357, %swap3A_358], %swap3A_361 {strides = array<i32>} : memref<2x128x128xf32, #tpu.memory_space<vmem>>, vector<1x1x16xf32>,
      %broadcast_in_dim3A_362 = arith.constant 0.000000e+00 : f32
      %broadcast_in_dim3A_363 = vector.broadcast %broadcast_in_dim3A_362 : f32 to vector<16xf32>
      %swap3A_364 = arith.constant 0 : i32
      %swap3A_365 = arith.index_cast %swap3A_364 : i32 to index
      %swap3A_366 = arith.index_cast %scan3A_345 : i32 to index
      %swap3A_367 = arith.constant 32 : index
      %swap3A_368 = tpu.vector_load %arg7[%swap3A_365, %swap3A_366, %swap3A_367] {strides = array<i32>} : memref<2x128x128xf32, #tpu.memory_space<vmem>>, vector<1x1x16xf32>,
      %swap3A_369 = vector.shape_cast %swap3A_368 : vector<1x1x16xf32> to vector<16xf32>
      %swap3A_370 = vector.shape_cast %broadcast_in_dim3A_363 : vector<16xf32> to vector<1x1x16xf32>
      tpu.vector_store %arg7[%swap3A_365, %swap3A_366, %swap3A_367], %swap3A_370 {strides = array<i32>} : memref<2x128x128xf32, #tpu.memory_space<vmem>>, vector<1x1x16xf32>,
      %broadcast_in_dim3A_371 = arith.constant 0.000000e+00 : f32
      %broadcast_in_dim3A_372 = vector.broadcast %broadcast_in_dim3A_371 : f32 to vector<16xf32>
      %swap3A_373 = arith.constant 0 : i32
      %swap3A_374 = arith.index_cast %swap3A_373 : i32 to index
      %swap3A_375 = arith.index_cast %scan3A_345 : i32 to index
      %swap3A_376 = arith.constant 48 : index
      %swap3A_377 = tpu.vector_load %arg7[%swap3A_374, %swap3A_375, %swap3A_376] {strides = array<i32>} : memref<2x128x128xf32, #tpu.memory_space<vmem>>, vector<1x1x16xf32>,
      %swap3A_378 = vector.shape_cast %swap3A_377 : vector<1x1x16xf32> to vector<16xf32>
      %swap3A_379 = vector.shape_cast %broadcast_in_dim3A_372 : vector<16xf32> to vector<1x1x16xf32>
      tpu.vector_store %arg7[%swap3A_374, %swap3A_375, %swap3A_376], %swap3A_379 {strides = array<i32>} : memref<2x128x128xf32, #tpu.memory_space<vmem>>, vector<1x1x16xf32>,
      %broadcast_in_dim3A_380 = arith.constant 0.000000e+00 : f32
      %broadcast_in_dim3A_381 = vector.broadcast %broadcast_in_dim3A_380 : f32 to vector<16xf32>
      %swap3A_382 = arith.constant 0 : i32
      %swap3A_383 = arith.index_cast %swap3A_382 : i32 to index
      %swap3A_384 = arith.index_cast %scan3A_345 : i32 to index
      %swap3A_385 = arith.constant 64 : index
      %swap3A_386 = tpu.vector_load %arg7[%swap3A_383, %swap3A_384, %swap3A_385] {strides = array<i32>} : memref<2x128x128xf32, #tpu.memory_space<vmem>>, vector<1x1x16xf32>,
      %swap3A_387 = vector.shape_cast %swap3A_386 : vector<1x1x16xf32> to vector<16xf32>
      %swap3A_388 = vector.shape_cast %broadcast_in_dim3A_381 : vector<16xf32> to vector<1x1x16xf32>
      tpu.vector_store %arg7[%swap3A_383, %swap3A_384, %swap3A_385], %swap3A_388 {strides = array<i32>} : memref<2x128x128xf32, #tpu.memory_space<vmem>>, vector<1x1x16xf32>,
      %broadcast_in_dim3A_389 = arith.constant 0.000000e+00 : f32
      %broadcast_in_dim3A_390 = vector.broadcast %broadcast_in_dim3A_389 : f32 to vector<16xf32>
      %swap3A_391 = arith.constant 0 : i32
      %swap3A_392 = arith.index_cast %swap3A_391 : i32 to index
      %swap3A_393 = arith.index_cast %scan3A_345 : i32 to index
      %swap3A_394 = arith.constant 80 : index
      %swap3A_395 = tpu.vector_load %arg7[%swap3A_392, %swap3A_393, %swap3A_394] {strides = array<i32>} : memref<2x128x128xf32, #tpu.memory_space<vmem>>, vector<1x1x16xf32>,
      %swap3A_396 = vector.shape_cast %swap3A_395 : vector<1x1x16xf32> to vector<16xf32>
      %swap3A_397 = vector.shape_cast %broadcast_in_dim3A_390 : vector<16xf32> to vector<1x1x16xf32>
      tpu.vector_store %arg7[%swap3A_392, %swap3A_393, %swap3A_394], %swap3A_397 {strides = array<i32>} : memref<2x128x128xf32, #tpu.memory_space<vmem>>, vector<1x1x16xf32>,
      %broadcast_in_dim3A_398 = arith.constant 0.000000e+00 : f32
      %broadcast_in_dim3A_399 = vector.broadcast %broadcast_in_dim3A_398 : f32 to vector<16xf32>
      %swap3A_400 = arith.constant 0 : i32
      %swap3A_401 = arith.index_cast %swap3A_400 : i32 to index
      %swap3A_402 = arith.index_cast %scan3A_345 : i32 to index
      %swap3A_403 = arith.constant 96 : index
      %swap3A_404 = tpu.vector_load %arg7[%swap3A_401, %swap3A_402, %swap3A_403] {strides = array<i32>} : memref<2x128x128xf32, #tpu.memory_space<vmem>>, vector<1x1x16xf32>,
      %swap3A_405 = vector.shape_cast %swap3A_404 : vector<1x1x16xf32> to vector<16xf32>
      %swap3A_406 = vector.shape_cast %broadcast_in_dim3A_399 : vector<16xf32> to vector<1x1x16xf32>
      tpu.vector_store %arg7[%swap3A_401, %swap3A_402, %swap3A_403], %swap3A_406 {strides = array<i32>} : memref<2x128x128xf32, #tpu.memory_space<vmem>>, vector<1x1x16xf32>,
      %broadcast_in_dim3A_407 = arith.constant 0.000000e+00 : f32
      %broadcast_in_dim3A_408 = vector.broadcast %broadcast_in_dim3A_407 : f32 to vector<16xf32>
      %swap3A_409 = arith.constant 0 : i32
      %swap3A_410 = arith.index_cast %swap3A_409 : i32 to index
      %swap3A_411 = arith.index_cast %scan3A_345 : i32 to index
      %swap3A_412 = arith.constant 112 : index
      %swap3A_413 = tpu.vector_load %arg7[%swap3A_410, %swap3A_411, %swap3A_412] {strides = array<i32>} : memref<2x128x128xf32, #tpu.memory_space<vmem>>, vector<1x1x16xf32>,
      %swap3A_414 = vector.shape_cast %swap3A_413 : vector<1x1x16xf32> to vector<16xf32>
      %swap3A_415 = vector.shape_cast %broadcast_in_dim3A_408 : vector<16xf32> to vector<1x1x16xf32>
      tpu.vector_store %arg7[%swap3A_410, %swap3A_411, %swap3A_412], %swap3A_415 {strides = array<i32>} : memref<2x128x128xf32, #tpu.memory_space<vmem>>, vector<1x1x16xf32>,
    }
    %scan3A_4 = arith.constant 128 : i32
    %mul3A = arith.constant 640 : i32
    %mul3A_5 = arith.muli %arg1, %mul3A : i32
    %add3A = arith.constant 0 : i32
    %add3A_6 = arith.addi %mul3A_5, %add3A : i32
    %dma_start3A = arith.constant 0 : i32
    %dma_start3A_7 = arith.constant 0 : i32
    %dma_start3A_8 = arith.constant 0 : i32
    %dma_start3A_9 = tpu.memref_slice %arg7[%dma_start3A, %dma_start3A_7, %dma_start3A_8] : memref<2x128x128xf32, #tpu.memory_space<vmem>> -> memref<1x128x128xf32, #tpu.memory_space<vmem>>
    %dma_start3A_10 = tpu.memref_squeeze %dma_start3A_9 : memref<1x128x128xf32, #tpu.memory_space<vmem>> -> memref<128x128xf32, #tpu.memory_space<vmem>>
    %dma_start3A_11 = arith.constant 0 : i32
    %dma_start3A_12 = tpu.memref_slice %arg5[%add3A_6, %dma_start3A_11] : memref<10240x128xf32, #tpu.memory_space<vmem_shared>> -> memref<128x128xf32, #tpu.memory_space<vmem_shared>>
    %dma_start3A_13 = arith.constant 0 : i32
    %dma_start3A_14 = tpu.memref_slice %arg5[%add3A_6, %dma_start3A_13] : memref<10240x128xf32, #tpu.memory_space<vmem_shared>> -> memref<128x128xf32, #tpu.memory_space<vmem_shared>>
    %dma_start3A_15 = arith.constant 0 : i32
    %dma_start3A_16 = arith.constant 0 : i32
    %dma_start3A_17 = tpu.memref_slice %arg7[%dma_start3A, %dma_start3A_15, %dma_start3A_16] : memref<2x128x128xf32, #tpu.memory_space<vmem>> -> memref<1x128x128xf32, #tpu.memory_space<vmem>>
    %dma_start3A_18 = tpu.memref_squeeze %dma_start3A_17 : memref<1x128x128xf32, #tpu.memory_space<vmem>> -> memref<128x128xf32, #tpu.memory_space<vmem>>
    tpu.enqueue_dma source(%dma_start3A_18 : memref<128x128xf32, #tpu.memory_space<vmem>>) target(%dma_start3A_14 : memref<128x128xf32, #tpu.memory_space<vmem_shared>>) target_semaphore(%arg8 : memref<!tpu.dma_semaphore, #tpu.memory_space<semaphore_mem>>)
    %mul3A_19 = arith.constant 640 : i32
    %mul3A_20 = arith.muli %arg1, %mul3A_19 : i32
    %add3A_21 = arith.constant 128 : i32
    %add3A_22 = arith.addi %mul3A_20, %add3A_21 : i32
    %dma_start3A_23 = arith.constant 0 : i32
    %dma_start3A_24 = arith.constant 0 : i32
    %dma_start3A_25 = arith.constant 0 : i32
    %dma_start3A_26 = tpu.memref_slice %arg7[%dma_start3A_23, %dma_start3A_24, %dma_start3A_25] : memref<2x128x128xf32, #tpu.memory_space<vmem>> -> memref<1x128x128xf32, #tpu.memory_space<vmem>>
    %dma_start3A_27 = tpu.memref_squeeze %dma_start3A_26 : memref<1x128x128xf32, #tpu.memory_space<vmem>> -> memref<128x128xf32, #tpu.memory_space<vmem>>
    %dma_start3A_28 = arith.constant 0 : i32
    %dma_start3A_29 = tpu.memref_slice %arg5[%add3A_22, %dma_start3A_28] : memref<10240x128xf32, #tpu.memory_space<vmem_shared>> -> memref<128x128xf32, #tpu.memory_space<vmem_shared>>
    %dma_start3A_30 = arith.constant 0 : i32
    %dma_start3A_31 = tpu.memref_slice %arg5[%add3A_22, %dma_start3A_30] : memref<10240x128xf32, #tpu.memory_space<vmem_shared>> -> memref<128x128xf32, #tpu.memory_space<vmem_shared>>
    %dma_start3A_32 = arith.constant 0 : i32
    %dma_start3A_33 = arith.constant 0 : i32
    %dma_start3A_34 = tpu.memref_slice %arg7[%dma_start3A_23, %dma_start3A_32, %dma_start3A_33] : memref<2x128x128xf32, #tpu.memory_space<vmem>> -> memref<1x128x128xf32, #tpu.memory_space<vmem>>
    %dma_start3A_35 = tpu.memref_squeeze %dma_start3A_34 : memref<1x128x128xf32, #tpu.memory_space<vmem>> -> memref<128x128xf32, #tpu.memory_space<vmem>>
    tpu.enqueue_dma source(%dma_start3A_35 : memref<128x128xf32, #tpu.memory_space<vmem>>) target(%dma_start3A_31 : memref<128x128xf32, #tpu.memory_space<vmem_shared>>) target_semaphore(%arg8 : memref<!tpu.dma_semaphore, #tpu.memory_space<semaphore_mem>>)
    %mul3A_36 = arith.constant 640 : i32
    %mul3A_37 = arith.muli %arg1, %mul3A_36 : i32
    %add3A_38 = arith.constant 256 : i32
    %add3A_39 = arith.addi %mul3A_37, %add3A_38 : i32
    %dma_start3A_40 = arith.constant 0 : i32
    %dma_start3A_41 = arith.constant 0 : i32
    %dma_start3A_42 = arith.constant 0 : i32
    %dma_start3A_43 = tpu.memref_slice %arg7[%dma_start3A_40, %dma_start3A_41, %dma_start3A_42] : memref<2x128x128xf32, #tpu.memory_space<vmem>> -> memref<1x128x128xf32, #tpu.memory_space<vmem>>
    %dma_start3A_44 = tpu.memref_squeeze %dma_start3A_43 : memref<1x128x128xf32, #tpu.memory_space<vmem>> -> memref<128x128xf32, #tpu.memory_space<vmem>>
    %dma_start3A_45 = arith.constant 0 : i32
    %dma_start3A_46 = tpu.memref_slice %arg5[%add3A_39, %dma_start3A_45] : memref<10240x128xf32, #tpu.memory_space<vmem_shared>> -> memref<128x128xf32, #tpu.memory_space<vmem_shared>>
    %dma_start3A_47 = arith.constant 0 : i32
    %dma_start3A_48 = tpu.memref_slice %arg5[%add3A_39, %dma_start3A_47] : memref<10240x128xf32, #tpu.memory_space<vmem_shared>> -> memref<128x128xf32, #tpu.memory_space<vmem_shared>>
    %dma_start3A_49 = arith.constant 0 : i32
    %dma_start3A_50 = arith.constant 0 : i32
    %dma_start3A_51 = tpu.memref_slice %arg7[%dma_start3A_40, %dma_start3A_49, %dma_start3A_50] : memref<2x128x128xf32, #tpu.memory_space<vmem>> -> memref<1x128x128xf32, #tpu.memory_space<vmem>>
    %dma_start3A_52 = tpu.memref_squeeze %dma_start3A_51 : memref<1x128x128xf32, #tpu.memory_space<vmem>> -> memref<128x128xf32, #tpu.memory_space<vmem>>
    tpu.enqueue_dma source(%dma_start3A_52 : memref<128x128xf32, #tpu.memory_space<vmem>>) target(%dma_start3A_48 : memref<128x128xf32, #tpu.memory_space<vmem_shared>>) target_semaphore(%arg8 : memref<!tpu.dma_semaphore, #tpu.memory_space<semaphore_mem>>)
    %mul3A_53 = arith.constant 640 : i32
    %mul3A_54 = arith.muli %arg1, %mul3A_53 : i32
    %add3A_55 = arith.constant 384 : i32
    %add3A_56 = arith.addi %mul3A_54, %add3A_55 : i32
    %dma_start3A_57 = arith.constant 0 : i32
    %dma_start3A_58 = arith.constant 0 : i32
    %dma_start3A_59 = arith.constant 0 : i32
    %dma_start3A_60 = tpu.memref_slice %arg7[%dma_start3A_57, %dma_start3A_58, %dma_start3A_59] : memref<2x128x128xf32, #tpu.memory_space<vmem>> -> memref<1x128x128xf32, #tpu.memory_space<vmem>>
    %dma_start3A_61 = tpu.memref_squeeze %dma_start3A_60 : memref<1x128x128xf32, #tpu.memory_space<vmem>> -> memref<128x128xf32, #tpu.memory_space<vmem>>
    %dma_start3A_62 = arith.constant 0 : i32
    %dma_start3A_63 = tpu.memref_slice %arg5[%add3A_56, %dma_start3A_62] : memref<10240x128xf32, #tpu.memory_space<vmem_shared>> -> memref<128x128xf32, #tpu.memory_space<vmem_shared>>
    %dma_start3A_64 = arith.constant 0 : i32
    %dma_start3A_65 = tpu.memref_slice %arg5[%add3A_56, %dma_start3A_64] : memref<10240x128xf32, #tpu.memory_space<vmem_shared>> -> memref<128x128xf32, #tpu.memory_space<vmem_shared>>
    %dma_start3A_66 = arith.constant 0 : i32
    %dma_start3A_67 = arith.constant 0 : i32
    %dma_start3A_68 = tpu.memref_slice %arg7[%dma_start3A_57, %dma_start3A_66, %dma_start3A_67] : memref<2x128x128xf32, #tpu.memory_space<vmem>> -> memref<1x128x128xf32, #tpu.memory_space<vmem>>
    %dma_start3A_69 = tpu.memref_squeeze %dma_start3A_68 : memref<1x128x128xf32, #tpu.memory_space<vmem>> -> memref<128x128xf32, #tpu.memory_space<vmem>>
    tpu.enqueue_dma source(%dma_start3A_69 : memref<128x128xf32, #tpu.memory_space<vmem>>) target(%dma_start3A_65 : memref<128x128xf32, #tpu.memory_space<vmem_shared>>) target_semaphore(%arg8 : memref<!tpu.dma_semaphore, #tpu.memory_space<semaphore_mem>>)
    %mul3A_70 = arith.constant 640 : i32
    %mul3A_71 = arith.muli %arg1, %mul3A_70 : i32
    %add3A_72 = arith.constant 512 : i32
    %add3A_73 = arith.addi %mul3A_71, %add3A_72 : i32
    %dma_start3A_74 = arith.constant 0 : i32
    %dma_start3A_75 = arith.constant 0 : i32
    %dma_start3A_76 = arith.constant 0 : i32
    %dma_start3A_77 = tpu.memref_slice %arg7[%dma_start3A_74, %dma_start3A_75, %dma_start3A_76] : memref<2x128x128xf32, #tpu.memory_space<vmem>> -> memref<1x128x128xf32, #tpu.memory_space<vmem>>
    %dma_start3A_78 = tpu.memref_squeeze %dma_start3A_77 : memref<1x128x128xf32, #tpu.memory_space<vmem>> -> memref<128x128xf32, #tpu.memory_space<vmem>>
    %dma_start3A_79 = arith.constant 0 : i32
    %dma_start3A_80 = tpu.memref_slice %arg5[%add3A_73, %dma_start3A_79] : memref<10240x128xf32, #tpu.memory_space<vmem_shared>> -> memref<128x128xf32, #tpu.memory_space<vmem_shared>>
    %dma_start3A_81 = arith.constant 0 : i32
    %dma_start3A_82 = tpu.memref_slice %arg5[%add3A_73, %dma_start3A_81] : memref<10240x128xf32, #tpu.memory_space<vmem_shared>> -> memref<128x128xf32, #tpu.memory_space<vmem_shared>>
    %dma_start3A_83 = arith.constant 0 : i32
    %dma_start3A_84 = arith.constant 0 : i32
    %dma_start3A_85 = tpu.memref_slice %arg7[%dma_start3A_74, %dma_start3A_83, %dma_start3A_84] : memref<2x128x128xf32, #tpu.memory_space<vmem>> -> memref<1x128x128xf32, #tpu.memory_space<vmem>>
    %dma_start3A_86 = tpu.memref_squeeze %dma_start3A_85 : memref<1x128x128xf32, #tpu.memory_space<vmem>> -> memref<128x128xf32, #tpu.memory_space<vmem>>
    tpu.enqueue_dma source(%dma_start3A_86 : memref<128x128xf32, #tpu.memory_space<vmem>>) target(%dma_start3A_82 : memref<128x128xf32, #tpu.memory_space<vmem_shared>>) target_semaphore(%arg8 : memref<!tpu.dma_semaphore, #tpu.memory_space<semaphore_mem>>)
    %mul3A_87 = arith.constant 640 : i32
    %mul3A_88 = arith.muli %arg1, %mul3A_87 : i32
    %add3A_89 = arith.constant 0 : i32
    %add3A_90 = arith.addi %mul3A_88, %add3A_89 : i32
    %dma_wait3A = arith.constant 0 : i32
    %dma_wait3A_91 = arith.constant 0 : i32
    %dma_wait3A_92 = arith.constant 0 : i32
    %dma_wait3A_93 = tpu.memref_slice %arg7[%dma_wait3A, %dma_wait3A_91, %dma_wait3A_92] : memref<2x128x128xf32, #tpu.memory_space<vmem>> -> memref<1x128x128xf32, #tpu.memory_space<vmem>>
    %dma_wait3A_94 = tpu.memref_squeeze %dma_wait3A_93 : memref<1x128x128xf32, #tpu.memory_space<vmem>> -> memref<128x128xf32, #tpu.memory_space<vmem>>
    %dma_wait3A_95 = arith.constant 0 : i32
    %dma_wait3A_96 = tpu.memref_slice %arg5[%add3A_90, %dma_wait3A_95] : memref<10240x128xf32, #tpu.memory_space<vmem_shared>> -> memref<128x128xf32, #tpu.memory_space<vmem_shared>>
    %dma_wait3A_97 = arith.constant 0 : i32
    %dma_wait3A_98 = tpu.memref_slice %arg5[%add3A_90, %dma_wait3A_97] : memref<10240x128xf32, #tpu.memory_space<vmem_shared>> -> memref<128x128xf32, #tpu.memory_space<vmem_shared>>
    %dma_wait3A_99 = arith.constant 0 : i32
    %dma_wait3A_100 = arith.constant 0 : i32
    %dma_wait3A_101 = tpu.memref_slice %arg7[%dma_wait3A, %dma_wait3A_99, %dma_wait3A_100] : memref<2x128x128xf32, #tpu.memory_space<vmem>> -> memref<1x128x128xf32, #tpu.memory_space<vmem>>
    %dma_wait3A_102 = tpu.memref_squeeze %dma_wait3A_101 : memref<1x128x128xf32, #tpu.memory_space<vmem>> -> memref<128x128xf32, #tpu.memory_space<vmem>>
    tpu.wait_dma2 semaphore(%arg8 : memref<!tpu.dma_semaphore, #tpu.memory_space<semaphore_mem>>) src(%dma_wait3A_102 : memref<128x128xf32, #tpu.memory_space<vmem>>) dst(%dma_wait3A_98 : memref<128x128xf32, #tpu.memory_space<vmem_shared>>)
    %mul3A_103 = arith.constant 640 : i32
    %mul3A_104 = arith.muli %arg1, %mul3A_103 : i32
    %add3A_105 = arith.constant 128 : i32
    %add3A_106 = arith.addi %mul3A_104, %add3A_105 : i32
    %dma_wait3A_107 = arith.constant 0 : i32
    %dma_wait3A_108 = arith.constant 0 : i32
    %dma_wait3A_109 = arith.constant 0 : i32
    %dma_wait3A_110 = tpu.memref_slice %arg7[%dma_wait3A_107, %dma_wait3A_108, %dma_wait3A_109] : memref<2x128x128xf32, #tpu.memory_space<vmem>> -> memref<1x128x128xf32, #tpu.memory_space<vmem>>
    %dma_wait3A_111 = tpu.memref_squeeze %dma_wait3A_110 : memref<1x128x128xf32, #tpu.memory_space<vmem>> -> memref<128x128xf32, #tpu.memory_space<vmem>>
    %dma_wait3A_112 = arith.constant 0 : i32
    %dma_wait3A_113 = tpu.memref_slice %arg5[%add3A_106, %dma_wait3A_112] : memref<10240x128xf32, #tpu.memory_space<vmem_shared>> -> memref<128x128xf32, #tpu.memory_space<vmem_shared>>
    %dma_wait3A_114 = arith.constant 0 : i32
    %dma_wait3A_115 = tpu.memref_slice %arg5[%add3A_106, %dma_wait3A_114] : memref<10240x128xf32, #tpu.memory_space<vmem_shared>> -> memref<128x128xf32, #tpu.memory_space<vmem_shared>>
    %dma_wait3A_116 = arith.constant 0 : i32
    %dma_wait3A_117 = arith.constant 0 : i32
    %dma_wait3A_118 = tpu.memref_slice %arg7[%dma_wait3A_107, %dma_wait3A_116, %dma_wait3A_117] : memref<2x128x128xf32, #tpu.memory_space<vmem>> -> memref<1x128x128xf32, #tpu.memory_space<vmem>>
    %dma_wait3A_119 = tpu.memref_squeeze %dma_wait3A_118 : memref<1x128x128xf32, #tpu.memory_space<vmem>> -> memref<128x128xf32, #tpu.memory_space<vmem>>
    tpu.wait_dma2 semaphore(%arg8 : memref<!tpu.dma_semaphore, #tpu.memory_space<semaphore_mem>>) src(%dma_wait3A_119 : memref<128x128xf32, #tpu.memory_space<vmem>>) dst(%dma_wait3A_115 : memref<128x128xf32, #tpu.memory_space<vmem_shared>>)
    %mul3A_120 = arith.constant 640 : i32
    %mul3A_121 = arith.muli %arg1, %mul3A_120 : i32
    %add3A_122 = arith.constant 256 : i32
    %add3A_123 = arith.addi %mul3A_121, %add3A_122 : i32
    %dma_wait3A_124 = arith.constant 0 : i32
    %dma_wait3A_125 = arith.constant 0 : i32
    %dma_wait3A_126 = arith.constant 0 : i32
    %dma_wait3A_127 = tpu.memref_slice %arg7[%dma_wait3A_124, %dma_wait3A_125, %dma_wait3A_126] : memref<2x128x128xf32, #tpu.memory_space<vmem>> -> memref<1x128x128xf32, #tpu.memory_space<vmem>>
    %dma_wait3A_128 = tpu.memref_squeeze %dma_wait3A_127 : memref<1x128x128xf32, #tpu.memory_space<vmem>> -> memref<128x128xf32, #tpu.memory_space<vmem>>
    %dma_wait3A_129 = arith.constant 0 : i32
    %dma_wait3A_130 = tpu.memref_slice %arg5[%add3A_123, %dma_wait3A_129] : memref<10240x128xf32, #tpu.memory_space<vmem_shared>> -> memref<128x128xf32, #tpu.memory_space<vmem_shared>>
    %dma_wait3A_131 = arith.constant 0 : i32
    %dma_wait3A_132 = tpu.memref_slice %arg5[%add3A_123, %dma_wait3A_131] : memref<10240x128xf32, #tpu.memory_space<vmem_shared>> -> memref<128x128xf32, #tpu.memory_space<vmem_shared>>
    %dma_wait3A_133 = arith.constant 0 : i32
    %dma_wait3A_134 = arith.constant 0 : i32
    %dma_wait3A_135 = tpu.memref_slice %arg7[%dma_wait3A_124, %dma_wait3A_133, %dma_wait3A_134] : memref<2x128x128xf32, #tpu.memory_space<vmem>> -> memref<1x128x128xf32, #tpu.memory_space<vmem>>
    %dma_wait3A_136 = tpu.memref_squeeze %dma_wait3A_135 : memref<1x128x128xf32, #tpu.memory_space<vmem>> -> memref<128x128xf32, #tpu.memory_space<vmem>>
    tpu.wait_dma2 semaphore(%arg8 : memref<!tpu.dma_semaphore, #tpu.memory_space<semaphore_mem>>) src(%dma_wait3A_136 : memref<128x128xf32, #tpu.memory_space<vmem>>) dst(%dma_wait3A_132 : memref<128x128xf32, #tpu.memory_space<vmem_shared>>)
    %mul3A_137 = arith.constant 640 : i32
    %mul3A_138 = arith.muli %arg1, %mul3A_137 : i32
    %add3A_139 = arith.constant 384 : i32
    %add3A_140 = arith.addi %mul3A_138, %add3A_139 : i32
    %dma_wait3A_141 = arith.constant 0 : i32
    %dma_wait3A_142 = arith.constant 0 : i32
    %dma_wait3A_143 = arith.constant 0 : i32
    %dma_wait3A_144 = tpu.memref_slice %arg7[%dma_wait3A_141, %dma_wait3A_142, %dma_wait3A_143] : memref<2x128x128xf32, #tpu.memory_space<vmem>> -> memref<1x128x128xf32, #tpu.memory_space<vmem>>
    %dma_wait3A_145 = tpu.memref_squeeze %dma_wait3A_144 : memref<1x128x128xf32, #tpu.memory_space<vmem>> -> memref<128x128xf32, #tpu.memory_space<vmem>>
    %dma_wait3A_146 = arith.constant 0 : i32
    %dma_wait3A_147 = tpu.memref_slice %arg5[%add3A_140, %dma_wait3A_146] : memref<10240x128xf32, #tpu.memory_space<vmem_shared>> -> memref<128x128xf32, #tpu.memory_space<vmem_shared>>
    %dma_wait3A_148 = arith.constant 0 : i32
    %dma_wait3A_149 = tpu.memref_slice %arg5[%add3A_140, %dma_wait3A_148] : memref<10240x128xf32, #tpu.memory_space<vmem_shared>> -> memref<128x128xf32, #tpu.memory_space<vmem_shared>>
    %dma_wait3A_150 = arith.constant 0 : i32
    %dma_wait3A_151 = arith.constant 0 : i32
    %dma_wait3A_152 = tpu.memref_slice %arg7[%dma_wait3A_141, %dma_wait3A_150, %dma_wait3A_151] : memref<2x128x128xf32, #tpu.memory_space<vmem>> -> memref<1x128x128xf32, #tpu.memory_space<vmem>>
    %dma_wait3A_153 = tpu.memref_squeeze %dma_wait3A_152 : memref<1x128x128xf32, #tpu.memory_space<vmem>> -> memref<128x128xf32, #tpu.memory_space<vmem>>
    tpu.wait_dma2 semaphore(%arg8 : memref<!tpu.dma_semaphore, #tpu.memory_space<semaphore_mem>>) src(%dma_wait3A_153 : memref<128x128xf32, #tpu.memory_space<vmem>>) dst(%dma_wait3A_149 : memref<128x128xf32, #tpu.memory_space<vmem_shared>>)
    %mul3A_154 = arith.constant 640 : i32
    %mul3A_155 = arith.muli %arg1, %mul3A_154 : i32
    %add3A_156 = arith.constant 512 : i32
    %add3A_157 = arith.addi %mul3A_155, %add3A_156 : i32
    %dma_wait3A_158 = arith.constant 0 : i32
    %dma_wait3A_159 = arith.constant 0 : i32
    %dma_wait3A_160 = arith.constant 0 : i32
    %dma_wait3A_161 = tpu.memref_slice %arg7[%dma_wait3A_158, %dma_wait3A_159, %dma_wait3A_160] : memref<2x128x128xf32, #tpu.memory_space<vmem>> -> memref<1x128x128xf32, #tpu.memory_space<vmem>>
    %dma_wait3A_162 = tpu.memref_squeeze %dma_wait3A_161 : memref<1x128x128xf32, #tpu.memory_space<vmem>> -> memref<128x128xf32, #tpu.memory_space<vmem>>
    %dma_wait3A_163 = arith.constant 0 : i32
    %dma_wait3A_164 = tpu.memref_slice %arg5[%add3A_157, %dma_wait3A_163] : memref<10240x128xf32, #tpu.memory_space<vmem_shared>> -> memref<128x128xf32, #tpu.memory_space<vmem_shared>>
    %dma_wait3A_165 = arith.constant 0 : i32
    %dma_wait3A_166 = tpu.memref_slice %arg5[%add3A_157, %dma_wait3A_165] : memref<10240x128xf32, #tpu.memory_space<vmem_shared>> -> memref<128x128xf32, #tpu.memory_space<vmem_shared>>
    %dma_wait3A_167 = arith.constant 0 : i32
    %dma_wait3A_168 = arith.constant 0 : i32
    %dma_wait3A_169 = tpu.memref_slice %arg7[%dma_wait3A_158, %dma_wait3A_167, %dma_wait3A_168] : memref<2x128x128xf32, #tpu.memory_space<vmem>> -> memref<1x128x128xf32, #tpu.memory_space<vmem>>
    %dma_wait3A_170 = tpu.memref_squeeze %dma_wait3A_169 : memref<1x128x128xf32, #tpu.memory_space<vmem>> -> memref<128x128xf32, #tpu.memory_space<vmem>>
    tpu.wait_dma2 semaphore(%arg8 : memref<!tpu.dma_semaphore, #tpu.memory_space<semaphore_mem>>) src(%dma_wait3A_170 : memref<128x128xf32, #tpu.memory_space<vmem>>) dst(%dma_wait3A_166 : memref<128x128xf32, #tpu.memory_space<vmem_shared>>)
    %barrier3A = arith.constant 0 : index
    tpu.barrier barrier_id(%barrier3A)
    %mul3A_171 = arith.constant 32 : i32
    %mul3A_172 = arith.muli %arg0, %mul3A_171 : i32
    %eq3A = arith.constant 0 : i32
    %eq3A_173 = arith.cmpi eq, %arg0, %eq3A : i32
    %jit3A = arith.constant 32 : i32
    %jit3A_174 = arith.constant 125 : i32
    %select_n3A = arith.select %eq3A_173, %jit3A, %jit3A_174 : i32
    %add3A_175 = arith.constant 0 : i32
    %add3A_176 = arith.addi %mul3A_172, %add3A_175 : i32
    %dma_start3A_177 = arith.constant 0 : i32
    %dma_start3A_178 = arith.constant 0 : i32
    %dma_start3A_179 = arith.constant 0 : i32
    %dma_start3A_180 = tpu.memref_slice %arg6[%dma_start3A_177, %dma_start3A_178, %dma_start3A_179] : memref<4x2x128xi32, #tpu.memory_space<vmem>> -> memref<1x2x128xi32, #tpu.memory_space<vmem>>
    %dma_start3A_181 = tpu.memref_squeeze %dma_start3A_180 : memref<1x2x128xi32, #tpu.memory_space<vmem>> -> memref<2x128xi32, #tpu.memory_space<vmem>>
    %dma_start3A_182 = arith.constant 0 : i32
    %dma_start3A_183 = arith.constant 0 : i32
    %dma_start3A_184 = tpu.memref_slice %arg3[%arg1, %add3A_176, %dma_start3A_182, %dma_start3A_183] : memref<16x157x2x128xi32, #tpu.memory_space<hbm>> -> memref<1x1x2x128xi32, #tpu.memory_space<hbm>>
    %dma_start3A_185 = tpu.memref_squeeze %dma_start3A_184 : memref<1x1x2x128xi32, #tpu.memory_space<hbm>> -> memref<2x128xi32, #tpu.memory_space<hbm>>
    %dma_start3A_186 = arith.constant 0 : i32
    %dma_start3A_187 = arith.constant 0 : i32
    %dma_start3A_188 = tpu.memref_slice %arg6[%dma_start3A_177, %dma_start3A_186, %dma_start3A_187] : memref<4x2x128xi32, #tpu.memory_space<vmem>> -> memref<1x2x128xi32, #tpu.memory_space<vmem>>
    %dma_start3A_189 = tpu.memref_squeeze %dma_start3A_188 : memref<1x2x128xi32, #tpu.memory_space<vmem>> -> memref<2x128xi32, #tpu.memory_space<vmem>>
    %dma_start3A_190 = arith.constant 0 : i32
    %dma_start3A_191 = arith.constant 0 : i32
    %dma_start3A_192 = tpu.memref_slice %arg3[%arg1, %add3A_176, %dma_start3A_190, %dma_start3A_191] : memref<16x157x2x128xi32, #tpu.memory_space<hbm>> -> memref<1x1x2x128xi32, #tpu.memory_space<hbm>>
    %dma_start3A_193 = tpu.memref_squeeze %dma_start3A_192 : memref<1x1x2x128xi32, #tpu.memory_space<hbm>> -> memref<2x128xi32, #tpu.memory_space<hbm>>
    tpu.enqueue_dma source(%dma_start3A_193 : memref<2x128xi32, #tpu.memory_space<hbm>>) target(%dma_start3A_189 : memref<2x128xi32, #tpu.memory_space<vmem>>) target_semaphore(%arg8 : memref<!tpu.dma_semaphore, #tpu.memory_space<semaphore_mem>>)
    %add3A_194 = arith.constant 1 : i32
    %add3A_195 = arith.addi %mul3A_172, %add3A_194 : i32
    %dma_start3A_196 = arith.constant 1 : i32
    %dma_start3A_197 = arith.constant 0 : i32
    %dma_start3A_198 = arith.constant 0 : i32
    %dma_start3A_199 = tpu.memref_slice %arg6[%dma_start3A_196, %dma_start3A_197, %dma_start3A_198] : memref<4x2x128xi32, #tpu.memory_space<vmem>> -> memref<1x2x128xi32, #tpu.memory_space<vmem>>
    %dma_start3A_200 = tpu.memref_squeeze %dma_start3A_199 : memref<1x2x128xi32, #tpu.memory_space<vmem>> -> memref<2x128xi32, #tpu.memory_space<vmem>>
    %dma_start3A_201 = arith.constant 0 : i32
    %dma_start3A_202 = arith.constant 0 : i32
    %dma_start3A_203 = tpu.memref_slice %arg3[%arg1, %add3A_195, %dma_start3A_201, %dma_start3A_202] : memref<16x157x2x128xi32, #tpu.memory_space<hbm>> -> memref<1x1x2x128xi32, #tpu.memory_space<hbm>>
    %dma_start3A_204 = tpu.memref_squeeze %dma_start3A_203 : memref<1x1x2x128xi32, #tpu.memory_space<hbm>> -> memref<2x128xi32, #tpu.memory_space<hbm>>
    %dma_start3A_205 = arith.constant 0 : i32
    %dma_start3A_206 = arith.constant 0 : i32
    %dma_start3A_207 = tpu.memref_slice %arg6[%dma_start3A_196, %dma_start3A_205, %dma_start3A_206] : memref<4x2x128xi32, #tpu.memory_space<vmem>> -> memref<1x2x128xi32, #tpu.memory_space<vmem>>
    %dma_start3A_208 = tpu.memref_squeeze %dma_start3A_207 : memref<1x2x128xi32, #tpu.memory_space<vmem>> -> memref<2x128xi32, #tpu.memory_space<vmem>>
    %dma_start3A_209 = arith.constant 0 : i32
    %dma_start3A_210 = arith.constant 0 : i32
    %dma_start3A_211 = tpu.memref_slice %arg3[%arg1, %add3A_195, %dma_start3A_209, %dma_start3A_210] : memref<16x157x2x128xi32, #tpu.memory_space<hbm>> -> memref<1x1x2x128xi32, #tpu.memory_space<hbm>>
    %dma_start3A_212 = tpu.memref_squeeze %dma_start3A_211 : memref<1x1x2x128xi32, #tpu.memory_space<hbm>> -> memref<2x128xi32, #tpu.memory_space<hbm>>
    tpu.enqueue_dma source(%dma_start3A_212 : memref<2x128xi32, #tpu.memory_space<hbm>>) target(%dma_start3A_208 : memref<2x128xi32, #tpu.memory_space<vmem>>) target_semaphore(%arg8 : memref<!tpu.dma_semaphore, #tpu.memory_space<semaphore_mem>>)
    %add3A_213 = arith.constant 0 : i32
    %add3A_214 = arith.addi %mul3A_172, %add3A_213 : i32
    %dma_wait3A_215 = arith.constant 0 : i32
    %dma_wait3A_216 = arith.constant 0 : i32
    %dma_wait3A_217 = arith.constant 0 : i32
    %dma_wait3A_218 = tpu.memref_slice %arg6[%dma_wait3A_215, %dma_wait3A_216, %dma_wait3A_217] : memref<4x2x128xi32, #tpu.memory_space<vmem>> -> memref<1x2x128xi32, #tpu.memory_space<vmem>>
    %dma_wait3A_219 = tpu.memref_squeeze %dma_wait3A_218 : memref<1x2x128xi32, #tpu.memory_space<vmem>> -> memref<2x128xi32, #tpu.memory_space<vmem>>
    %dma_wait3A_220 = arith.constant 0 : i32
    %dma_wait3A_221 = arith.constant 0 : i32
    %dma_wait3A_222 = tpu.memref_slice %arg3[%arg1, %add3A_214, %dma_wait3A_220, %dma_wait3A_221] : memref<16x157x2x128xi32, #tpu.memory_space<hbm>> -> memref<1x1x2x128xi32, #tpu.memory_space<hbm>>
    %dma_wait3A_223 = tpu.memref_squeeze %dma_wait3A_222 : memref<1x1x2x128xi32, #tpu.memory_space<hbm>> -> memref<2x128xi32, #tpu.memory_space<hbm>>
    %dma_wait3A_224 = arith.constant 0 : i32
    %dma_wait3A_225 = arith.constant 0 : i32
    %dma_wait3A_226 = tpu.memref_slice %arg6[%dma_wait3A_215, %dma_wait3A_224, %dma_wait3A_225] : memref<4x2x128xi32, #tpu.memory_space<vmem>> -> memref<1x2x128xi32, #tpu.memory_space<vmem>>
    %dma_wait3A_227 = tpu.memref_squeeze %dma_wait3A_226 : memref<1x2x128xi32, #tpu.memory_space<vmem>> -> memref<2x128xi32, #tpu.memory_space<vmem>>
    %dma_wait3A_228 = arith.constant 0 : i32
    %dma_wait3A_229 = arith.constant 0 : i32
    %dma_wait3A_230 = tpu.memref_slice %arg3[%arg1, %add3A_214, %dma_wait3A_228, %dma_wait3A_229] : memref<16x157x2x128xi32, #tpu.memory_space<hbm>> -> memref<1x1x2x128xi32, #tpu.memory_space<hbm>>
    %dma_wait3A_231 = tpu.memref_squeeze %dma_wait3A_230 : memref<1x1x2x128xi32, #tpu.memory_space<hbm>> -> memref<2x128xi32, #tpu.memory_space<hbm>>
    tpu.wait_dma2 semaphore(%arg8 : memref<!tpu.dma_semaphore, #tpu.memory_space<semaphore_mem>>) src(%dma_wait3A_231 : memref<2x128xi32, #tpu.memory_space<hbm>>) dst(%dma_wait3A_227 : memref<2x128xi32, #tpu.memory_space<vmem>>)
    %dma_start3A_232 = arith.constant 0 : i32
    %dma_start3A_233 = arith.constant 0 : i32
    %dma_start3A_234 = arith.constant 0 : i32
    %dma_start3A_235 = arith.constant 0 : i32
    %dma_start3A_236 = arith.constant 0 : i32
    %dma_start3A_237 = tpu.memref_slice %arg7[%dma_start3A_234, %dma_start3A_235, %dma_start3A_236] : memref<2x128x128xf32, #tpu.memory_space<vmem>> -> memref<1x128x128xf32, #tpu.memory_space<vmem>>
    %dma_start3A_238 = tpu.memref_squeeze %dma_start3A_237 : memref<1x128x128xf32, #tpu.memory_space<vmem>> -> memref<128x128xf32, #tpu.memory_space<vmem>>
    %dma_start3A_239 = arith.constant 0 : i32
    %dma_start3A_240 = tpu.memref_slice %arg6[%dma_start3A_232, %dma_start3A_233, %dma_start3A_239] : memref<4x2x128xi32, #tpu.memory_space<vmem>> -> memref<1x1x128xi32, #tpu.memory_space<vmem>>
    %dma_start3A_241 = tpu.memref_squeeze %dma_start3A_240 : memref<1x1x128xi32, #tpu.memory_space<vmem>> -> memref<128xi32, #tpu.memory_space<vmem>>
    %dma_start3A_242 = arith.constant 0 : i32
    %dma_start3A_243 = arith.constant 0 : i32
    %dma_start3A_244 = tpu.memref_slice %arg2[%dma_start3A_242, %dma_start3A_243] : memref<10240x128xf32, #tpu.memory_space<hbm>> -> memref<10240x128xf32, #tpu.memory_space<hbm>>
    tpu.enqueue_indirect_dma source(%dma_start3A_244 : memref<10240x128xf32, #tpu.memory_space<hbm>>) target(%dma_start3A_238 : memref<128x128xf32, #tpu.memory_space<vmem>>) offsets(%dma_start3A_241 : memref<128xi32, #tpu.memory_space<vmem>>) semaphore(%arg9 : memref<!tpu.dma_semaphore, #tpu.memory_space<semaphore_mem>>)
    %while3A = arith.constant 0 : i32
    %while3A_245 = arith.constant 0 : i32
    %while3A_246 = arith.subi %select_n3A, %while3A_245 : i32
    %while3A_247 = arith.addi %while3A_245, %while3A_246 : i32
    %while3A_248 = arith.constant 1 : i32
    %while3A_249 = arith.divsi %while3A_246, %while3A_248 : i32
    %while3A_250 = arith.muli %while3A_249, %while3A_248 : i32
    %while3A_251 = arith.addi %while3A_245, %while3A_250 : i32
    %while3A_252 = arith.constant 1 : i32
    scf.for %while3A_345 = %while3A_245 to %while3A_251 step %while3A_252  : i32 {
      %rem3A = arith.constant 2 : i32
      %rem3A_346 = arith.remsi %while3A_345, %rem3A : i32
      %rem3A_347 = arith.constant 4 : i32
      %rem3A_348 = arith.remsi %while3A_345, %rem3A_347 : i32
      %add3A_349 = arith.constant 2 : i32
      %add3A_350 = arith.addi %while3A_345, %add3A_349 : i32
      %lt3A = arith.cmpi slt, %add3A_350, %select_n3A : i32
      %convert_element_type3A = arith.extui %lt3A : i1 to i32
      %cond3A = arith.constant 0 : i32
      %cond3A_351 = arith.cmpi ne, %convert_element_type3A, %cond3A : i32
      scf.if %cond3A_351 {
        %add3A_369 = arith.constant 2 : i32
        %add3A_370 = arith.addi %while3A_345, %add3A_369 : i32
        %add3A_371 = arith.constant 2 : i32
        %add3A_372 = arith.addi %while3A_345, %add3A_371 : i32
        %rem3A_373 = arith.constant 4 : i32
        %rem3A_374 = arith.remsi %add3A_372, %rem3A_373 : i32
        %add3A_375 = arith.addi %mul3A_172, %add3A_370 : i32
        %dma_start3A_376 = arith.constant 0 : i32
        %dma_start3A_377 = arith.constant 0 : i32
        %dma_start3A_378 = tpu.memref_slice %arg6[%rem3A_374, %dma_start3A_376, %dma_start3A_377] : memref<4x2x128xi32, #tpu.memory_space<vmem>> -> memref<1x2x128xi32, #tpu.memory_space<vmem>>
        %dma_start3A_379 = tpu.memref_squeeze %dma_start3A_378 : memref<1x2x128xi32, #tpu.memory_space<vmem>> -> memref<2x128xi32, #tpu.memory_space<vmem>>
        %dma_start3A_380 = arith.constant 0 : i32
        %dma_start3A_381 = arith.constant 0 : i32
        %dma_start3A_382 = tpu.memref_slice %arg3[%arg1, %add3A_375, %dma_start3A_380, %dma_start3A_381] : memref<16x157x2x128xi32, #tpu.memory_space<hbm>> -> memref<1x1x2x128xi32, #tpu.memory_space<hbm>>
        %dma_start3A_383 = tpu.memref_squeeze %dma_start3A_382 : memref<1x1x2x128xi32, #tpu.memory_space<hbm>> -> memref<2x128xi32, #tpu.memory_space<hbm>>
        %dma_start3A_384 = arith.constant 0 : i32
        %dma_start3A_385 = arith.constant 0 : i32
        %dma_start3A_386 = tpu.memref_slice %arg6[%rem3A_374, %dma_start3A_384, %dma_start3A_385] : memref<4x2x128xi32, #tpu.memory_space<vmem>> -> memref<1x2x128xi32, #tpu.memory_space<vmem>>
        %dma_start3A_387 = tpu.memref_squeeze %dma_start3A_386 : memref<1x2x128xi32, #tpu.memory_space<vmem>> -> memref<2x128xi32, #tpu.memory_space<vmem>>
        %dma_start3A_388 = arith.constant 0 : i32
        %dma_start3A_389 = arith.constant 0 : i32
        %dma_start3A_390 = tpu.memref_slice %arg3[%arg1, %add3A_375, %dma_start3A_388, %dma_start3A_389] : memref<16x157x2x128xi32, #tpu.memory_space<hbm>> -> memref<1x1x2x128xi32, #tpu.memory_space<hbm>>
        %dma_start3A_391 = tpu.memref_squeeze %dma_start3A_390 : memref<1x1x2x128xi32, #tpu.memory_space<hbm>> -> memref<2x128xi32, #tpu.memory_space<hbm>>
        tpu.enqueue_dma source(%dma_start3A_391 : memref<2x128xi32, #tpu.memory_space<hbm>>) target(%dma_start3A_387 : memref<2x128xi32, #tpu.memory_space<vmem>>) target_semaphore(%arg8 : memref<!tpu.dma_semaphore, #tpu.memory_space<semaphore_mem>>)
      } else {
      }
      %add3A_352 = arith.constant 1 : i32
      %add3A_353 = arith.addi %while3A_345, %add3A_352 : i32
      %lt3A_354 = arith.cmpi slt, %add3A_353, %select_n3A : i32
      %convert_element_type3A_355 = arith.extui %lt3A_354 : i1 to i32
      %cond3A_356 = arith.constant 0 : i32
      %cond3A_357 = arith.cmpi ne, %convert_element_type3A_355, %cond3A_356 : i32
      scf.if %cond3A_357 {
        %add3A_369 = arith.constant 1 : i32
        %add3A_370 = arith.addi %while3A_345, %add3A_369 : i32
        %add3A_371 = arith.constant 1 : i32
        %add3A_372 = arith.addi %while3A_345, %add3A_371 : i32
        %rem3A_373 = arith.constant 4 : i32
        %rem3A_374 = arith.remsi %add3A_372, %rem3A_373 : i32
        %add3A_375 = arith.addi %mul3A_172, %add3A_370 : i32
        %dma_wait3A_376 = arith.constant 0 : i32
        %dma_wait3A_377 = arith.constant 0 : i32
        %dma_wait3A_378 = tpu.memref_slice %arg6[%rem3A_374, %dma_wait3A_376, %dma_wait3A_377] : memref<4x2x128xi32, #tpu.memory_space<vmem>> -> memref<1x2x128xi32, #tpu.memory_space<vmem>>
        %dma_wait3A_379 = tpu.memref_squeeze %dma_wait3A_378 : memref<1x2x128xi32, #tpu.memory_space<vmem>> -> memref<2x128xi32, #tpu.memory_space<vmem>>
        %dma_wait3A_380 = arith.constant 0 : i32
        %dma_wait3A_381 = arith.constant 0 : i32
        %dma_wait3A_382 = tpu.memref_slice %arg3[%arg1, %add3A_375, %dma_wait3A_380, %dma_wait3A_381] : memref<16x157x2x128xi32, #tpu.memory_space<hbm>> -> memref<1x1x2x128xi32, #tpu.memory_space<hbm>>
        %dma_wait3A_383 = tpu.memref_squeeze %dma_wait3A_382 : memref<1x1x2x128xi32, #tpu.memory_space<hbm>> -> memref<2x128xi32, #tpu.memory_space<hbm>>
        %dma_wait3A_384 = arith.constant 0 : i32
        %dma_wait3A_385 = arith.constant 0 : i32
        %dma_wait3A_386 = tpu.memref_slice %arg6[%rem3A_374, %dma_wait3A_384, %dma_wait3A_385] : memref<4x2x128xi32, #tpu.memory_space<vmem>> -> memref<1x2x128xi32, #tpu.memory_space<vmem>>
        %dma_wait3A_387 = tpu.memref_squeeze %dma_wait3A_386 : memref<1x2x128xi32, #tpu.memory_space<vmem>> -> memref<2x128xi32, #tpu.memory_space<vmem>>
        %dma_wait3A_388 = arith.constant 0 : i32
        %dma_wait3A_389 = arith.constant 0 : i32
        %dma_wait3A_390 = tpu.memref_slice %arg3[%arg1, %add3A_375, %dma_wait3A_388, %dma_wait3A_389] : memref<16x157x2x128xi32, #tpu.memory_space<hbm>> -> memref<1x1x2x128xi32, #tpu.memory_space<hbm>>
        %dma_wait3A_391 = tpu.memref_squeeze %dma_wait3A_390 : memref<1x1x2x128xi32, #tpu.memory_space<hbm>> -> memref<2x128xi32, #tpu.memory_space<hbm>>
        tpu.wait_dma2 semaphore(%arg8 : memref<!tpu.dma_semaphore, #tpu.memory_space<semaphore_mem>>) src(%dma_wait3A_391 : memref<2x128xi32, #tpu.memory_space<hbm>>) dst(%dma_wait3A_387 : memref<2x128xi32, #tpu.memory_space<vmem>>)
        %add3A_392 = arith.constant 1 : i32
        %add3A_393 = arith.addi %while3A_345, %add3A_392 : i32
        %rem3A_394 = arith.constant 4 : i32
        %rem3A_395 = arith.remsi %add3A_393, %rem3A_394 : i32
        %sub3A = arith.constant 1 : i32
        %sub3A_396 = arith.subi %sub3A, %rem3A_346 : i32
        %dma_start3A_397 = arith.constant 0 : i32
        %dma_start3A_398 = arith.constant 0 : i32
        %dma_start3A_399 = arith.constant 0 : i32
        %dma_start3A_400 = tpu.memref_slice %arg7[%sub3A_396, %dma_start3A_398, %dma_start3A_399] : memref<2x128x128xf32, #tpu.memory_space<vmem>> -> memref<1x128x128xf32, #tpu.memory_space<vmem>>
        %dma_start3A_401 = tpu.memref_squeeze %dma_start3A_400 : memref<1x128x128xf32, #tpu.memory_space<vmem>> -> memref<128x128xf32, #tpu.memory_space<vmem>>
        %dma_start3A_402 = arith.constant 0 : i32
        %dma_start3A_403 = tpu.memref_slice %arg6[%rem3A_395, %dma_start3A_397, %dma_start3A_402] : memref<4x2x128xi32, #tpu.memory_space<vmem>> -> memref<1x1x128xi32, #tpu.memory_space<vmem>>
        %dma_start3A_404 = tpu.memref_squeeze %dma_start3A_403 : memref<1x1x128xi32, #tpu.memory_space<vmem>> -> memref<128xi32, #tpu.memory_space<vmem>>
        %dma_start3A_405 = arith.constant 0 : i32
        %dma_start3A_406 = arith.constant 0 : i32
        %dma_start3A_407 = tpu.memref_slice %arg2[%dma_start3A_405, %dma_start3A_406] : memref<10240x128xf32, #tpu.memory_space<hbm>> -> memref<10240x128xf32, #tpu.memory_space<hbm>>
        tpu.enqueue_indirect_dma source(%dma_start3A_407 : memref<10240x128xf32, #tpu.memory_space<hbm>>) target(%dma_start3A_401 : memref<128x128xf32, #tpu.memory_space<vmem>>) offsets(%dma_start3A_404 : memref<128xi32, #tpu.memory_space<vmem>>) semaphore(%arg9 : memref<!tpu.dma_semaphore, #tpu.memory_space<semaphore_mem>>)
      } else {
      }
      %dma_wait3A_358 = arith.constant 0 : i32
      %dma_wait3A_359 = arith.constant 0 : i32
      %dma_wait3A_360 = arith.constant 0 : i32
      %dma_wait3A_361 = tpu.memref_slice %arg7[%rem3A_346, %dma_wait3A_359, %dma_wait3A_360] : memref<2x128x128xf32, #tpu.memory_space<vmem>> -> memref<1x128x128xf32, #tpu.memory_space<vmem>>
      %dma_wait3A_362 = tpu.memref_squeeze %dma_wait3A_361 : memref<1x128x128xf32, #tpu.memory_space<vmem>> -> memref<128x128xf32, #tpu.memory_space<vmem>>
      %dma_wait3A_363 = arith.constant 0 : i32
      %dma_wait3A_364 = tpu.memref_slice %arg6[%rem3A_348, %dma_wait3A_358, %dma_wait3A_363] : memref<4x2x128xi32, #tpu.memory_space<vmem>> -> memref<1x1x128xi32, #tpu.memory_space<vmem>>
      %dma_wait3A_365 = tpu.memref_squeeze %dma_wait3A_364 : memref<1x1x128xi32, #tpu.memory_space<vmem>> -> memref<128xi32, #tpu.memory_space<vmem>>
      %dma_wait3A_366 = arith.constant 0 : i32
      %dma_wait3A_367 = arith.constant 0 : i32
      %dma_wait3A_368 = tpu.memref_slice %arg2[%dma_wait3A_366, %dma_wait3A_367] : memref<10240x128xf32, #tpu.memory_space<hbm>> -> memref<10240x128xf32, #tpu.memory_space<hbm>>
      tpu.wait_indirect_dma semaphore(%arg9 : memref<!tpu.dma_semaphore, #tpu.memory_space<semaphore_mem>>) src(%dma_wait3A_368 : memref<10240x128xf32, #tpu.memory_space<hbm>>) dst(%dma_wait3A_362 : memref<128x128xf32, #tpu.memory_space<vmem>>)
      %run_scoped3A = arith.constant 1 : i32
      "tpu.region"() ({
        %run_scoped3A_369 = tpu.sem_alloc : memref<!tpu.dma_semaphore, #tpu.memory_space<semaphore_mem>>
        %dma_start3A_370 = arith.constant 0 : i32
        %dma_start3A_371 = arith.constant 0 : i32
        %dma_start3A_372 = tpu.memref_slice %arg7[%rem3A_346, %dma_start3A_370, %dma_start3A_371] : memref<2x128x128xf32, #tpu.memory_space<vmem>> -> memref<1x128x128xf32, #tpu.memory_space<vmem>>
        %dma_start3A_373 = tpu.memref_squeeze %dma_start3A_372 : memref<1x128x128xf32, #tpu.memory_space<vmem>> -> memref<128x128xf32, #tpu.memory_space<vmem>>
        %dma_start3A_374 = arith.constant 0 : i32
        %dma_start3A_375 = tpu.memref_slice %arg6[%rem3A_348, %run_scoped3A, %dma_start3A_374] : memref<4x2x128xi32, #tpu.memory_space<vmem>> -> memref<1x1x128xi32, #tpu.memory_space<vmem>>
        %dma_start3A_376 = tpu.memref_squeeze %dma_start3A_375 : memref<1x1x128xi32, #tpu.memory_space<vmem>> -> memref<128xi32, #tpu.memory_space<vmem>>
        %dma_start3A_377 = arith.constant 0 : i32
        %dma_start3A_378 = arith.constant 0 : i32
        %dma_start3A_379 = tpu.memref_slice %arg5[%dma_start3A_377, %dma_start3A_378] : memref<10240x128xf32, #tpu.memory_space<vmem_shared>> -> memref<10240x128xf32, #tpu.memory_space<vmem_shared>>
        tpu.enqueue_indirect_dma source(%dma_start3A_373 : memref<128x128xf32, #tpu.memory_space<vmem>>) target(%dma_start3A_379 : memref<10240x128xf32, #tpu.memory_space<vmem_shared>>) offsets(%dma_start3A_376 : memref<128xi32, #tpu.memory_space<vmem>>) semaphore(%run_scoped3A_369 : memref<!tpu.dma_semaphore, #tpu.memory_space<semaphore_mem>>) {add = true}
        %dma_wait3A_380 = arith.constant 0 : i32
        %dma_wait3A_381 = arith.constant 0 : i32
        %dma_wait3A_382 = tpu.memref_slice %arg7[%rem3A_346, %dma_wait3A_380, %dma_wait3A_381] : memref<2x128x128xf32, #tpu.memory_space<vmem>> -> memref<1x128x128xf32, #tpu.memory_space<vmem>>
        %dma_wait3A_383 = tpu.memref_squeeze %dma_wait3A_382 : memref<1x128x128xf32, #tpu.memory_space<vmem>> -> memref<128x128xf32, #tpu.memory_space<vmem>>
        %dma_wait3A_384 = arith.constant 0 : i32
        %dma_wait3A_385 = tpu.memref_slice %arg6[%rem3A_348, %run_scoped3A, %dma_wait3A_384] : memref<4x2x128xi32, #tpu.memory_space<vmem>> -> memref<1x1x128xi32, #tpu.memory_space<vmem>>
        %dma_wait3A_386 = tpu.memref_squeeze %dma_wait3A_385 : memref<1x1x128xi32, #tpu.memory_space<vmem>> -> memref<128xi32, #tpu.memory_space<vmem>>
        %dma_wait3A_387 = arith.constant 0 : i32
        %dma_wait3A_388 = arith.constant 0 : i32
        %dma_wait3A_389 = tpu.memref_slice %arg5[%dma_wait3A_387, %dma_wait3A_388] : memref<10240x128xf32, #tpu.memory_space<vmem_shared>> -> memref<10240x128xf32, #tpu.memory_space<vmem_shared>>
        tpu.wait_indirect_dma semaphore(%run_scoped3A_369 : memref<!tpu.dma_semaphore, #tpu.memory_space<semaphore_mem>>) src(%dma_wait3A_383 : memref<128x128xf32, #tpu.memory_space<vmem>>) dst(%dma_wait3A_389 : memref<10240x128xf32, #tpu.memory_space<vmem_shared>>)
        tpu.yield
      }) : () -> ()
    }
    %while3A_253 = arith.constant 1 : i32
    scf.for %while3A_345 = %while3A_251 to %while3A_247 step %while3A_253  : i32 {
      %rem3A = arith.constant 2 : i32
      %rem3A_346 = arith.remsi %while3A_345, %rem3A : i32
      %rem3A_347 = arith.constant 4 : i32
      %rem3A_348 = arith.remsi %while3A_345, %rem3A_347 : i32
      %add3A_349 = arith.constant 2 : i32
      %add3A_350 = arith.addi %while3A_345, %add3A_349 : i32
      %lt3A = arith.cmpi slt, %add3A_350, %select_n3A : i32
      %convert_element_type3A = arith.extui %lt3A : i1 to i32
      %cond3A = arith.constant 0 : i32
      %cond3A_351 = arith.cmpi ne, %convert_element_type3A, %cond3A : i32
      scf.if %cond3A_351 {
        %add3A_369 = arith.constant 2 : i32
        %add3A_370 = arith.addi %while3A_345, %add3A_369 : i32
        %add3A_371 = arith.constant 2 : i32
        %add3A_372 = arith.addi %while3A_345, %add3A_371 : i32
        %rem3A_373 = arith.constant 4 : i32
        %rem3A_374 = arith.remsi %add3A_372, %rem3A_373 : i32
        %add3A_375 = arith.addi %mul3A_172, %add3A_370 : i32
        %dma_start3A_376 = arith.constant 0 : i32
        %dma_start3A_377 = arith.constant 0 : i32
        %dma_start3A_378 = tpu.memref_slice %arg6[%rem3A_374, %dma_start3A_376, %dma_start3A_377] : memref<4x2x128xi32, #tpu.memory_space<vmem>> -> memref<1x2x128xi32, #tpu.memory_space<vmem>>
        %dma_start3A_379 = tpu.memref_squeeze %dma_start3A_378 : memref<1x2x128xi32, #tpu.memory_space<vmem>> -> memref<2x128xi32, #tpu.memory_space<vmem>>
        %dma_start3A_380 = arith.constant 0 : i32
        %dma_start3A_381 = arith.constant 0 : i32
        %dma_start3A_382 = tpu.memref_slice %arg3[%arg1, %add3A_375, %dma_start3A_380, %dma_start3A_381] : memref<16x157x2x128xi32, #tpu.memory_space<hbm>> -> memref<1x1x2x128xi32, #tpu.memory_space<hbm>>
        %dma_start3A_383 = tpu.memref_squeeze %dma_start3A_382 : memref<1x1x2x128xi32, #tpu.memory_space<hbm>> -> memref<2x128xi32, #tpu.memory_space<hbm>>
        %dma_start3A_384 = arith.constant 0 : i32
        %dma_start3A_385 = arith.constant 0 : i32
        %dma_start3A_386 = tpu.memref_slice %arg6[%rem3A_374, %dma_start3A_384, %dma_start3A_385] : memref<4x2x128xi32, #tpu.memory_space<vmem>> -> memref<1x2x128xi32, #tpu.memory_space<vmem>>
        %dma_start3A_387 = tpu.memref_squeeze %dma_start3A_386 : memref<1x2x128xi32, #tpu.memory_space<vmem>> -> memref<2x128xi32, #tpu.memory_space<vmem>>
        %dma_start3A_388 = arith.constant 0 : i32
        %dma_start3A_389 = arith.constant 0 : i32
        %dma_start3A_390 = tpu.memref_slice %arg3[%arg1, %add3A_375, %dma_start3A_388, %dma_start3A_389] : memref<16x157x2x128xi32, #tpu.memory_space<hbm>> -> memref<1x1x2x128xi32, #tpu.memory_space<hbm>>
        %dma_start3A_391 = tpu.memref_squeeze %dma_start3A_390 : memref<1x1x2x128xi32, #tpu.memory_space<hbm>> -> memref<2x128xi32, #tpu.memory_space<hbm>>
        tpu.enqueue_dma source(%dma_start3A_391 : memref<2x128xi32, #tpu.memory_space<hbm>>) target(%dma_start3A_387 : memref<2x128xi32, #tpu.memory_space<vmem>>) target_semaphore(%arg8 : memref<!tpu.dma_semaphore, #tpu.memory_space<semaphore_mem>>)
      } else {
      }
      %add3A_352 = arith.constant 1 : i32
      %add3A_353 = arith.addi %while3A_345, %add3A_352 : i32
      %lt3A_354 = arith.cmpi slt, %add3A_353, %select_n3A : i32
      %convert_element_type3A_355 = arith.extui %lt3A_354 : i1 to i32
      %cond3A_356 = arith.constant 0 : i32
      %cond3A_357 = arith.cmpi ne, %convert_element_type3A_355, %cond3A_356 : i32
      scf.if %cond3A_357 {
        %add3A_369 = arith.constant 1 : i32
        %add3A_370 = arith.addi %while3A_345, %add3A_369 : i32
        %add3A_371 = arith.constant 1 : i32
        %add3A_372 = arith.addi %while3A_345, %add3A_371 : i32
        %rem3A_373 = arith.constant 4 : i32
        %rem3A_374 = arith.remsi %add3A_372, %rem3A_373 : i32
        %add3A_375 = arith.addi %mul3A_172, %add3A_370 : i32
        %dma_wait3A_376 = arith.constant 0 : i32
        %dma_wait3A_377 = arith.constant 0 : i32
        %dma_wait3A_378 = tpu.memref_slice %arg6[%rem3A_374, %dma_wait3A_376, %dma_wait3A_377] : memref<4x2x128xi32, #tpu.memory_space<vmem>> -> memref<1x2x128xi32, #tpu.memory_space<vmem>>
        %dma_wait3A_379 = tpu.memref_squeeze %dma_wait3A_378 : memref<1x2x128xi32, #tpu.memory_space<vmem>> -> memref<2x128xi32, #tpu.memory_space<vmem>>
        %dma_wait3A_380 = arith.constant 0 : i32
        %dma_wait3A_381 = arith.constant 0 : i32
        %dma_wait3A_382 = tpu.memref_slice %arg3[%arg1, %add3A_375, %dma_wait3A_380, %dma_wait3A_381] : memref<16x157x2x128xi32, #tpu.memory_space<hbm>> -> memref<1x1x2x128xi32, #tpu.memory_space<hbm>>
        %dma_wait3A_383 = tpu.memref_squeeze %dma_wait3A_382 : memref<1x1x2x128xi32, #tpu.memory_space<hbm>> -> memref<2x128xi32, #tpu.memory_space<hbm>>
        %dma_wait3A_384 = arith.constant 0 : i32
        %dma_wait3A_385 = arith.constant 0 : i32
        %dma_wait3A_386 = tpu.memref_slice %arg6[%rem3A_374, %dma_wait3A_384, %dma_wait3A_385] : memref<4x2x128xi32, #tpu.memory_space<vmem>> -> memref<1x2x128xi32, #tpu.memory_space<vmem>>
        %dma_wait3A_387 = tpu.memref_squeeze %dma_wait3A_386 : memref<1x2x128xi32, #tpu.memory_space<vmem>> -> memref<2x128xi32, #tpu.memory_space<vmem>>
        %dma_wait3A_388 = arith.constant 0 : i32
        %dma_wait3A_389 = arith.constant 0 : i32
        %dma_wait3A_390 = tpu.memref_slice %arg3[%arg1, %add3A_375, %dma_wait3A_388, %dma_wait3A_389] : memref<16x157x2x128xi32, #tpu.memory_space<hbm>> -> memref<1x1x2x128xi32, #tpu.memory_space<hbm>>
        %dma_wait3A_391 = tpu.memref_squeeze %dma_wait3A_390 : memref<1x1x2x128xi32, #tpu.memory_space<hbm>> -> memref<2x128xi32, #tpu.memory_space<hbm>>
        tpu.wait_dma2 semaphore(%arg8 : memref<!tpu.dma_semaphore, #tpu.memory_space<semaphore_mem>>) src(%dma_wait3A_391 : memref<2x128xi32, #tpu.memory_space<hbm>>) dst(%dma_wait3A_387 : memref<2x128xi32, #tpu.memory_space<vmem>>)
        %add3A_392 = arith.constant 1 : i32
        %add3A_393 = arith.addi %while3A_345, %add3A_392 : i32
        %rem3A_394 = arith.constant 4 : i32
        %rem3A_395 = arith.remsi %add3A_393, %rem3A_394 : i32
        %sub3A = arith.constant 1 : i32
        %sub3A_396 = arith.subi %sub3A, %rem3A_346 : i32
        %dma_start3A_397 = arith.constant 0 : i32
        %dma_start3A_398 = arith.constant 0 : i32
        %dma_start3A_399 = arith.constant 0 : i32
        %dma_start3A_400 = tpu.memref_slice %arg7[%sub3A_396, %dma_start3A_398, %dma_start3A_399] : memref<2x128x128xf32, #tpu.memory_space<vmem>> -> memref<1x128x128xf32, #tpu.memory_space<vmem>>
        %dma_start3A_401 = tpu.memref_squeeze %dma_start3A_400 : memref<1x128x128xf32, #tpu.memory_space<vmem>> -> memref<128x128xf32, #tpu.memory_space<vmem>>
        %dma_start3A_402 = arith.constant 0 : i32
        %dma_start3A_403 = tpu.memref_slice %arg6[%rem3A_395, %dma_start3A_397, %dma_start3A_402] : memref<4x2x128xi32, #tpu.memory_space<vmem>> -> memref<1x1x128xi32, #tpu.memory_space<vmem>>
        %dma_start3A_404 = tpu.memref_squeeze %dma_start3A_403 : memref<1x1x128xi32, #tpu.memory_space<vmem>> -> memref<128xi32, #tpu.memory_space<vmem>>
        %dma_start3A_405 = arith.constant 0 : i32
        %dma_start3A_406 = arith.constant 0 : i32
        %dma_start3A_407 = tpu.memref_slice %arg2[%dma_start3A_405, %dma_start3A_406] : memref<10240x128xf32, #tpu.memory_space<hbm>> -> memref<10240x128xf32, #tpu.memory_space<hbm>>
        tpu.enqueue_indirect_dma source(%dma_start3A_407 : memref<10240x128xf32, #tpu.memory_space<hbm>>) target(%dma_start3A_401 : memref<128x128xf32, #tpu.memory_space<vmem>>) offsets(%dma_start3A_404 : memref<128xi32, #tpu.memory_space<vmem>>) semaphore(%arg9 : memref<!tpu.dma_semaphore, #tpu.memory_space<semaphore_mem>>)
      } else {
      }
      %dma_wait3A_358 = arith.constant 0 : i32
      %dma_wait3A_359 = arith.constant 0 : i32
      %dma_wait3A_360 = arith.constant 0 : i32
      %dma_wait3A_361 = tpu.memref_slice %arg7[%rem3A_346, %dma_wait3A_359, %dma_wait3A_360] : memref<2x128x128xf32, #tpu.memory_space<vmem>> -> memref<1x128x128xf32, #tpu.memory_space<vmem>>
      %dma_wait3A_362 = tpu.memref_squeeze %dma_wait3A_361 : memref<1x128x128xf32, #tpu.memory_space<vmem>> -> memref<128x128xf32, #tpu.memory_space<vmem>>
      %dma_wait3A_363 = arith.constant 0 : i32
      %dma_wait3A_364 = tpu.memref_slice %arg6[%rem3A_348, %dma_wait3A_358, %dma_wait3A_363] : memref<4x2x128xi32, #tpu.memory_space<vmem>> -> memref<1x1x128xi32, #tpu.memory_space<vmem>>
      %dma_wait3A_365 = tpu.memref_squeeze %dma_wait3A_364 : memref<1x1x128xi32, #tpu.memory_space<vmem>> -> memref<128xi32, #tpu.memory_space<vmem>>
      %dma_wait3A_366 = arith.constant 0 : i32
      %dma_wait3A_367 = arith.constant 0 : i32
      %dma_wait3A_368 = tpu.memref_slice %arg2[%dma_wait3A_366, %dma_wait3A_367] : memref<10240x128xf32, #tpu.memory_space<hbm>> -> memref<10240x128xf32, #tpu.memory_space<hbm>>
      tpu.wait_indirect_dma semaphore(%arg9 : memref<!tpu.dma_semaphore, #tpu.memory_space<semaphore_mem>>) src(%dma_wait3A_368 : memref<10240x128xf32, #tpu.memory_space<hbm>>) dst(%dma_wait3A_362 : memref<128x128xf32, #tpu.memory_space<vmem>>)
      %run_scoped3A = arith.constant 1 : i32
      "tpu.region"() ({
        %run_scoped3A_369 = tpu.sem_alloc : memref<!tpu.dma_semaphore, #tpu.memory_space<semaphore_mem>>
        %dma_start3A_370 = arith.constant 0 : i32
        %dma_start3A_371 = arith.constant 0 : i32
        %dma_start3A_372 = tpu.memref_slice %arg7[%rem3A_346, %dma_start3A_370, %dma_start3A_371] : memref<2x128x128xf32, #tpu.memory_space<vmem>> -> memref<1x128x128xf32, #tpu.memory_space<vmem>>
        %dma_start3A_373 = tpu.memref_squeeze %dma_start3A_372 : memref<1x128x128xf32, #tpu.memory_space<vmem>> -> memref<128x128xf32, #tpu.memory_space<vmem>>
        %dma_start3A_374 = arith.constant 0 : i32
        %dma_start3A_375 = tpu.memref_slice %arg6[%rem3A_348, %run_scoped3A, %dma_start3A_374] : memref<4x2x128xi32, #tpu.memory_space<vmem>> -> memref<1x1x128xi32, #tpu.memory_space<vmem>>
        %dma_start3A_376 = tpu.memref_squeeze %dma_start3A_375 : memref<1x1x128xi32, #tpu.memory_space<vmem>> -> memref<128xi32, #tpu.memory_space<vmem>>
        %dma_start3A_377 = arith.constant 0 : i32
        %dma_start3A_378 = arith.constant 0 : i32
        %dma_start3A_379 = tpu.memref_slice %arg5[%dma_start3A_377, %dma_start3A_378] : memref<10240x128xf32, #tpu.memory_space<vmem_shared>> -> memref<10240x128xf32, #tpu.memory_space<vmem_shared>>
        tpu.enqueue_indirect_dma source(%dma_start3A_373 : memref<128x128xf32, #tpu.memory_space<vmem>>) target(%dma_start3A_379 : memref<10240x128xf32, #tpu.memory_space<vmem_shared>>) offsets(%dma_start3A_376 : memref<128xi32, #tpu.memory_space<vmem>>) semaphore(%run_scoped3A_369 : memref<!tpu.dma_semaphore, #tpu.memory_space<semaphore_mem>>) {add = true}
        %dma_wait3A_380 = arith.constant 0 : i32
        %dma_wait3A_381 = arith.constant 0 : i32
        %dma_wait3A_382 = tpu.memref_slice %arg7[%rem3A_346, %dma_wait3A_380, %dma_wait3A_381] : memref<2x128x128xf32, #tpu.memory_space<vmem>> -> memref<1x128x128xf32, #tpu.memory_space<vmem>>
        %dma_wait3A_383 = tpu.memref_squeeze %dma_wait3A_382 : memref<1x128x128xf32, #tpu.memory_space<vmem>> -> memref<128x128xf32, #tpu.memory_space<vmem>>
        %dma_wait3A_384 = arith.constant 0 : i32
        %dma_wait3A_385 = tpu.memref_slice %arg6[%rem3A_348, %run_scoped3A, %dma_wait3A_384] : memref<4x2x128xi32, #tpu.memory_space<vmem>> -> memref<1x1x128xi32, #tpu.memory_space<vmem>>
        %dma_wait3A_386 = tpu.memref_squeeze %dma_wait3A_385 : memref<1x1x128xi32, #tpu.memory_space<vmem>> -> memref<128xi32, #tpu.memory_space<vmem>>
        %dma_wait3A_387 = arith.constant 0 : i32
        %dma_wait3A_388 = arith.constant 0 : i32
        %dma_wait3A_389 = tpu.memref_slice %arg5[%dma_wait3A_387, %dma_wait3A_388] : memref<10240x128xf32, #tpu.memory_space<vmem_shared>> -> memref<10240x128xf32, #tpu.memory_space<vmem_shared>>
        tpu.wait_indirect_dma semaphore(%run_scoped3A_369 : memref<!tpu.dma_semaphore, #tpu.memory_space<semaphore_mem>>) src(%dma_wait3A_383 : memref<128x128xf32, #tpu.memory_space<vmem>>) dst(%dma_wait3A_389 : memref<10240x128xf32, #tpu.memory_space<vmem_shared>>)
        tpu.yield
      }) : () -> ()
    }
    %barrier3A_254 = arith.constant 0 : index
    tpu.barrier barrier_id(%barrier3A_254)
    %mul3A_255 = arith.constant 640 : i32
    %mul3A_256 = arith.muli %arg1, %mul3A_255 : i32
    %add3A_257 = arith.constant 0 : i32
    %add3A_258 = arith.addi %mul3A_256, %add3A_257 : i32
    %dma_start3A_259 = arith.constant 0 : i32
    %dma_start3A_260 = tpu.memref_slice %arg4[%arg0, %add3A_258, %dma_start3A_259] : memref<2x10240x128xf32, #tpu.memory_space<hbm>> -> memref<1x128x128xf32, #tpu.memory_space<hbm>>
    %dma_start3A_261 = tpu.memref_squeeze %dma_start3A_260 : memref<1x128x128xf32, #tpu.memory_space<hbm>> -> memref<128x128xf32, #tpu.memory_space<hbm>>
    %dma_start3A_262 = arith.constant 0 : i32
    %dma_start3A_263 = tpu.memref_slice %arg5[%add3A_258, %dma_start3A_262] : memref<10240x128xf32, #tpu.memory_space<vmem_shared>> -> memref<128x128xf32, #tpu.memory_space<vmem_shared>>
    tpu.enqueue_dma source(%dma_start3A_263 : memref<128x128xf32, #tpu.memory_space<vmem_shared>>) target(%dma_start3A_261 : memref<128x128xf32, #tpu.memory_space<hbm>>) target_semaphore(%arg8 : memref<!tpu.dma_semaphore, #tpu.memory_space<semaphore_mem>>)
    %mul3A_264 = arith.constant 640 : i32
    %mul3A_265 = arith.muli %arg1, %mul3A_264 : i32
    %add3A_266 = arith.constant 128 : i32
    %add3A_267 = arith.addi %mul3A_265, %add3A_266 : i32
    %dma_start3A_268 = arith.constant 0 : i32
    %dma_start3A_269 = tpu.memref_slice %arg4[%arg0, %add3A_267, %dma_start3A_268] : memref<2x10240x128xf32, #tpu.memory_space<hbm>> -> memref<1x128x128xf32, #tpu.memory_space<hbm>>
    %dma_start3A_270 = tpu.memref_squeeze %dma_start3A_269 : memref<1x128x128xf32, #tpu.memory_space<hbm>> -> memref<128x128xf32, #tpu.memory_space<hbm>>
    %dma_start3A_271 = arith.constant 0 : i32
    %dma_start3A_272 = tpu.memref_slice %arg5[%add3A_267, %dma_start3A_271] : memref<10240x128xf32, #tpu.memory_space<vmem_shared>> -> memref<128x128xf32, #tpu.memory_space<vmem_shared>>
    tpu.enqueue_dma source(%dma_start3A_272 : memref<128x128xf32, #tpu.memory_space<vmem_shared>>) target(%dma_start3A_270 : memref<128x128xf32, #tpu.memory_space<hbm>>) target_semaphore(%arg8 : memref<!tpu.dma_semaphore, #tpu.memory_space<semaphore_mem>>)
    %mul3A_273 = arith.constant 640 : i32
    %mul3A_274 = arith.muli %arg1, %mul3A_273 : i32
    %add3A_275 = arith.constant 256 : i32
    %add3A_276 = arith.addi %mul3A_274, %add3A_275 : i32
    %dma_start3A_277 = arith.constant 0 : i32
    %dma_start3A_278 = tpu.memref_slice %arg4[%arg0, %add3A_276, %dma_start3A_277] : memref<2x10240x128xf32, #tpu.memory_space<hbm>> -> memref<1x128x128xf32, #tpu.memory_space<hbm>>
    %dma_start3A_279 = tpu.memref_squeeze %dma_start3A_278 : memref<1x128x128xf32, #tpu.memory_space<hbm>> -> memref<128x128xf32, #tpu.memory_space<hbm>>
    %dma_start3A_280 = arith.constant 0 : i32
    %dma_start3A_281 = tpu.memref_slice %arg5[%add3A_276, %dma_start3A_280] : memref<10240x128xf32, #tpu.memory_space<vmem_shared>> -> memref<128x128xf32, #tpu.memory_space<vmem_shared>>
    tpu.enqueue_dma source(%dma_start3A_281 : memref<128x128xf32, #tpu.memory_space<vmem_shared>>) target(%dma_start3A_279 : memref<128x128xf32, #tpu.memory_space<hbm>>) target_semaphore(%arg8 : memref<!tpu.dma_semaphore, #tpu.memory_space<semaphore_mem>>)
    %mul3A_282 = arith.constant 640 : i32
    %mul3A_283 = arith.muli %arg1, %mul3A_282 : i32
    %add3A_284 = arith.constant 384 : i32
    %add3A_285 = arith.addi %mul3A_283, %add3A_284 : i32
    %dma_start3A_286 = arith.constant 0 : i32
    %dma_start3A_287 = tpu.memref_slice %arg4[%arg0, %add3A_285, %dma_start3A_286] : memref<2x10240x128xf32, #tpu.memory_space<hbm>> -> memref<1x128x128xf32, #tpu.memory_space<hbm>>
    %dma_start3A_288 = tpu.memref_squeeze %dma_start3A_287 : memref<1x128x128xf32, #tpu.memory_space<hbm>> -> memref<128x128xf32, #tpu.memory_space<hbm>>
    %dma_start3A_289 = arith.constant 0 : i32
    %dma_start3A_290 = tpu.memref_slice %arg5[%add3A_285, %dma_start3A_289] : memref<10240x128xf32, #tpu.memory_space<vmem_shared>> -> memref<128x128xf32, #tpu.memory_space<vmem_shared>>
    tpu.enqueue_dma source(%dma_start3A_290 : memref<128x128xf32, #tpu.memory_space<vmem_shared>>) target(%dma_start3A_288 : memref<128x128xf32, #tpu.memory_space<hbm>>) target_semaphore(%arg8 : memref<!tpu.dma_semaphore, #tpu.memory_space<semaphore_mem>>)
    %mul3A_291 = arith.constant 640 : i32
    %mul3A_292 = arith.muli %arg1, %mul3A_291 : i32
    %add3A_293 = arith.constant 512 : i32
    %add3A_294 = arith.addi %mul3A_292, %add3A_293 : i32
    %dma_start3A_295 = arith.constant 0 : i32
    %dma_start3A_296 = tpu.memref_slice %arg4[%arg0, %add3A_294, %dma_start3A_295] : memref<2x10240x128xf32, #tpu.memory_space<hbm>> -> memref<1x128x128xf32, #tpu.memory_space<hbm>>
    %dma_start3A_297 = tpu.memref_squeeze %dma_start3A_296 : memref<1x128x128xf32, #tpu.memory_space<hbm>> -> memref<128x128xf32, #tpu.memory_space<hbm>>
    %dma_start3A_298 = arith.constant 0 : i32
    %dma_start3A_299 = tpu.memref_slice %arg5[%add3A_294, %dma_start3A_298] : memref<10240x128xf32, #tpu.memory_space<vmem_shared>> -> memref<128x128xf32, #tpu.memory_space<vmem_shared>>
    tpu.enqueue_dma source(%dma_start3A_299 : memref<128x128xf32, #tpu.memory_space<vmem_shared>>) target(%dma_start3A_297 : memref<128x128xf32, #tpu.memory_space<hbm>>) target_semaphore(%arg8 : memref<!tpu.dma_semaphore, #tpu.memory_space<semaphore_mem>>)
    %mul3A_300 = arith.constant 640 : i32
    %mul3A_301 = arith.muli %arg1, %mul3A_300 : i32
    %add3A_302 = arith.constant 0 : i32
    %add3A_303 = arith.addi %mul3A_301, %add3A_302 : i32
    %dma_wait3A_304 = arith.constant 0 : i32
    %dma_wait3A_305 = tpu.memref_slice %arg4[%arg0, %add3A_303, %dma_wait3A_304] : memref<2x10240x128xf32, #tpu.memory_space<hbm>> -> memref<1x128x128xf32, #tpu.memory_space<hbm>>
    %dma_wait3A_306 = tpu.memref_squeeze %dma_wait3A_305 : memref<1x128x128xf32, #tpu.memory_space<hbm>> -> memref<128x128xf32, #tpu.memory_space<hbm>>
    %dma_wait3A_307 = arith.constant 0 : i32
    %dma_wait3A_308 = tpu.memref_slice %arg5[%add3A_303, %dma_wait3A_307] : memref<10240x128xf32, #tpu.memory_space<vmem_shared>> -> memref<128x128xf32, #tpu.memory_space<vmem_shared>>
    tpu.wait_dma2 semaphore(%arg8 : memref<!tpu.dma_semaphore, #tpu.memory_space<semaphore_mem>>) src(%dma_wait3A_308 : memref<128x128xf32, #tpu.memory_space<vmem_shared>>) dst(%dma_wait3A_306 : memref<128x128xf32, #tpu.memory_space<hbm>>)
    %mul3A_309 = arith.constant 640 : i32
    %mul3A_310 = arith.muli %arg1, %mul3A_309 : i32
    %add3A_311 = arith.constant 128 : i32
    %add3A_312 = arith.addi %mul3A_310, %add3A_311 : i32
    %dma_wait3A_313 = arith.constant 0 : i32
    %dma_wait3A_314 = tpu.memref_slice %arg4[%arg0, %add3A_312, %dma_wait3A_313] : memref<2x10240x128xf32, #tpu.memory_space<hbm>> -> memref<1x128x128xf32, #tpu.memory_space<hbm>>
    %dma_wait3A_315 = tpu.memref_squeeze %dma_wait3A_314 : memref<1x128x128xf32, #tpu.memory_space<hbm>> -> memref<128x128xf32, #tpu.memory_space<hbm>>
    %dma_wait3A_316 = arith.constant 0 : i32
    %dma_wait3A_317 = tpu.memref_slice %arg5[%add3A_312, %dma_wait3A_316] : memref<10240x128xf32, #tpu.memory_space<vmem_shared>> -> memref<128x128xf32, #tpu.memory_space<vmem_shared>>
    tpu.wait_dma2 semaphore(%arg8 : memref<!tpu.dma_semaphore, #tpu.memory_space<semaphore_mem>>) src(%dma_wait3A_317 : memref<128x128xf32, #tpu.memory_space<vmem_shared>>) dst(%dma_wait3A_315 : memref<128x128xf32, #tpu.memory_space<hbm>>)
    %mul3A_318 = arith.constant 640 : i32
    %mul3A_319 = arith.muli %arg1, %mul3A_318 : i32
    %add3A_320 = arith.constant 256 : i32
    %add3A_321 = arith.addi %mul3A_319, %add3A_320 : i32
    %dma_wait3A_322 = arith.constant 0 : i32
    %dma_wait3A_323 = tpu.memref_slice %arg4[%arg0, %add3A_321, %dma_wait3A_322] : memref<2x10240x128xf32, #tpu.memory_space<hbm>> -> memref<1x128x128xf32, #tpu.memory_space<hbm>>
    %dma_wait3A_324 = tpu.memref_squeeze %dma_wait3A_323 : memref<1x128x128xf32, #tpu.memory_space<hbm>> -> memref<128x128xf32, #tpu.memory_space<hbm>>
    %dma_wait3A_325 = arith.constant 0 : i32
    %dma_wait3A_326 = tpu.memref_slice %arg5[%add3A_321, %dma_wait3A_325] : memref<10240x128xf32, #tpu.memory_space<vmem_shared>> -> memref<128x128xf32, #tpu.memory_space<vmem_shared>>
    tpu.wait_dma2 semaphore(%arg8 : memref<!tpu.dma_semaphore, #tpu.memory_space<semaphore_mem>>) src(%dma_wait3A_326 : memref<128x128xf32, #tpu.memory_space<vmem_shared>>) dst(%dma_wait3A_324 : memref<128x128xf32, #tpu.memory_space<hbm>>)
    %mul3A_327 = arith.constant 640 : i32
    %mul3A_328 = arith.muli %arg1, %mul3A_327 : i32
    %add3A_329 = arith.constant 384 : i32
    %add3A_330 = arith.addi %mul3A_328, %add3A_329 : i32
    %dma_wait3A_331 = arith.constant 0 : i32
    %dma_wait3A_332 = tpu.memref_slice %arg4[%arg0, %add3A_330, %dma_wait3A_331] : memref<2x10240x128xf32, #tpu.memory_space<hbm>> -> memref<1x128x128xf32, #tpu.memory_space<hbm>>
    %dma_wait3A_333 = tpu.memref_squeeze %dma_wait3A_332 : memref<1x128x128xf32, #tpu.memory_space<hbm>> -> memref<128x128xf32, #tpu.memory_space<hbm>>
    %dma_wait3A_334 = arith.constant 0 : i32
    %dma_wait3A_335 = tpu.memref_slice %arg5[%add3A_330, %dma_wait3A_334] : memref<10240x128xf32, #tpu.memory_space<vmem_shared>> -> memref<128x128xf32, #tpu.memory_space<vmem_shared>>
    tpu.wait_dma2 semaphore(%arg8 : memref<!tpu.dma_semaphore, #tpu.memory_space<semaphore_mem>>) src(%dma_wait3A_335 : memref<128x128xf32, #tpu.memory_space<vmem_shared>>) dst(%dma_wait3A_333 : memref<128x128xf32, #tpu.memory_space<hbm>>)
    %mul3A_336 = arith.constant 640 : i32
    %mul3A_337 = arith.muli %arg1, %mul3A_336 : i32
    %add3A_338 = arith.constant 512 : i32
    %add3A_339 = arith.addi %mul3A_337, %add3A_338 : i32
    %dma_wait3A_340 = arith.constant 0 : i32
    %dma_wait3A_341 = tpu.memref_slice %arg4[%arg0, %add3A_339, %dma_wait3A_340] : memref<2x10240x128xf32, #tpu.memory_space<hbm>> -> memref<1x128x128xf32, #tpu.memory_space<hbm>>
    %dma_wait3A_342 = tpu.memref_squeeze %dma_wait3A_341 : memref<1x128x128xf32, #tpu.memory_space<hbm>> -> memref<128x128xf32, #tpu.memory_space<hbm>>
    %dma_wait3A_343 = arith.constant 0 : i32
    %dma_wait3A_344 = tpu.memref_slice %arg5[%add3A_339, %dma_wait3A_343] : memref<10240x128xf32, #tpu.memory_space<vmem_shared>> -> memref<128x128xf32, #tpu.memory_space<vmem_shared>>
    tpu.wait_dma2 semaphore(%arg8 : memref<!tpu.dma_semaphore, #tpu.memory_space<semaphore_mem>>) src(%dma_wait3A_344 : memref<128x128xf32, #tpu.memory_space<vmem_shared>>) dst(%dma_wait3A_342 : memref<128x128xf32, #tpu.memory_space<hbm>>)
    return
  }
}

module attributes {stable_mosaic.version = 14 : i64} {
  func.func @_mm_body(%arg0: i32, %arg1: memref<1024x128xf32, #tpu.memory_space<vmem>>, %arg2: memref<128x128xf32, #tpu.memory_space<vmem>>, %arg3: memref<1024x128xf32, #tpu.memory_space<vmem>>) attributes {dimension_semantics = [#tpu.dimension_semantics<arbitrary>], iteration_bounds = array<i64: 10>, scalar_prefetch = 0 : i64, scratch_operands = 0 : i64, tpu.core_type = #tpu.core_type<tc>, window_params = [{transform_indices = @transform_0, window_bounds = array<i64: 1024, 128>}, {pipeline_mode = #tpu.pipeline_mode<synchronous>, transform_indices = @transform_1, window_bounds = array<i64: 128, 128>}, {transform_indices = @transform_2, window_bounds = array<i64: 1024, 128>}]} {
    %get3A = arith.constant 0 : index
    %get3A_0 = arith.constant 0 : index
    %get3A_1 = vector.load %arg1[%get3A, %get3A_0] : memref<1024x128xf32, #tpu.memory_space<vmem>>, vector<1024x128xf32>
    %get3A_2 = arith.constant 0 : index
    %get3A_3 = arith.constant 0 : index
    %get3A_4 = vector.load %arg2[%get3A_2, %get3A_3] : memref<128x128xf32, #tpu.memory_space<vmem>>, vector<128x128xf32>
    %dot_general3A = arith.constant dense<0.000000e+00> : vector<1024x128xf32>
    %dot_general3A_5 = tpu.matmul %get3A_1, %get3A_4, %dot_general3A {dimension_numbers = #tpu.dot_dimension_numbers<[1], [0], [0], [1], [0, 0, 1, 1], [], []>, transpose_lhs_hint = false} : vector<1024x128xf32>, vector<128x128xf32>, vector<1024x128xf32> -> vector<1024x128xf32>
    %swap3A = arith.constant 0 : index
    %swap3A_6 = arith.constant 0 : index
    %swap3A_7 = vector.load %arg3[%swap3A, %swap3A_6] : memref<1024x128xf32, #tpu.memory_space<vmem>>, vector<1024x128xf32>
    tpu.vector_store %arg3[%swap3A, %swap3A_6], %dot_general3A_5 {strides = array<i32>} : memref<1024x128xf32, #tpu.memory_space<vmem>>, vector<1024x128xf32>,
    return
  }
  func.func @transform_0(%arg0: i32) -> (i32, i32) {
    %c0_i32 = arith.constant 0 : i32
    %c0_i32_0 = arith.constant 0 : i32
    return %arg0, %c0_i32 : i32, i32
  }
  func.func @transform_1(%arg0: i32) -> (i32, i32) {
    %c0_i32 = arith.constant 0 : i32
    %c0_i32_0 = arith.constant 0 : i32
    %c0_i32_1 = arith.constant 0 : i32
    return %c0_i32, %c0_i32_0 : i32, i32
  }
  func.func @transform_2(%arg0: i32) -> (i32, i32) {
    %c0_i32 = arith.constant 0 : i32
    %c0_i32_0 = arith.constant 0 : i32
    return %arg0, %c0_i32 : i32, i32
  }
}

module attributes {stable_mosaic.version = 14 : i64} {
  func.func @_fused_mm_body(%arg0: i32, %arg1: memref<2x1024x128xf32, #tpu.memory_space<vmem>>, %arg2: memref<1x128xf32, #tpu.memory_space<vmem>>, %arg3: memref<128x128xf32, #tpu.memory_space<vmem>>, %arg4: memref<1024x128xf32, #tpu.memory_space<vmem>>) attributes {dimension_semantics = [#tpu.dimension_semantics<arbitrary>], iteration_bounds = array<i64: 10>, scalar_prefetch = 0 : i64, scratch_operands = 0 : i64, tpu.core_type = #tpu.core_type<tc>, window_params = [{transform_indices = @transform_0, window_bounds = array<i64: 2, 1024, 128>}, {pipeline_mode = #tpu.pipeline_mode<synchronous>, transform_indices = @transform_1, window_bounds = array<i64: 1, 128>}, {pipeline_mode = #tpu.pipeline_mode<synchronous>, transform_indices = @transform_2, window_bounds = array<i64: 128, 128>}, {transform_indices = @transform_3, window_bounds = array<i64: 1024, 128>}]} {
    %get3A = arith.constant 0 : index
    %get3A_0 = arith.constant 0 : index
    %get3A_1 = arith.constant 0 : index
    %get3A_2 = vector.load %arg1[%get3A, %get3A_0, %get3A_1] : memref<2x1024x128xf32, #tpu.memory_space<vmem>>, vector<1x1024x128xf32>
    %get3A_3 = vector.shape_cast %get3A_2 : vector<1x1024x128xf32> to vector<1024x128xf32>
    %get3A_4 = arith.constant 1 : index
    %get3A_5 = arith.constant 0 : index
    %get3A_6 = arith.constant 0 : index
    %get3A_7 = vector.load %arg1[%get3A_4, %get3A_5, %get3A_6] : memref<2x1024x128xf32, #tpu.memory_space<vmem>>, vector<1x1024x128xf32>
    %get3A_8 = vector.shape_cast %get3A_7 : vector<1x1024x128xf32> to vector<1024x128xf32>
    %add3A = arith.addf %get3A_3, %get3A_8 : vector<1024x128xf32>
    %get3A_9 = arith.constant 0 : index
    %get3A_10 = arith.constant 0 : index
    %get3A_11 = vector.load %arg2[%get3A_9, %get3A_10] : memref<1x128xf32, #tpu.memory_space<vmem>>, vector<1x128xf32>
    %add3A_12 = vector.broadcast %get3A_11 : vector<1x128xf32> to vector<1024x128xf32>
    %add3A_13 = arith.addf %add3A, %add3A_12 : vector<1024x128xf32>
    %max3A = arith.constant 0.000000e+00 : f32
    %max3A_14 = vector.broadcast %max3A : f32 to vector<1024x128xf32>
    %max3A_15 = arith.maximumf %add3A_13, %max3A_14 : vector<1024x128xf32>
    %get3A_16 = arith.constant 0 : index
    %get3A_17 = arith.constant 0 : index
    %get3A_18 = vector.load %arg3[%get3A_16, %get3A_17] : memref<128x128xf32, #tpu.memory_space<vmem>>, vector<128x128xf32>
    %dot_general3A = arith.constant dense<0.000000e+00> : vector<1024x128xf32>
    %dot_general3A_19 = tpu.matmul %max3A_15, %get3A_18, %dot_general3A {dimension_numbers = #tpu.dot_dimension_numbers<[1], [0], [0], [1], [0, 0, 1, 1], [], []>, transpose_lhs_hint = false} : vector<1024x128xf32>, vector<128x128xf32>, vector<1024x128xf32> -> vector<1024x128xf32>
    %swap3A = arith.constant 0 : index
    %swap3A_20 = arith.constant 0 : index
    %swap3A_21 = vector.load %arg4[%swap3A, %swap3A_20] : memref<1024x128xf32, #tpu.memory_space<vmem>>, vector<1024x128xf32>
    tpu.vector_store %arg4[%swap3A, %swap3A_20], %dot_general3A_19 {strides = array<i32>} : memref<1024x128xf32, #tpu.memory_space<vmem>>, vector<1024x128xf32>,
    return
  }
  func.func @transform_0(%arg0: i32) -> (i32, i32, i32) {
    %c0_i32 = arith.constant 0 : i32
    %c0_i32_0 = arith.constant 0 : i32
    %c0_i32_1 = arith.constant 0 : i32
    return %c0_i32, %arg0, %c0_i32_0 : i32, i32, i32
  }
  func.func @transform_1(%arg0: i32) -> (i32, i32) {
    %c0_i32 = arith.constant 0 : i32
    %c0_i32_0 = arith.constant 0 : i32
    %c0_i32_1 = arith.constant 0 : i32
    return %c0_i32, %c0_i32_0 : i32, i32
  }
  func.func @transform_2(%arg0: i32) -> (i32, i32) {
    %c0_i32 = arith.constant 0 : i32
    %c0_i32_0 = arith.constant 0 : i32
    %c0_i32_1 = arith.constant 0 : i32
    return %c0_i32, %c0_i32_0 : i32, i32
  }
  func.func @transform_3(%arg0: i32) -> (i32, i32) {
    %c0_i32 = arith.constant 0 : i32
    %c0_i32_0 = arith.constant 0 : i32
    return %arg0, %c0_i32 : i32, i32
  }
}

module attributes {stable_mosaic.version = 14 : i64} {
  func.func @_relu_out_body(%arg0: i32, %arg1: memref<2x1024x128xf32, #tpu.memory_space<vmem>>, %arg2: memref<1x128xf32, #tpu.memory_space<vmem>>, %arg3: memref<1024x128xf32, #tpu.memory_space<vmem>>) attributes {dimension_semantics = [#tpu.dimension_semantics<arbitrary>], iteration_bounds = array<i64: 10>, scalar_prefetch = 0 : i64, scratch_operands = 0 : i64, tpu.core_type = #tpu.core_type<tc>, window_params = [{transform_indices = @transform_0, window_bounds = array<i64: 2, 1024, 128>}, {pipeline_mode = #tpu.pipeline_mode<synchronous>, transform_indices = @transform_1, window_bounds = array<i64: 1, 128>}, {transform_indices = @transform_2, window_bounds = array<i64: 1024, 128>}]} {
    %get3A = arith.constant 0 : index
    %get3A_0 = arith.constant 0 : index
    %get3A_1 = arith.constant 0 : index
    %get3A_2 = vector.load %arg1[%get3A, %get3A_0, %get3A_1] : memref<2x1024x128xf32, #tpu.memory_space<vmem>>, vector<1x1024x128xf32>
    %get3A_3 = vector.shape_cast %get3A_2 : vector<1x1024x128xf32> to vector<1024x128xf32>
    %get3A_4 = arith.constant 1 : index
    %get3A_5 = arith.constant 0 : index
    %get3A_6 = arith.constant 0 : index
    %get3A_7 = vector.load %arg1[%get3A_4, %get3A_5, %get3A_6] : memref<2x1024x128xf32, #tpu.memory_space<vmem>>, vector<1x1024x128xf32>
    %get3A_8 = vector.shape_cast %get3A_7 : vector<1x1024x128xf32> to vector<1024x128xf32>
    %add3A = arith.addf %get3A_3, %get3A_8 : vector<1024x128xf32>
    %get3A_9 = arith.constant 0 : index
    %get3A_10 = arith.constant 0 : index
    %get3A_11 = vector.load %arg2[%get3A_9, %get3A_10] : memref<1x128xf32, #tpu.memory_space<vmem>>, vector<1x128xf32>
    %add3A_12 = vector.broadcast %get3A_11 : vector<1x128xf32> to vector<1024x128xf32>
    %add3A_13 = arith.addf %add3A, %add3A_12 : vector<1024x128xf32>
    %max3A = arith.constant 0.000000e+00 : f32
    %max3A_14 = vector.broadcast %max3A : f32 to vector<1024x128xf32>
    %max3A_15 = arith.maximumf %add3A_13, %max3A_14 : vector<1024x128xf32>
    %swap3A = arith.constant 0 : index
    %swap3A_16 = arith.constant 0 : index
    %swap3A_17 = vector.load %arg3[%swap3A, %swap3A_16] : memref<1024x128xf32, #tpu.memory_space<vmem>>, vector<1024x128xf32>
    tpu.vector_store %arg3[%swap3A, %swap3A_16], %max3A_15 {strides = array<i32>} : memref<1024x128xf32, #tpu.memory_space<vmem>>, vector<1024x128xf32>,
    return
  }
  func.func @transform_0(%arg0: i32) -> (i32, i32, i32) {
    %c0_i32 = arith.constant 0 : i32
    %c0_i32_0 = arith.constant 0 : i32
    %c0_i32_1 = arith.constant 0 : i32
    return %c0_i32, %arg0, %c0_i32_0 : i32, i32, i32
  }
  func.func @transform_1(%arg0: i32) -> (i32, i32) {
    %c0_i32 = arith.constant 0 : i32
    %c0_i32_0 = arith.constant 0 : i32
    %c0_i32_1 = arith.constant 0 : i32
    return %c0_i32, %c0_i32_0 : i32, i32
  }
  func.func @transform_2(%arg0: i32) -> (i32, i32) {
    %c0_i32 = arith.constant 0 : i32
    %c0_i32_0 = arith.constant 0 : i32
    return %arg0, %c0_i32 : i32, i32
  }
}

</mosaic_0001>

<sc_bundles>
// kernel: kernel.12.cloned.1.call-start
scs
__scs_entry_jumppad:
0x0: {  	(pc) =	sbr.rel $0x88, $3  }
0x1: {  	(tag) =	ssettag $0x0;
	lr =	simm.s32 $0x1  }
0x2: {  	[smem:$0x3F99] =	sst lr;
	_ =	strace $0xD0000000  }
0x3: {  	_ = 	snop  }
0x4: {  	_ = 	snop  }
0x5: {  	_ = 	snop  }
0x6: {  	_ = 	snop  }
0x7: {  	_ = 	snop  }
__scs_overlays_trampoline_lowered:
0x8: {  	[smem:$0x3FA8] =	sst s0  }
0x9: {  	[smem:$0x3FA9] =	sst s1  }
0xa: {  	[smem:$0x3FAA] =	sst s2  }
0xb: {  	[smem:$0x3FAB] =	sst s3  }
0xc: {  	[smem:$0x3FAC] =	sst s4  }
0xd: {  	[smem:$0x3FAD] =	sst s5  }
0xe: {  	[smem:$0x3FAE] =	sst s6  }
0xf: {  	[smem:$0x3FAF] =	sst s7  }
0x10: {  	[smem:$0x3FB0] =	sst s8  }
0x11: {  	[smem:$0x3FB1] =	sst s9;
	s0 =	simm.s32 @!p0 $0x0  }
0x12: {  	s1 =	sld [smem:$0x3F97];
	s0 =	simm.s32 @p0 $0x1  }
0x13: {  	[smem:$0x3FB2] =	sst s0;
	s0 =	simm.s32 @!p1 $0x0  }
0x14: {  	s2 =	sld [smem:$0x3F96];
	s0 =	simm.s32 @p1 $0x1  }
0x15: {  	[smem:$0x3FB3] =	sst s0;
	s0 =	simm.s32 @!p2 $0x0  }
0x16: {  	s3 =	sld [smem:$0x3FDB];
	s0 =	simm.s32 @p2 $0x1  }
0x17: {  	s4 =	simm.s32 $0x1BF5;
	[smem:$0x3FB5] =	sst s0  }
0x18: {  	s0 =	sld [smem:$0x3F98];
	_ =	swait.ge [sflag:s4], $0x0  }
0x19: {  	s7 =	sld [smem:$0x3F99]  }
0x1a: {  	s8 =	sadd.s32 $0xFFFFE003, lr  }
0x1b: {  	s9 =	sadd.s32 $0xFFFFFEF7, lr;
	s5 =	simm.s32 $0xFFFFFFFF;
	p2 =	slt.u32 s8, $0xFFFFF086  }
0x1c: {  	p1 =	slt.u32 s9, $0xF7A;
	s5 =	simm.s32 @!p2 $0x0  }
0x1d: {  	s5 =	simm.s32 @p1 $0x1;
	p0 =	seq.s32 s7, s2  }
0x1e: {  	s7 =	smul.u32 @!p0 $0xF7A, s2;
	p2 =	seq.s32 @!p0 s5, $0x0  }
0x1f: {  	s9 =	smul.u32 $0xF7A, s1;
	s8 =	simm.s32 @!p0 $0x1BF5;
	p2 =	por !p2, p0  }
0x20: {  	[sflag:s8] =	ssyncset.s32 @!p0 $0xFFFFF086;
	s6 =	sadd.s32 @!p0 s3, s7;
	s7 =	simm.s32 @!p0 $0x108  }
0x21: {  	s3 =	sadd.s32 s3, s9;
	s6 =	sadd.s32 @!p0 $0x88, s6;
	s7 =	simm.s32 @p2 $0x1082  }
0x22: {  	[simem:s7], [sflag:s8] =	dma.local @!p0 [hbm:s6], $0xF7A  }
0x23: {  	s9 =	sor.u32 $0xD0000000, s2;
	s6 =	simm.s32 $0x108;
	_ =	swait.ge @!p0 [sflag:s8], $0x0  }
0x24: {  	s3 =	sadd.s32 $0x88, s3;
	s6 =	simm.s32 @!p1 $0x1082;
	[sflag:s4] =	ssyncset.s32 $0xFFFFF086  }
0x25: {  	[simem:s6], [sflag:s4] =	dma.local [hbm:s3], $0xF7A  }
0x26: {  	[smem:$0x3F99] =	sst s1;
	(tag) =	ssettag s2;
	_ =	strace s9  }
0x27: {  	s1 =	sld [smem:$0x3FA9]  }
0x28: {  	s2 =	sld [smem:$0x3FAA]  }
0x29: {  	s4 =	sld [smem:$0x3FAC]  }
0x2a: {  	p0 =	seq.s32 s5, $0x0;
	s5 =	sld [smem:$0x3FAD]  }
0x2b: {  	s6 =	sld [smem:$0x3FAE]  }
0x2c: {  	s7 =	sld [smem:$0x3FAF]  }
0x2d: {  	s3 =	simm.s32 $0x108;
	s8 =	sld [smem:$0x3FB0]  }
0x2e: {  	s3 =	simm.s32 @!p0 $0x1082;
	s9 =	sld [smem:$0x3FB1]  }
0x2f: {  	lr =	sadd.s32 s0, s3;
	s0 =	sld [smem:$0x3FA8]  }
0x30: {  	s3 =	sld [smem:$0x3FAB]  }
0x31: {  	[smem:$0x3FB4] =	sst s10  }
0x32: {  	s10 =	sld [smem:$0x3FB2];
	_ =	sdelay $0x3  }
0x33: {  	p0 =	seq.s32 s10, $0x1;
	s10 =	sld [smem:$0x3FB4];
	_ =	sdelay $0x3  }
0x34: {  	[smem:$0x3FB4] =	sst s10  }
0x35: {  	s10 =	sld [smem:$0x3FB3];
	_ =	sdelay $0x3  }
0x36: {  	p1 =	seq.s32 s10, $0x1;
	s10 =	sld [smem:$0x3FB4];
	_ =	sdelay $0x3  }
0x37: {  	[smem:$0x3FB4] =	sst s10  }
0x38: {  	s10 =	sld [smem:$0x3FB5]  }
0x39: {  	_ = 	snop;
	(pc) =	sbr.ind lr, $3  }
0x3a: {  	_ = 	snop  }
0x3b: {  	_ = 	snop  }
0x3c: {  	p2 =	seq.s32 s10, $0x1;
	s10 =	sld [smem:$0x3FB4]  }
0x3d: {  	_ =	shalt  }
0x3e: {  	_ =	shalt  }
0x3f: {  	_ =	shalt  }
0x40: {  	_ =	shalt  }
0x41: {  	_ =	shalt  }
0x42: {  	_ =	shalt  }
0x43: {  	_ =	shalt  }
0x44: {  	_ =	shalt  }
0x45: {  	_ =	shalt  }
0x46: {  	_ =	shalt  }
0x47: {  	_ =	shalt  }
0x48: {  	_ =	shalt  }
0x49: {  	_ =	shalt  }
0x4a: {  	_ =	shalt  }
0x4b: {  	_ =	shalt  }
0x4c: {  	_ =	shalt  }
0x4d: {  	_ =	shalt  }
0x4e: {  	_ =	shalt  }
0x4f: {  	_ =	shalt  }
0x50: {  	_ =	shalt  }
0x51: {  	_ =	shalt  }
0x52: {  	_ =	shalt  }
0x53: {  	_ =	shalt  }
0x54: {  	_ =	shalt  }
0x55: {  	_ =	shalt  }
0x56: {  	_ =	shalt  }
0x57: {  	_ =	shalt  }
0x58: {  	_ =	shalt  }
0x59: {  	_ =	shalt  }
0x5a: {  	_ =	shalt  }
0x5b: {  	_ =	shalt  }
0x5c: {  	_ =	shalt  }
0x5d: {  	_ =	shalt  }
0x5e: {  	_ =	shalt  }
0x5f: {  	_ =	shalt  }
0x60: {  	_ =	shalt  }
0x61: {  	_ =	shalt  }
0x62: {  	_ =	shalt  }
0x63: {  	_ =	shalt  }
0x64: {  	_ =	shalt  }
0x65: {  	_ =	shalt  }
0x66: {  	_ =	shalt  }
0x67: {  	_ =	shalt  }
0x68: {  	_ =	shalt  }
0x69: {  	_ =	shalt  }
0x6a: {  	_ =	shalt  }
0x6b: {  	_ =	shalt  }
0x6c: {  	_ =	shalt  }
0x6d: {  	_ =	shalt  }
0x6e: {  	_ =	shalt  }
0x6f: {  	_ =	shalt  }
0x70: {  	_ =	shalt  }
0x71: {  	_ =	shalt  }
0x72: {  	_ =	shalt  }
0x73: {  	_ =	shalt  }
0x74: {  	_ =	shalt  }
0x75: {  	_ =	shalt  }
0x76: {  	_ =	shalt  }
0x77: {  	_ =	shalt  }
0x78: {  	_ =	shalt  }
0x79: {  	_ =	shalt  }
0x7a: {  	_ =	shalt  }
0x7b: {  	_ =	shalt  }
0x7c: {  	_ =	shalt  }
0x7d: {  	_ =	shalt  }
0x7e: {  	_ =	shalt  }
0x7f: {  	_ =	shalt  }
0x80: {  	_ =	shalt  }
0x81: {  	_ =	shalt  }
0x82: {  	_ =	shalt  }
0x83: {  	_ =	shalt  }
0x84: {  	_ =	shalt  }
0x85: {  	_ =	shalt  }
0x86: {  	_ =	shalt  }
0x87: {  	_ =	shalt  }
.Lfunc_end0:
.L_simem_size_0:
called_computation.1_lowered:
.L_overlay_start_0:
0x88: {  	s2 =	sld [smem:$0x3FD9]  }
0x89: {  	s3 =	sld [smem:$0x3FFE];
	_ =	sdelay $0x1  }
0x8a: {  	s1 =	srdreg.scid  }
0x8b: {  	s0 =	sand.u32 $0x1, s1  }
0x8c: {  	s17 =	sshll.u32 s0, $0xA;
	s2 =	sadd.s32 s3, s2  }
0x8d: {  	s2 =	sadd.s32 s2, s17  }
0x8e: {  	[smem:$0x3FC0] =	sst s2  }
0x8f: {  	_ = 	snop  }
0x90: {  	s2 =	sld [smem:$0x3FD0];
	(tm) =	ssettm $0x1  }
0x91: {  	s18 =	sld [smem:$0x3FFB];
	_ =	sdelay $0x3  }
0x92: {  	_ =	strace s18  }
0x93: {  	s3 =	sld [smem:$0x3FFC];
	_ =	sdelay $0x3  }
0x94: {  	_ =	strace s3  }
0x95: {  	s3 =	sld [smem:$0x3FFD];
	_ =	sdelay $0x3  }
0x96: {  	_ =	strace s3  }
0x97: {  	_ =	strace $0x8FFFFFFF  }
0x98: {  	s19 =	sld [smem:$0x3FDB];
	_ =	sdelay $0x1  }
0x99: {  	s4 =	simm.s32 $_scs_section_size  }
0x9a: {  	s5 =	simm.s32 $_size__tile_overlayer_lowered;
	s6 =	simm.s32 $_tile_overlayer_lowered  }
0x9b: {  	s22 =	simm.s32 $0x1BFF;
	s21 =	sshll.u32 s6, $0x1;
	s3 =	sadd.s32 s4, s19  }
0x9c: {  	s7 =	simm.s32 $0x0;
	s20 =	sshll.u32 s5, $0x1;
	s5 =	sadd.s32 s21, s3  }
0x9d: {  	[timem:s7], [sflag:s22] =	dma.local [hbm:s5], s20  }
0x9e: {  	_ =	swait.ge [sflag:s22], s20  }
0x9f: {  	s4 =	ssub.s32 $0x0, s20;
	[sflag:s22] =	ssyncset.done $0x0  }
0xa0: {  	[sflag:s22] =	ssyncadd.s32 s4;
	_ =	sdelay $0x1  }
0xa1: {  	s23 =	simm.s32 $0x1B8B  }
0xa2: {  	_ =	swait.ge [sflag:s23], $0x1  }
0xa3: {  	[sflag:s23] =	ssyncset.done $0x0  }
0xa4: {  	s25 =	simm.s32 $0x1B8E;
	s24 =	sld [smem:$0x3FFE];
	[sflag:s23] =	ssyncadd.s32 $0xFFFFFFFF  }
0xa5: {  	s26 =	simm.s32 $execute0_lowered;
	[smem:$0x3FD2] =	sst s25  }
0xa6: {  	s5 =	sshll.u32 s26, $0x1;
	_ =	strace $0x80000049;
	[dreg:$0x1] =	wrdreg $0xFFFFFFFF  }
0xa7: {  	s28 =	simm.s32 $_size_execute0_lowered;
	s3 =	sadd.s32 s3, s5;
	[dreg:$0x0] =	wrdreg $0x0  }
0xa8: {  	s5 =	sshll.u32 s28, $0x1;
	[dreg:$0x2] =	wrdreg s3  }
0xa9: {  	[dreg:$0x3] =	wrdreg s5  }
0xaa: {  	[dreg:$0x4] =	wrdreg $0xC0  }
0xab: {  	_ =	task [dreg:s7], $0x5FFFF  }
0xac: {  	[dreg:$0x1] =	wrdreg $0xFFFFFFFF  }
0xad: {  	[dreg:$0x0] =	wrdreg $0x60  }
0xae: {  	[dreg:$0x2] =	wrdreg s24  }
0xaf: {  	[dreg:$0x3] =	wrdreg s2  }
0xb0: {  	[dreg:$0x4] =	wrdreg $0x0  }
0xb1: {  	[dreg:$0x5] =	wrdreg $0x9  }
0xb2: {  	_ =	task.clear_ibuf [dreg:s7], $0x6FFFF;
	_ =	strace $0x90000049  }
0xb3: {  	s29 =	simm.s32 $0x9;
	_ =	strace $0x8000004B  }
0xb4: {  	_ =	swait.ge [sflag:s29], $0x1  }
0xb5: {  	[sflag:s29] =	ssyncadd.s32 $0xFFFFFFFF  }
0xb6: {  	_ =	strace $0x9000004B  }
0xb7: {  	_ =	sfence  }
0xb8: {  	s30 =	sld [smem:$0x0];
	_ =	sdelay $0x2  }
0xb9: {  	s31 =	sshll.u32 s1, $0xD;
	s1 =	sshrl.u32 s1, $0x2  }
0xba: {  	s3 =	sand.u32 $0x4000, s31;
	s1 =	sadd.s32 s1, s30  }
0xbb: {  	s0 =	sor.u32 s3, s0;
	s1 =	sshll.u32 s1, $0x11  }
0xbc: {  	s0 =	sor.u32 s1, s0  }
0xbd: {  	s0 =	sadd.s32 $0x8F2B, s0  }
0xbe: {  	[sflag:s0] =	ssyncadd.remote.s32 $0x1  }
0xbf: {  	_ =	sfence.sel $0xFFFF  }
0xc0: {  	[dreg:$0x0] =	wrdreg $0xFFFFFFFF;
	(pc) =	sbr.abs _section_cstart, $3  }
0xc1: {  	[dreg:$0x1] =	wrdreg $0xFFFFFFFF  }
0xc2: {  	_ =	task.clear_ibuf [dreg:s7], $0x2FFFF;
	_ =	strace $0x9FFFFFFF  }
0xc3: {  	(tm) =	ssettm $0x7FFFFFFF  }
tec
execute0_lowered:
.L_overlay_start_1:
0x0: {  	(tag) =	ssettag $0x1  }
0x1: {  	s0 =	rddreg [dreg:$0x0]  }
0x2: {  	s2 =	rddreg [dreg:$0x1]  }
0x3: {  	s1 =	rddreg [dreg:$0x2];
	s3 =	simm.s32 $0x0  }
0x4: {  	s4 =	srdreg.scid;
	s9 =	stileid.u32;
	s29 =	simm.s32 $0x80  }
0x5: {  	s30 =	simm.s32 $0x2;
	s31 =	simm.s32 $0x3;
	s6 =	smul.u32 $0x50000, s9  }
0x6: {  	[smem:$0x7FF] =	sst s3;
	s10 =	sand.u32 $0x1, s4;
	s11 =	smul.u32 $0x14000, s9  }
0x7: {  	s4 =	sadd.s32 $0x2400, s0;
	s0 =	sadd.s32 $0x2A400, s0;
	s18 =	smul.u32 $0x9D00, s9  }
0x8: {  	s23 =	ssub.s32 $0x20, s2;
	_ =	strace $0x8000004A;
	s5 =	ssub.s32 $0x2, s10  }
0x9: {  	s19 =	sshll.u32 s10, $0xD;
	s20 =	smul.u32 $0x140000, s10;
	p0 =	seq.s32 s10, $0x0  }
0xa: {  	s10 =	simm.s32 $0x20;
	s7 =	sshrl.u32 s5, $0x1;
	s8 =	sshrl.u32 s6, $0x2  }
0xb: {  	s14 =	sadd.s32 $0x4000, s11;
	s15 =	sadd.s32 $0x8000, s11;
	s16 =	sadd.s32 $0xC000, s11  }
0xc: {  	s17 =	sadd.s32 $0x10000, s11;
	s21 =	sadd.s32 s19, s18;
	s10 =	simm.s32 @!p0 $0x7D  }
0xd: {  	s13 =	ssub.s32 s5, s7;
	s5 =	sadd.s32 s8, s1;
	s6 =	sadd.s32 s14, s1  }
0xe: {  	s7 =	sadd.s32 s15, s1;
	s8 =	sadd.s32 s16, s1;
	s9 =	sadd.s32 s17, s1  }
0xf: {  	s18 =	sshrl.u32 s21, $0x3;
	s11 =	sadd.s32 s11, s20;
	s14 =	sadd.s32 s20, s14  }
0x10: {  	s15 =	sadd.s32 s20, s15;
	s16 =	sadd.s32 s20, s16;
	s17 =	sadd.s32 s20, s17  }
0x11: {  	s22 =	sadd.s32 $0x400, s21;
	s24 =	sadd.s32 $0x300, s21;
	s26 =	sadd.s32 $0x200, s21  }
0x12: {  	s18 =	sadd.s32 s2, s18;
	s11 =	sshrl.u32 s11, $0x3;
	s14 =	sshrl.u32 s14, $0x3  }
0x13: {  	s19 =	sshrl.u32 s17, $0x3;
	s20 =	smax.u32 s13, $0x1;
	s25 =	sshrl.u32 s24, $0x3  }
0x14: {  	s28 =	sshrl.u32 s26, $0x3;
	s24 =	simm.s32 $0x14400;
	[dreg:$0x4] =	wrdreg s18  }
0x15: {  	s26 =	simm.s32 $0x14000;
	s18 =	sadd.s32 $0x20, s18;
	[dreg:$0xb] =	wrdreg s20  }
0x16: {  	s11 =	sadd.s32 s0, s11;
	s13 =	ssub.s32 s23, s25;
	[dreg:$0x5] =	wrdreg s18  }
0x17: {  	[dreg:$0x6] =	wrdreg s11;
	s11 =	sadd.s32 s0, s14;
	s14 =	sshrl.u32 s16, $0x3  }
0x18: {  	[dreg:$0x7] =	wrdreg s11;
	s11 =	sshrl.u32 s15, $0x3;
	s18 =	sadd.s32 s0, s14  }
0x19: {  	s11 =	sadd.s32 s0, s11;
	[dreg:$0x9] =	wrdreg s18;
	s0 =	sadd.s32 s0, s19  }
0x1a: {  	s25 =	simm.s32 $0x1;
	[dreg:$0xa] =	wrdreg s0;
	s0 =	sshrl.u32 s22, $0x3  }
0x1b: {  	s14 =	sadd.s32 s28, s2;
	[dreg:$0x8] =	wrdreg s11;
	s0 =	ssub.s32 s23, s0  }
0x1c: {  	v0 =	vimm.f32 $0.0e+00;
	s22 =	sshll.u32 s10, $0xA;
	[dreg:$0xc] =	wrdreg s0;
	s0 =	simm.s32 $0x0  }
.LBB2_1:
0x1d: {  	s2 =	simm.s32 $0x0;
	s11 =	simm.s32 $0x200  }
.LBB2_2:
0x1e: {  	p0 =	sne.s32 s11, $0xFE00;
	[tilespmem:s2+$0x14470] =	vst v0  }
0x1f: {  	[tilespmem:s2+$0x14400] =	vst v0  }
0x20: {  	[tilespmem:s2+$0x14410] =	vst v0  }
.Ltmp0:
0x21: {  	[tilespmem:s2+$0x14420] =	vst v0;
	(pc) =	sbr.rel @p0 .LBB2_2-.Ltmp0, $4  }
0x22: {  	[tilespmem:s2+$0x14430] =	vst v0  }
0x23: {  	[tilespmem:s2+$0x14440] =	vst v0  }
0x24: {  	[tilespmem:s2+$0x14450] =	vst v0  }
0x25: {  	[tilespmem:s2+$0x14460] =	vst v0;
	s2 =	sshra.s32 s11, $0x2;
	s11 =	sadd.s32 $0x200, s11  }
0x26: {  	[tilespmem:s2+$0x14470] =	vst v0  }
0x27: {  	[tilespmem:s2+$0x14400] =	vst v0  }
0x28: {  	[tilespmem:s2+$0x14410] =	vst v0  }
0x29: {  	[tilespmem:s2+$0x14420] =	vst v0  }
0x2a: {  	[tilespmem:s2+$0x14430] =	vst v0  }
0x2b: {  	[tilespmem:s2+$0x14440] =	vst v0  }
0x2c: {  	[tilespmem:s2+$0x14450] =	vst v0  }
0x2d: {  	[tilespmem:s2+$0x14460] =	vst v0  }
0x2e: {  	[spmem:s5] =	stream.linear.scatter [tilespmem:s24], [sflag:$0x1], $0x4000, $0x38;
	[tilespmem:$0x1C400] =	vst v63  }
0x2f: {  	_ = 	snop  }
0x30: {  	[spmem:s6] =	stream.linear.scatter [tilespmem:s24], [sflag:$0x1], $0x4000, $0x38;
	[tilespmem:$0x1C400] =	vst v63  }
0x31: {  	_ = 	snop  }
0x32: {  	[spmem:s7] =	stream.linear.scatter [tilespmem:s24], [sflag:$0x1], $0x4000, $0x38;
	[tilespmem:$0x1C400] =	vst v63  }
0x33: {  	_ = 	snop  }
0x34: {  	[spmem:s8] =	stream.linear.scatter [tilespmem:s24], [sflag:$0x1], $0x4000, $0x38;
	[tilespmem:$0x1C400] =	vst v63  }
0x35: {  	_ = 	snop  }
0x36: {  	[spmem:s9] =	stream.linear.scatter [tilespmem:s24], [sflag:$0x1], $0x4000, $0x38;
	[tilespmem:$0x1C400] =	vst v63  }
0x37: {  	_ =	swait.ge [sflag:s25], $0x4000  }
0x38: {  	[sflag:s25] =	ssyncset.done $0x0  }
0x39: {  	[sflag:s25] =	ssyncadd.s32 $0xFFFFC000  }
0x3a: {  	_ =	swait.ge [sflag:s25], $0x4000  }
0x3b: {  	[sflag:s25] =	ssyncset.done $0x0  }
0x3c: {  	[sflag:s25] =	ssyncadd.s32 $0xFFFFC000  }
0x3d: {  	_ =	swait.ge [sflag:s25], $0x4000  }
0x3e: {  	[sflag:s25] =	ssyncset.done $0x0  }
0x3f: {  	[sflag:s25] =	ssyncadd.s32 $0xFFFFC000  }
0x40: {  	_ =	swait.ge [sflag:s25], $0x4000  }
0x41: {  	[sflag:s25] =	ssyncset.done $0x0  }
0x42: {  	[sflag:s25] =	ssyncadd.s32 $0xFFFFC000  }
0x43: {  	_ =	swait.ge [sflag:s25], $0x4000  }
0x44: {  	[sflag:s25] =	ssyncset.done $0x0  }
0x45: {  	[sflag:s25] =	ssyncadd.s32 $0xFFFFC000  }
0x46: {  	[bflag:$0x0] =	sbarrier.arrive $0xFFFF  }
0x47: {  	s23 =	rddreg [dreg:$0x4]  }
0x48: {  	[tilespmem:s26], [sflag:$0x1] =	stream.linear.gather [hbm4b:s23+s3], $0x100, $0x38;
	[tilespmem:$0x1C400] =	vst v63  }
0x49: {  	s11 =	simm.s32 $0x14100;
	p1 =	sne.s32 s22, $0xC00;
	s28 =	rddreg [dreg:$0x5]  }
0x4a: {  	[tilespmem:s11], [sflag:$0x1] =	stream.linear.gather [hbm4b:s28+s3], $0x100, $0x38;
	[tilespmem:$0x1C400] =	vst v63  }
.Ltmp1:
0x4b: {  	_ = 	snop;
	(pc) =	sbr.rel @!p1 .LBB2_4-.Ltmp1, $4  }
0x4c: {  	_ =	swait.ge [sflag:s25], $0x100  }
0x4d: {  	s15 =	simm.s32 $0x800;
	s17 =	simm.s32 $0x3;
	[sflag:s25] =	ssyncset.done $0x0  }
0x4e: {  	p0 =	por $0x0, $0x0;
	s11 =	simm.s32 $0xC00;
	[sflag:s25] =	ssyncadd.s32 $0xFFFFFF00  }
0x4f: {  	[tilespmem:s24], [sflag:$0x2] =	stream.indirect.gather [hbm4b:s4+s29], $0x80, s26, s29, $0xb8;
	[tilespmem:$0x1C400] =	vst v63  }
0x50: {  	s2 =	simm.s32 $0x200  }
0x51: {  	s15 =	simm.s32 $0x0;
	s17 =	simm.s32 $0x2;
	s2 =	sand.u32 $0x300, s2  }
0x52: {  	s20 =	simm.s32 $0x400;
	s19 =	sand.u32 $0x1, s17;
	s2 =	sor.u32 $0x14000, s2  }
0x53: {  	[tilespmem:s2], [sflag:$0x1] =	stream.linear.gather [hbm4b:s14+s3], $0x100, $0x38;
	[tilespmem:$0x1C400] =	vst v63  }
0x54: {  	s21 =	sand.u32 $0xC00, s20;
	s15 =	sand.u32 $0xC00, s15;
	_ =	swait.ge [sflag:s25], $0x100  }
0x55: {  	s17 =	sshrl.u32 s21, $0x2;
	s2 =	sshll.u32 s19, $0xE;
	[sflag:s25] =	ssyncset.done $0x0  }
0x56: {  	s17 =	sor.u32 $0x14000, s17;
	s23 =	ssub.s32 $0x18400, s2;
	[sflag:s25] =	ssyncadd.s32 $0xFFFFFF00  }
0x57: {  	[tilespmem:s23], [sflag:$0x2] =	stream.indirect.gather [hbm4b:s4+s29], $0x80, s17, s29, $0xb8;
	[tilespmem:$0x1C400] =	vst v63  }
0x58: {  	s15 =	sshrl.u32 s15, $0x2;
	_ =	swait.ge [sflag:s30], $0x4000  }
0x59: {  	p1 =	sne.s32 s22, $0x1000;
	s15 =	sor.u32 $0x14080, s15;
	[sflag:s30] =	ssyncset.done $0x0  }
.Ltmp2:
0x5a: {  	s2 =	sadd.s32 $0x14400, s2;
	[sflag:s30] =	ssyncadd.s32 $0xFFFFC000;
	(pc) =	sbr.rel @!p1 .LBB2_6-.Ltmp2, $4  }
0x5b: {  	[spmem:s1] =	stream.indirect.scatter.add.f32 [tilespmem:s2], [sflag:$0x3], $0x80, s15, s29, $0xb8;
	[tilespmem:$0x1C400] =	vst v63  }
0x5c: {  	p0 =	por $0x1, $0x1;
	s21 =	sadd.s32 $0xFFFFFFE0, s13;
	_ =	swait.ge [sflag:s31], $0x4000  }
0x5d: {  	s23 =	sadd.s32 $0x20, s14;
	s17 =	simm.s32 $0x4;
	s28 =	rddreg [dreg:$0xc]  }
0x5e: {  	s2 =	simm.s32 $0x1000;
	[sflag:s31] =	ssyncset.done $0x0;
	s20 =	sadd.s32 $0xFFFFFFE0, s28  }
.LBB2_7:
0x5f: {  	s12 =	sshrl.u32 s11, $0x2;
	[sflag:s31] =	ssyncadd.s32 $0xFFFFC000  }
0x60: {  	s15 =	smov.u32 s2;
	s2 =	sadd.s32 $0x400, s2;
	s16 =	sadd.s32 $0xFFFFF800, s11  }
0x61: {  	s18 =	sadd.s32 $0xFFFFFFFF, s17;
	p1 =	sne.s32 s22, s2;
	s12 =	sand.u32 $0x300, s12  }
0x62: {  	s11 =	sadd.s32 $0xFFFFFC00, s11;
	s21 =	sadd.s32 $0xFFFFFFE0, s21;
	s12 =	sor.u32 $0x14000, s12  }
0x63: {  	[tilespmem:s12], [sflag:$0x1] =	stream.linear.gather [hbm4b:s23+s3], $0x100, $0x38;
	[tilespmem:$0x1C400] =	vst v63  }
0x64: {  	s11 =	sand.u32 $0xC00, s11;
	s12 =	sand.u32 $0x1, s18;
	_ =	swait.ge [sflag:s25], $0x100  }
0x65: {  	s11 =	sshrl.u32 s11, $0x2;
	s12 =	sshll.u32 s12, $0xE;
	[sflag:s25] =	ssyncset.done $0x0  }
0x66: {  	s11 =	sor.u32 $0x14000, s11;
	s18 =	ssub.s32 $0x18400, s12;
	[sflag:s25] =	ssyncadd.s32 $0xFFFFFF00  }
0x67: {  	[tilespmem:s18], [sflag:$0x2] =	stream.indirect.gather [hbm4b:s4+s29], $0x80, s11, s29, $0xb8;
	[tilespmem:$0x1C400] =	vst v63  }
0x68: {  	s16 =	sand.u32 $0xC00, s16;
	s11 =	smov.u32 s15;
	_ =	swait.ge [sflag:s30], $0x4000  }
.Ltmp3:
0x69: {  	s15 =	sshrl.u32 s16, $0x2;
	[sflag:s30] =	ssyncset.done $0x0;
	(pc) =	sbr.rel @p1 .LBB2_7-.Ltmp3, $4  }
0x6a: {  	s12 =	sadd.s32 $0x14400, s12;
	s15 =	sor.u32 $0x14080, s15;
	[sflag:s30] =	ssyncadd.s32 $0xFFFFC000  }
0x6b: {  	[spmem:s1] =	stream.indirect.scatter.add.f32 [tilespmem:s12], [sflag:$0x3], $0x80, s15, s29, $0xb8;
	[tilespmem:$0x1C400] =	vst v63  }
0x6c: {  	s23 =	sadd.s32 $0x20, s23;
	s12 =	sadd.s32 $0x1, s17;
	_ =	swait.ge [sflag:s31], $0x4000  }
0x6d: {  	s20 =	sadd.s32 $0xFFFFFFE0, s20;
	s17 =	smov.u32 s12;
	[sflag:s31] =	ssyncset.done $0x0  }
0x6e: {  	s15 =	smov.u32 s11;
	s17 =	smov.u32 s12  }
.LBB2_9:
0x6f: {  	s11 =	sshrl.u32 s15, $0x2  }
0x70: {  	[sflag:s31] =	ssyncadd.s32 @p0 $0xFFFFC000;
	s16 =	sadd.s32 $0xFFFFF800, s15;
	s11 =	sand.u32 $0x300, s11  }
0x71: {  	s18 =	sadd.s32 $0xFFFFFFFF, s17;
	s28 =	sadd.s32 $0xFFFFFC00, s15;
	s19 =	sor.u32 $0x14000, s11  }
0x72: {  	[tilespmem:s19], [sflag:$0x1] =	stream.linear.gather [hbm4b:s23+s3], $0x100, $0x38;
	[tilespmem:$0x1C400] =	vst v63  }
0x73: {  	s18 =	sand.u32 $0x1, s18;
	s15 =	sand.u32 $0xC00, s28;
	_ =	swait.ge [sflag:s25], $0x100  }
0x74: {  	s18 =	sshll.u32 s18, $0xE;
	s15 =	sshrl.u32 s15, $0x2;
	[sflag:s25] =	ssyncset.done $0x0  }
0x75: {  	s23 =	ssub.s32 $0x18400, s18;
	s28 =	sor.u32 $0x14000, s15;
	[sflag:s25] =	ssyncadd.s32 $0xFFFFFF00  }
0x76: {  	[tilespmem:s23], [sflag:$0x2] =	stream.indirect.gather [hbm4b:s4+s29], $0x80, s28, s29, $0xb8;
	[tilespmem:$0x1C400] =	vst v63  }
0x77: {  	p0 =	sge.u32 s12, s10;
	s16 =	sand.u32 $0xC00, s16;
	_ =	swait.ge [sflag:s30], $0x4000  }
0x78: {  	s17 =	sadd.s32 $0x1, s17;
	s16 =	sshrl.u32 s16, $0x2;
	[sflag:s30] =	ssyncset.done $0x0  }
0x79: {  	s18 =	sadd.s32 $0x14400, s18;
	s16 =	sor.u32 $0x14080, s16;
	[sflag:s30] =	ssyncadd.s32 $0xFFFFC000  }
0x7a: {  	[spmem:s1] =	stream.indirect.scatter.add.f32 [tilespmem:s18], [sflag:$0x3], $0x80, s16, s29, $0xb8;
	[tilespmem:$0x1C400] =	vst v63  }
0x7b: {  	s16 =	sadd.s32 $0xFFFFFFE0, s21;
	s21 =	sand.u32 @!p0 $0xC00, s2;
	_ =	swait.ge [sflag:s31], $0x4000  }
0x7c: {  	s28 =	simm.s32 @!p0 $0x0;
	s21 =	sshrl.u32 @!p0 s21, $0x2;
	[sflag:s31] =	ssyncset.done $0x0  }
0x7d: {  	s16 =	ssub.s32 @!p0 $0x0, s16;
	s21 =	sor.u32 @!p0 $0x14000, s21;
	[sflag:s31] =	ssyncadd.s32 $0xFFFFC000  }
0x7e: {  	[tilespmem:s21], [sflag:$0x1] =	stream.linear.gather @!p0 [hbm4b:s16+s28], $0x100, $0x38;
	[tilespmem:$0x1C400] =	vst v63  }
0x7f: {  	s28 =	sadd.s32 $0xFFFFFFFF, s17  }
0x80: {  	s16 =	sand.u32 $0x1, s28;
	_ =	swait.ge [sflag:s25], $0x100  }
0x81: {  	[sflag:s25] =	ssyncset.done $0x0;
	s16 =	sshll.u32 s16, $0xE  }
0x82: {  	[sflag:s25] =	ssyncadd.s32 $0xFFFFFF00;
	s28 =	ssub.s32 $0x18400, s16  }
0x83: {  	[tilespmem:s28], [sflag:$0x2] =	stream.indirect.gather [hbm4b:s4+s29], $0x80, s19, s29, $0xb8;
	[tilespmem:$0x1C400] =	vst v63  }
0x84: {  	p1 =	sge.u32 s17, s10;
	_ =	swait.ge [sflag:s30], $0x4000  }
0x85: {  	s15 =	sadd.s32 $0x14080, s15;
	s2 =	sadd.s32 @!p1 $0x400, s2;
	[sflag:s30] =	ssyncset.done $0x0  }
0x86: {  	s2 =	sand.u32 @!p1 $0xC00, s2;
	s16 =	sadd.s32 $0x14400, s16;
	[sflag:s30] =	ssyncadd.s32 $0xFFFFC000  }
0x87: {  	[spmem:s1] =	stream.indirect.scatter.add.f32 [tilespmem:s16], [sflag:$0x3], $0x80, s15, s29, $0xb8;
	[tilespmem:$0x1C400] =	vst v63  }
0x88: {  	s2 =	sshrl.u32 @!p1 s2, $0x2;
	_ =	swait.ge [sflag:s31], $0x4000  }
0x89: {  	s2 =	sor.u32 @!p1 $0x14000, s2;
	s15 =	sadd.s32 $0xFFFFFFE0, s20;
	[sflag:s31] =	ssyncset.done $0x0  }
0x8a: {  	s16 =	simm.s32 @!p1 $0x0;
	s15 =	ssub.s32 @!p1 $0x0, s15;
	[sflag:s31] =	ssyncadd.s32 $0xFFFFC000  }
0x8b: {  	[tilespmem:s2], [sflag:$0x1] =	stream.linear.gather @!p1 [hbm4b:s15+s16], $0x100, $0x38;
	[tilespmem:$0x1C400] =	vst v63  }
0x8c: {  	s2 =	simm.s32 @!p0 $0x1  }
0x8d: {  	_ =	swait.ge @!p0 [sflag:s2], $0x100  }
0x8e: {  	[sflag:s2] =	ssyncset.done @!p0 $0x0  }
0x8f: {  	[sflag:s2] =	ssyncadd.s32 @!p0 $0xFFFFFF00;
	s2 =	simm.s32 @!p0 $0x80  }
0x90: {  	[tilespmem:s23], [sflag:$0x2] =	stream.indirect.gather @!p0 [hbm4b:s4+s2], $0x80, s21, s2, $0xb8;
	[tilespmem:$0x1C400] =	vst v63  }
0x91: {  	_ =	swait.ge [sflag:s30], $0x4000  }
0x92: {  	[sflag:s30] =	ssyncset.done $0x0  }
0x93: {  	s15 =	sadd.s32 $0x14080, s11;
	[sflag:s30] =	ssyncadd.s32 $0xFFFFC000  }
0x94: {  	[spmem:s1] =	stream.indirect.scatter.add.f32 [tilespmem:s18], [sflag:$0x3], $0x80, s15, s29, $0xb8;
	[tilespmem:$0x1C400] =	vst v63  }
0x95: {  	_ =	swait.ge [sflag:s31], $0x4000  }
0x96: {  	[sflag:s31] =	ssyncset.done $0x0  }
0x97: {  	s16 =	stileid.u32;
	[sflag:s31] =	ssyncadd.s32 $0xFFFFC000  }
0x98: {  	s2 =	sshll.u32 s16, $0x6;
	[bflag:$0x0] =	sbarrier.arrive $0xFFFF  }
0x99: {  	s17 =	sshrl.u32 s5, $0x3;
	s2 =	sor.u32 $0x1C01, s2;
	s18 =	rddreg [dreg:$0x6]  }
0x9a: {  	[hbm:s18], [sflag:s2] =	dma.local [spmem:s17], $0x800  }
0x9b: {  	s19 =	sshrl.u32 s6, $0x3;
	s15 =	rddreg [dreg:$0x7]  }
0x9c: {  	[hbm:s15], [sflag:s2] =	dma.local [spmem:s19], $0x800  }
0x9d: {  	s20 =	sshrl.u32 s7, $0x3;
	s15 =	rddreg [dreg:$0x8]  }
0x9e: {  	[hbm:s15], [sflag:s2] =	dma.local [spmem:s20], $0x800  }
0x9f: {  	s21 =	sshrl.u32 s8, $0x3;
	s15 =	rddreg [dreg:$0x9]  }
0xa0: {  	[hbm:s15], [sflag:s2] =	dma.local [spmem:s21], $0x800  }
0xa1: {  	s23 =	sshrl.u32 s9, $0x3;
	s15 =	rddreg [dreg:$0xa]  }
0xa2: {  	[hbm:s15], [sflag:s2] =	dma.local [spmem:s23], $0x800  }
0xa3: {  	_ =	swait.ge [sflag:s25], $0x800  }
0xa4: {  	[sflag:s25] =	ssyncset.done $0x0  }
0xa5: {  	[sflag:s25] =	ssyncadd.s32 $0xFFFFF800  }
0xa6: {  	_ =	swait.ge [sflag:s25], $0x800  }
0xa7: {  	[sflag:s25] =	ssyncset.done $0x0  }
0xa8: {  	[sflag:s25] =	ssyncadd.s32 $0xFFFFF800  }
0xa9: {  	_ =	swait.ge [sflag:s25], $0x800  }
0xaa: {  	[sflag:s25] =	ssyncset.done $0x0  }
0xab: {  	[sflag:s25] =	ssyncadd.s32 $0xFFFFF800  }
0xac: {  	_ =	swait.ge [sflag:s25], $0x800  }
0xad: {  	[sflag:s25] =	ssyncset.done $0x0  }
0xae: {  	[sflag:s25] =	ssyncadd.s32 $0xFFFFF800  }
0xaf: {  	_ =	swait.ge [sflag:s25], $0x800  }
0xb0: {  	s0 =	sadd.s32 $0x1, s0;
	s28 =	rddreg [dreg:$0xb]  }
0xb1: {  	p0 =	sne.s32 s0, s28  }
.Ltmp4:
0xb2: {  	_ = 	snop;
	(pc) =	sbr.rel @p0 .LBB2_1-.Ltmp4, $4  }
.Ltmp5:
0xb3: {  	_ = 	snop;
	(pc) =	sbr.rel @!p0 .LBB2_10-.Ltmp5, $4  }
0xb4: {  	_ = 	snop  }
0xb5: {  	[sflag:s25] =	ssyncset.done $0x0  }
0xb6: {  	[sflag:s25] =	ssyncadd.s32 $0xFFFFF800  }
0xb7: {  	_ = 	snop  }
.LBB2_4:
.Ltmp6:
0xb8: {  	(pc) =	sbr.rel .LBB2_9-.Ltmp6, $3  }
0xb9: {  	_ =	sdelay $0x1  }
0xba: {  	s2 =	simm.s32 $0xC00  }
0xbb: {  	s23 =	smov.u32 s14;
	s21 =	smov.u32 s13;
	s20 =	rddreg [dreg:$0xc]  }
.LBB2_6:
.Ltmp7:
0xbc: {  	(pc) =	sbr.rel .LBB2_9-.Ltmp7, $2  }
0xbd: {  	_ =	sdelay $0x2  }
0xbe: {  	s15 =	simm.s32 $0xC00  }
.LBB2_10:
0xbf: {  	_ =	sfence.sel $0x180000  }
0xc0: {  	[bflag:$0x0] =	sbarrier.arrive $0xFFFF  }
0xc1: {  	_ =	strace $0x9000004A  }
0xc2: {  	s0 =	stileid.u32;
	[bflag:$0x2] =	sbarrier.arrive $0xFFFF  }
0xc3: {  	p0 =	sne.s32 s0, $0x0;
	s0 =	rddreg [dreg:$0x3]  }
0xc4: {  	s0 =	sadd.s32 @!p0 $0x100000, s0  }
0xc5: {  	[sflag:s0] =	ssyncadd.tile.s32 @!p0 $0x1;
	_ =	shalt  }
.Lfunc_end2:
_tile_overlayer_lowered:
.L_overlay_start_2:
0xc6: {  	(tag) =	ssettag $0x2  }
0xc7: {  	s0 =	rddreg [dreg:$0x0];
	s2 =	stileid.u32  }
0xc8: {  	s1 =	rddreg [dreg:$0x1];
	p0 =	sne.s32 s2, $0x0  }
0xc9: {  	s3 =	rddreg [dreg:$0x2];
	[bflag:$0x3] =	sbarrier.arrive $0xFFFF;
	s2 =	simm.s32 @!p0 $0x1C03  }
0xca: {  	[timem:s3], [sflag:s2] =	dma.local @!p0 [hbm:s0], s1  }
0xcb: {  	s0 =	simm.s32 @!p0 $0x3  }
0xcc: {  	_ =	swait.ge @!p0 [sflag:s0], s1  }
0xcd: {  	s1 =	ssub.s32 @!p0 $0x0, s1;
	[sflag:s0] =	ssyncset.done @!p0 $0x0  }
0xce: {  	[sflag:s0] =	ssyncadd.s32 @!p0 s1  }
0xcf: {  	[bflag:$0x3] =	sbarrier.arrive $0xFFFF  }
0xd0: {  	_ =	shalt  }

// kernel: kernel.15.cloned.1.call-start
scs
__scs_entry_jumppad:
0x0: {  	(pc) =	sbr.rel $0x88, $3  }
0x1: {  	(tag) =	ssettag $0x0;
	lr =	simm.s32 $0x1  }
0x2: {  	[smem:$0x3F99] =	sst lr;
	_ =	strace $0xD0000000  }
0x3: {  	_ = 	snop  }
0x4: {  	_ = 	snop  }
0x5: {  	_ = 	snop  }
0x6: {  	_ = 	snop  }
0x7: {  	_ = 	snop  }
__scs_overlays_trampoline_lowered:
0x8: {  	[smem:$0x3FA8] =	sst s0  }
0x9: {  	[smem:$0x3FA9] =	sst s1  }
0xa: {  	[smem:$0x3FAA] =	sst s2  }
0xb: {  	[smem:$0x3FAB] =	sst s3  }
0xc: {  	[smem:$0x3FAC] =	sst s4  }
0xd: {  	[smem:$0x3FAD] =	sst s5  }
0xe: {  	[smem:$0x3FAE] =	sst s6  }
0xf: {  	[smem:$0x3FAF] =	sst s7  }
0x10: {  	[smem:$0x3FB0] =	sst s8  }
0x11: {  	[smem:$0x3FB1] =	sst s9;
	s0 =	simm.s32 @!p0 $0x0  }
0x12: {  	s1 =	sld [smem:$0x3F97];
	s0 =	simm.s32 @p0 $0x1  }
0x13: {  	[smem:$0x3FB2] =	sst s0;
	s0 =	simm.s32 @!p1 $0x0  }
0x14: {  	s2 =	sld [smem:$0x3F96];
	s0 =	simm.s32 @p1 $0x1  }
0x15: {  	[smem:$0x3FB3] =	sst s0;
	s0 =	simm.s32 @!p2 $0x0  }
0x16: {  	s3 =	sld [smem:$0x3FDB];
	s0 =	simm.s32 @p2 $0x1  }
0x17: {  	s4 =	simm.s32 $0x1BF5;
	[smem:$0x3FB5] =	sst s0  }
0x18: {  	s0 =	sld [smem:$0x3F98];
	_ =	swait.ge [sflag:s4], $0x0  }
0x19: {  	s7 =	sld [smem:$0x3F99]  }
0x1a: {  	s8 =	sadd.s32 $0xFFFFE003, lr  }
0x1b: {  	s9 =	sadd.s32 $0xFFFFFEF7, lr;
	s5 =	simm.s32 $0xFFFFFFFF;
	p2 =	slt.u32 s8, $0xFFFFF086  }
0x1c: {  	p1 =	slt.u32 s9, $0xF7A;
	s5 =	simm.s32 @!p2 $0x0  }
0x1d: {  	s5 =	simm.s32 @p1 $0x1;
	p0 =	seq.s32 s7, s2  }
0x1e: {  	s7 =	smul.u32 @!p0 $0xF7A, s2;
	p2 =	seq.s32 @!p0 s5, $0x0  }
0x1f: {  	s9 =	smul.u32 $0xF7A, s1;
	s8 =	simm.s32 @!p0 $0x1BF5;
	p2 =	por !p2, p0  }
0x20: {  	[sflag:s8] =	ssyncset.s32 @!p0 $0xFFFFF086;
	s6 =	sadd.s32 @!p0 s3, s7;
	s7 =	simm.s32 @!p0 $0x108  }
0x21: {  	s3 =	sadd.s32 s3, s9;
	s6 =	sadd.s32 @!p0 $0x88, s6;
	s7 =	simm.s32 @p2 $0x1082  }
0x22: {  	[simem:s7], [sflag:s8] =	dma.local @!p0 [hbm:s6], $0xF7A  }
0x23: {  	s9 =	sor.u32 $0xD0000000, s2;
	s6 =	simm.s32 $0x108;
	_ =	swait.ge @!p0 [sflag:s8], $0x0  }
0x24: {  	s3 =	sadd.s32 $0x88, s3;
	s6 =	simm.s32 @!p1 $0x1082;
	[sflag:s4] =	ssyncset.s32 $0xFFFFF086  }
0x25: {  	[simem:s6], [sflag:s4] =	dma.local [hbm:s3], $0xF7A  }
0x26: {  	[smem:$0x3F99] =	sst s1;
	(tag) =	ssettag s2;
	_ =	strace s9  }
0x27: {  	s1 =	sld [smem:$0x3FA9]  }
0x28: {  	s2 =	sld [smem:$0x3FAA]  }
0x29: {  	s4 =	sld [smem:$0x3FAC]  }
0x2a: {  	p0 =	seq.s32 s5, $0x0;
	s5 =	sld [smem:$0x3FAD]  }
0x2b: {  	s6 =	sld [smem:$0x3FAE]  }
0x2c: {  	s7 =	sld [smem:$0x3FAF]  }
0x2d: {  	s3 =	simm.s32 $0x108;
	s8 =	sld [smem:$0x3FB0]  }
0x2e: {  	s3 =	simm.s32 @!p0 $0x1082;
	s9 =	sld [smem:$0x3FB1]  }
0x2f: {  	lr =	sadd.s32 s0, s3;
	s0 =	sld [smem:$0x3FA8]  }
0x30: {  	s3 =	sld [smem:$0x3FAB]  }
0x31: {  	[smem:$0x3FB4] =	sst s10  }
0x32: {  	s10 =	sld [smem:$0x3FB2];
	_ =	sdelay $0x3  }
0x33: {  	p0 =	seq.s32 s10, $0x1;
	s10 =	sld [smem:$0x3FB4];
	_ =	sdelay $0x3  }
0x34: {  	[smem:$0x3FB4] =	sst s10  }
0x35: {  	s10 =	sld [smem:$0x3FB3];
	_ =	sdelay $0x3  }
0x36: {  	p1 =	seq.s32 s10, $0x1;
	s10 =	sld [smem:$0x3FB4];
	_ =	sdelay $0x3  }
0x37: {  	[smem:$0x3FB4] =	sst s10  }
0x38: {  	s10 =	sld [smem:$0x3FB5]  }
0x39: {  	_ = 	snop;
	(pc) =	sbr.ind lr, $3  }
0x3a: {  	_ = 	snop  }
0x3b: {  	_ = 	snop  }
0x3c: {  	p2 =	seq.s32 s10, $0x1;
	s10 =	sld [smem:$0x3FB4]  }
0x3d: {  	_ =	shalt  }
0x3e: {  	_ =	shalt  }
0x3f: {  	_ =	shalt  }
0x40: {  	_ =	shalt  }
0x41: {  	_ =	shalt  }
0x42: {  	_ =	shalt  }
0x43: {  	_ =	shalt  }
0x44: {  	_ =	shalt  }
0x45: {  	_ =	shalt  }
0x46: {  	_ =	shalt  }
0x47: {  	_ =	shalt  }
0x48: {  	_ =	shalt  }
0x49: {  	_ =	shalt  }
0x4a: {  	_ =	shalt  }
0x4b: {  	_ =	shalt  }
0x4c: {  	_ =	shalt  }
0x4d: {  	_ =	shalt  }
0x4e: {  	_ =	shalt  }
0x4f: {  	_ =	shalt  }
0x50: {  	_ =	shalt  }
0x51: {  	_ =	shalt  }
0x52: {  	_ =	shalt  }
0x53: {  	_ =	shalt  }
0x54: {  	_ =	shalt  }
0x55: {  	_ =	shalt  }
0x56: {  	_ =	shalt  }
0x57: {  	_ =	shalt  }
0x58: {  	_ =	shalt  }
0x59: {  	_ =	shalt  }
0x5a: {  	_ =	shalt  }
0x5b: {  	_ =	shalt  }
0x5c: {  	_ =	shalt  }
0x5d: {  	_ =	shalt  }
0x5e: {  	_ =	shalt  }
0x5f: {  	_ =	shalt  }
0x60: {  	_ =	shalt  }
0x61: {  	_ =	shalt  }
0x62: {  	_ =	shalt  }
0x63: {  	_ =	shalt  }
0x64: {  	_ =	shalt  }
0x65: {  	_ =	shalt  }
0x66: {  	_ =	shalt  }
0x67: {  	_ =	shalt  }
0x68: {  	_ =	shalt  }
0x69: {  	_ =	shalt  }
0x6a: {  	_ =	shalt  }
0x6b: {  	_ =	shalt  }
0x6c: {  	_ =	shalt  }
0x6d: {  	_ =	shalt  }
0x6e: {  	_ =	shalt  }
0x6f: {  	_ =	shalt  }
0x70: {  	_ =	shalt  }
0x71: {  	_ =	shalt  }
0x72: {  	_ =	shalt  }
0x73: {  	_ =	shalt  }
0x74: {  	_ =	shalt  }
0x75: {  	_ =	shalt  }
0x76: {  	_ =	shalt  }
0x77: {  	_ =	shalt  }
0x78: {  	_ =	shalt  }
0x79: {  	_ =	shalt  }
0x7a: {  	_ =	shalt  }
0x7b: {  	_ =	shalt  }
0x7c: {  	_ =	shalt  }
0x7d: {  	_ =	shalt  }
0x7e: {  	_ =	shalt  }
0x7f: {  	_ =	shalt  }
0x80: {  	_ =	shalt  }
0x81: {  	_ =	shalt  }
0x82: {  	_ =	shalt  }
0x83: {  	_ =	shalt  }
0x84: {  	_ =	shalt  }
0x85: {  	_ =	shalt  }
0x86: {  	_ =	shalt  }
0x87: {  	_ =	shalt  }
.Lfunc_end0:
.L_simem_size_0:
called_computation.2_lowered:
.L_overlay_start_0:
0x88: {  	s2 =	sld [smem:$0x3FD9]  }
0x89: {  	s3 =	sld [smem:$0x3FFE];
	_ =	sdelay $0x1  }
0x8a: {  	s1 =	srdreg.scid  }
0x8b: {  	s0 =	sand.u32 $0x1, s1  }
0x8c: {  	s17 =	sshll.u32 s0, $0xA;
	s2 =	sadd.s32 s3, s2  }
0x8d: {  	s2 =	sadd.s32 s2, s17  }
0x8e: {  	[smem:$0x3FC0] =	sst s2  }
0x8f: {  	_ = 	snop  }
0x90: {  	s2 =	sld [smem:$0x3FD0];
	(tm) =	ssettm $0x1  }
0x91: {  	s18 =	sld [smem:$0x3FFB];
	_ =	sdelay $0x3  }
0x92: {  	_ =	strace s18  }
0x93: {  	s3 =	sld [smem:$0x3FFC];
	_ =	sdelay $0x3  }
0x94: {  	_ =	strace s3  }
0x95: {  	s3 =	sld [smem:$0x3FFD];
	_ =	sdelay $0x3  }
0x96: {  	_ =	strace s3  }
0x97: {  	_ =	strace $0x8FFFFFFF  }
0x98: {  	s19 =	sld [smem:$0x3FDB];
	_ =	sdelay $0x1  }
0x99: {  	s4 =	simm.s32 $_scs_section_size  }
0x9a: {  	s5 =	simm.s32 $_size__tile_overlayer_lowered;
	s6 =	simm.s32 $_tile_overlayer_lowered  }
0x9b: {  	s22 =	simm.s32 $0x1BFF;
	s21 =	sshll.u32 s6, $0x1;
	s3 =	sadd.s32 s4, s19  }
0x9c: {  	s7 =	simm.s32 $0x0;
	s20 =	sshll.u32 s5, $0x1;
	s5 =	sadd.s32 s21, s3  }
0x9d: {  	[timem:s7], [sflag:s22] =	dma.local [hbm:s5], s20  }
0x9e: {  	_ =	swait.ge [sflag:s22], s20  }
0x9f: {  	s4 =	ssub.s32 $0x0, s20;
	[sflag:s22] =	ssyncset.done $0x0  }
0xa0: {  	[sflag:s22] =	ssyncadd.s32 s4;
	_ =	sdelay $0x1  }
0xa1: {  	s23 =	simm.s32 $0x1B8B  }
0xa2: {  	_ =	swait.ge [sflag:s23], $0x1  }
0xa3: {  	[sflag:s23] =	ssyncset.done $0x0  }
0xa4: {  	s25 =	simm.s32 $0x1B8E;
	s24 =	sld [smem:$0x3FFE];
	[sflag:s23] =	ssyncadd.s32 $0xFFFFFFFF  }
0xa5: {  	s26 =	simm.s32 $execute0_lowered;
	[smem:$0x3FD2] =	sst s25  }
0xa6: {  	s5 =	sshll.u32 s26, $0x1;
	_ =	strace $0x8000004C;
	[dreg:$0x1] =	wrdreg $0xFFFFFFFF  }
0xa7: {  	s28 =	simm.s32 $_size_execute0_lowered;
	s3 =	sadd.s32 s3, s5;
	[dreg:$0x0] =	wrdreg $0x0  }
0xa8: {  	s5 =	sshll.u32 s28, $0x1;
	[dreg:$0x2] =	wrdreg s3  }
0xa9: {  	[dreg:$0x3] =	wrdreg s5  }
0xaa: {  	[dreg:$0x4] =	wrdreg $0xC0  }
0xab: {  	_ =	task [dreg:s7], $0x5FFFF  }
0xac: {  	[dreg:$0x1] =	wrdreg $0xFFFFFFFF  }
0xad: {  	[dreg:$0x0] =	wrdreg $0x60  }
0xae: {  	[dreg:$0x2] =	wrdreg s24  }
0xaf: {  	[dreg:$0x3] =	wrdreg s2  }
0xb0: {  	[dreg:$0x4] =	wrdreg $0x0  }
0xb1: {  	[dreg:$0x5] =	wrdreg $0x9  }
0xb2: {  	_ =	task.clear_ibuf [dreg:s7], $0x6FFFF;
	_ =	strace $0x9000004C  }
0xb3: {  	s29 =	simm.s32 $0x9;
	_ =	strace $0x8000004E  }
0xb4: {  	_ =	swait.ge [sflag:s29], $0x1  }
0xb5: {  	[sflag:s29] =	ssyncadd.s32 $0xFFFFFFFF  }
0xb6: {  	_ =	strace $0x9000004E  }
0xb7: {  	_ =	sfence  }
0xb8: {  	s30 =	sld [smem:$0x0];
	_ =	sdelay $0x2  }
0xb9: {  	s31 =	sshll.u32 s1, $0xD;
	s1 =	sshrl.u32 s1, $0x2  }
0xba: {  	s3 =	sand.u32 $0x4000, s31;
	s1 =	sadd.s32 s1, s30  }
0xbb: {  	s0 =	sor.u32 s3, s0;
	s1 =	sshll.u32 s1, $0x11  }
0xbc: {  	s0 =	sor.u32 s1, s0  }
0xbd: {  	s0 =	sadd.s32 $0x8F2B, s0  }
0xbe: {  	[sflag:s0] =	ssyncadd.remote.s32 $0x1  }
0xbf: {  	_ =	sfence.sel $0xFFFF  }
0xc0: {  	[dreg:$0x0] =	wrdreg $0xFFFFFFFF;
	(pc) =	sbr.abs _section_cstart, $3  }
0xc1: {  	[dreg:$0x1] =	wrdreg $0xFFFFFFFF  }
0xc2: {  	_ =	task.clear_ibuf [dreg:s7], $0x2FFFF;
	_ =	strace $0x9FFFFFFF  }
0xc3: {  	(tm) =	ssettm $0x7FFFFFFF  }
tec
execute0_lowered:
.L_overlay_start_1:
0x0: {  	(tag) =	ssettag $0x1  }
0x1: {  	s0 =	rddreg [dreg:$0x0]  }
0x2: {  	s2 =	rddreg [dreg:$0x1]  }
0x3: {  	s1 =	rddreg [dreg:$0x2];
	s3 =	simm.s32 $0x0  }
0x4: {  	s4 =	srdreg.scid;
	s9 =	stileid.u32;
	s29 =	simm.s32 $0x80  }
0x5: {  	s30 =	simm.s32 $0x2;
	s31 =	simm.s32 $0x3;
	s6 =	smul.u32 $0x50000, s9  }
0x6: {  	[smem:$0x7FF] =	sst s3;
	s10 =	sand.u32 $0x1, s4;
	s11 =	smul.u32 $0x14000, s9  }
0x7: {  	s4 =	sadd.s32 $0x2400, s0;
	s0 =	sadd.s32 $0x2A400, s0;
	s18 =	smul.u32 $0x9D00, s9  }
0x8: {  	s23 =	ssub.s32 $0x20, s2;
	_ =	strace $0x8000004D;
	s5 =	ssub.s32 $0x2, s10  }
0x9: {  	s19 =	sshll.u32 s10, $0xD;
	s20 =	smul.u32 $0x140000, s10;
	p0 =	seq.s32 s10, $0x0  }
0xa: {  	s10 =	simm.s32 $0x20;
	s7 =	sshrl.u32 s5, $0x1;
	s8 =	sshrl.u32 s6, $0x2  }
0xb: {  	s14 =	sadd.s32 $0x4000, s11;
	s15 =	sadd.s32 $0x8000, s11;
	s16 =	sadd.s32 $0xC000, s11  }
0xc: {  	s17 =	sadd.s32 $0x10000, s11;
	s21 =	sadd.s32 s19, s18;
	s10 =	simm.s32 @!p0 $0x7D  }
0xd: {  	s13 =	ssub.s32 s5, s7;
	s5 =	sadd.s32 s8, s1;
	s6 =	sadd.s32 s14, s1  }
0xe: {  	s7 =	sadd.s32 s15, s1;
	s8 =	sadd.s32 s16, s1;
	s9 =	sadd.s32 s17, s1  }
0xf: {  	s18 =	sshrl.u32 s21, $0x3;
	s11 =	sadd.s32 s11, s20;
	s14 =	sadd.s32 s20, s14  }
0x10: {  	s15 =	sadd.s32 s20, s15;
	s16 =	sadd.s32 s20, s16;
	s17 =	sadd.s32 s20, s17  }
0x11: {  	s22 =	sadd.s32 $0x400, s21;
	s24 =	sadd.s32 $0x300, s21;
	s26 =	sadd.s32 $0x200, s21  }
0x12: {  	s18 =	sadd.s32 s2, s18;
	s11 =	sshrl.u32 s11, $0x3;
	s14 =	sshrl.u32 s14, $0x3  }
0x13: {  	s19 =	sshrl.u32 s17, $0x3;
	s20 =	smax.u32 s13, $0x1;
	s25 =	sshrl.u32 s24, $0x3  }
0x14: {  	s28 =	sshrl.u32 s26, $0x3;
	s24 =	simm.s32 $0x14400;
	[dreg:$0x4] =	wrdreg s18  }
0x15: {  	s26 =	simm.s32 $0x14000;
	s18 =	sadd.s32 $0x20, s18;
	[dreg:$0xb] =	wrdreg s20  }
0x16: {  	s11 =	sadd.s32 s0, s11;
	s13 =	ssub.s32 s23, s25;
	[dreg:$0x5] =	wrdreg s18  }
0x17: {  	[dreg:$0x6] =	wrdreg s11;
	s11 =	sadd.s32 s0, s14;
	s14 =	sshrl.u32 s16, $0x3  }
0x18: {  	[dreg:$0x7] =	wrdreg s11;
	s11 =	sshrl.u32 s15, $0x3;
	s18 =	sadd.s32 s0, s14  }
0x19: {  	s11 =	sadd.s32 s0, s11;
	[dreg:$0x9] =	wrdreg s18;
	s0 =	sadd.s32 s0, s19  }
0x1a: {  	s25 =	simm.s32 $0x1;
	[dreg:$0xa] =	wrdreg s0;
	s0 =	sshrl.u32 s22, $0x3  }
0x1b: {  	s14 =	sadd.s32 s28, s2;
	[dreg:$0x8] =	wrdreg s11;
	s0 =	ssub.s32 s23, s0  }
0x1c: {  	v0 =	vimm.f32 $0.0e+00;
	s22 =	sshll.u32 s10, $0xA;
	[dreg:$0xc] =	wrdreg s0;
	s0 =	simm.s32 $0x0  }
.LBB2_1:
0x1d: {  	s2 =	simm.s32 $0x0;
	s11 =	simm.s32 $0x200  }
.LBB2_2:
0x1e: {  	p0 =	sne.s32 s11, $0xFE00;
	[tilespmem:s2+$0x14470] =	vst v0  }
0x1f: {  	[tilespmem:s2+$0x14400] =	vst v0  }
0x20: {  	[tilespmem:s2+$0x14410] =	vst v0  }
.Ltmp0:
0x21: {  	[tilespmem:s2+$0x14420] =	vst v0;
	(pc) =	sbr.rel @p0 .LBB2_2-.Ltmp0, $4  }
0x22: {  	[tilespmem:s2+$0x14430] =	vst v0  }
0x23: {  	[tilespmem:s2+$0x14440] =	vst v0  }
0x24: {  	[tilespmem:s2+$0x14450] =	vst v0  }
0x25: {  	[tilespmem:s2+$0x14460] =	vst v0;
	s2 =	sshra.s32 s11, $0x2;
	s11 =	sadd.s32 $0x200, s11  }
0x26: {  	[tilespmem:s2+$0x14470] =	vst v0  }
0x27: {  	[tilespmem:s2+$0x14400] =	vst v0  }
0x28: {  	[tilespmem:s2+$0x14410] =	vst v0  }
0x29: {  	[tilespmem:s2+$0x14420] =	vst v0  }
0x2a: {  	[tilespmem:s2+$0x14430] =	vst v0  }
0x2b: {  	[tilespmem:s2+$0x14440] =	vst v0  }
0x2c: {  	[tilespmem:s2+$0x14450] =	vst v0  }
0x2d: {  	[tilespmem:s2+$0x14460] =	vst v0  }
0x2e: {  	[spmem:s5] =	stream.linear.scatter [tilespmem:s24], [sflag:$0x1], $0x4000, $0x38;
	[tilespmem:$0x1C400] =	vst v63  }
0x2f: {  	_ = 	snop  }
0x30: {  	[spmem:s6] =	stream.linear.scatter [tilespmem:s24], [sflag:$0x1], $0x4000, $0x38;
	[tilespmem:$0x1C400] =	vst v63  }
0x31: {  	_ = 	snop  }
0x32: {  	[spmem:s7] =	stream.linear.scatter [tilespmem:s24], [sflag:$0x1], $0x4000, $0x38;
	[tilespmem:$0x1C400] =	vst v63  }
0x33: {  	_ = 	snop  }
0x34: {  	[spmem:s8] =	stream.linear.scatter [tilespmem:s24], [sflag:$0x1], $0x4000, $0x38;
	[tilespmem:$0x1C400] =	vst v63  }
0x35: {  	_ = 	snop  }
0x36: {  	[spmem:s9] =	stream.linear.scatter [tilespmem:s24], [sflag:$0x1], $0x4000, $0x38;
	[tilespmem:$0x1C400] =	vst v63  }
0x37: {  	_ =	swait.ge [sflag:s25], $0x4000  }
0x38: {  	[sflag:s25] =	ssyncset.done $0x0  }
0x39: {  	[sflag:s25] =	ssyncadd.s32 $0xFFFFC000  }
0x3a: {  	_ =	swait.ge [sflag:s25], $0x4000  }
0x3b: {  	[sflag:s25] =	ssyncset.done $0x0  }
0x3c: {  	[sflag:s25] =	ssyncadd.s32 $0xFFFFC000  }
0x3d: {  	_ =	swait.ge [sflag:s25], $0x4000  }
0x3e: {  	[sflag:s25] =	ssyncset.done $0x0  }
0x3f: {  	[sflag:s25] =	ssyncadd.s32 $0xFFFFC000  }
0x40: {  	_ =	swait.ge [sflag:s25], $0x4000  }
0x41: {  	[sflag:s25] =	ssyncset.done $0x0  }
0x42: {  	[sflag:s25] =	ssyncadd.s32 $0xFFFFC000  }
0x43: {  	_ =	swait.ge [sflag:s25], $0x4000  }
0x44: {  	[sflag:s25] =	ssyncset.done $0x0  }
0x45: {  	[sflag:s25] =	ssyncadd.s32 $0xFFFFC000  }
0x46: {  	[bflag:$0x0] =	sbarrier.arrive $0xFFFF  }
0x47: {  	s23 =	rddreg [dreg:$0x4]  }
0x48: {  	[tilespmem:s26], [sflag:$0x1] =	stream.linear.gather [hbm4b:s23+s3], $0x100, $0x38;
	[tilespmem:$0x1C400] =	vst v63  }
0x49: {  	s11 =	simm.s32 $0x14100;
	p1 =	sne.s32 s22, $0xC00;
	s28 =	rddreg [dreg:$0x5]  }
0x4a: {  	[tilespmem:s11], [sflag:$0x1] =	stream.linear.gather [hbm4b:s28+s3], $0x100, $0x38;
	[tilespmem:$0x1C400] =	vst v63  }
.Ltmp1:
0x4b: {  	_ = 	snop;
	(pc) =	sbr.rel @!p1 .LBB2_4-.Ltmp1, $4  }
0x4c: {  	_ =	swait.ge [sflag:s25], $0x100  }
0x4d: {  	s15 =	simm.s32 $0x800;
	s17 =	simm.s32 $0x3;
	[sflag:s25] =	ssyncset.done $0x0  }
0x4e: {  	p0 =	por $0x0, $0x0;
	s11 =	simm.s32 $0xC00;
	[sflag:s25] =	ssyncadd.s32 $0xFFFFFF00  }
0x4f: {  	[tilespmem:s24], [sflag:$0x2] =	stream.indirect.gather [hbm4b:s4+s29], $0x80, s26, s29, $0xb8;
	[tilespmem:$0x1C400] =	vst v63  }
0x50: {  	s2 =	simm.s32 $0x200  }
0x51: {  	s15 =	simm.s32 $0x0;
	s17 =	simm.s32 $0x2;
	s2 =	sand.u32 $0x300, s2  }
0x52: {  	s20 =	simm.s32 $0x400;
	s19 =	sand.u32 $0x1, s17;
	s2 =	sor.u32 $0x14000, s2  }
0x53: {  	[tilespmem:s2], [sflag:$0x1] =	stream.linear.gather [hbm4b:s14+s3], $0x100, $0x38;
	[tilespmem:$0x1C400] =	vst v63  }
0x54: {  	s21 =	sand.u32 $0xC00, s20;
	s15 =	sand.u32 $0xC00, s15;
	_ =	swait.ge [sflag:s25], $0x100  }
0x55: {  	s17 =	sshrl.u32 s21, $0x2;
	s2 =	sshll.u32 s19, $0xE;
	[sflag:s25] =	ssyncset.done $0x0  }
0x56: {  	s17 =	sor.u32 $0x14000, s17;
	s23 =	ssub.s32 $0x18400, s2;
	[sflag:s25] =	ssyncadd.s32 $0xFFFFFF00  }
0x57: {  	[tilespmem:s23], [sflag:$0x2] =	stream.indirect.gather [hbm4b:s4+s29], $0x80, s17, s29, $0xb8;
	[tilespmem:$0x1C400] =	vst v63  }
0x58: {  	s15 =	sshrl.u32 s15, $0x2;
	_ =	swait.ge [sflag:s30], $0x4000  }
0x59: {  	p1 =	sne.s32 s22, $0x1000;
	s15 =	sor.u32 $0x14080, s15;
	[sflag:s30] =	ssyncset.done $0x0  }
.Ltmp2:
0x5a: {  	s2 =	sadd.s32 $0x14400, s2;
	[sflag:s30] =	ssyncadd.s32 $0xFFFFC000;
	(pc) =	sbr.rel @!p1 .LBB2_6-.Ltmp2, $4  }
0x5b: {  	[spmem:s1] =	stream.indirect.scatter.add.f32 [tilespmem:s2], [sflag:$0x3], $0x80, s15, s29, $0xb8;
	[tilespmem:$0x1C400] =	vst v63  }
0x5c: {  	p0 =	por $0x1, $0x1;
	s21 =	sadd.s32 $0xFFFFFFE0, s13;
	_ =	swait.ge [sflag:s31], $0x4000  }
0x5d: {  	s23 =	sadd.s32 $0x20, s14;
	s17 =	simm.s32 $0x4;
	s28 =	rddreg [dreg:$0xc]  }
0x5e: {  	s2 =	simm.s32 $0x1000;
	[sflag:s31] =	ssyncset.done $0x0;
	s20 =	sadd.s32 $0xFFFFFFE0, s28  }
.LBB2_7:
0x5f: {  	s12 =	sshrl.u32 s11, $0x2;
	[sflag:s31] =	ssyncadd.s32 $0xFFFFC000  }
0x60: {  	s15 =	smov.u32 s2;
	s2 =	sadd.s32 $0x400, s2;
	s16 =	sadd.s32 $0xFFFFF800, s11  }
0x61: {  	s18 =	sadd.s32 $0xFFFFFFFF, s17;
	p1 =	sne.s32 s22, s2;
	s12 =	sand.u32 $0x300, s12  }
0x62: {  	s11 =	sadd.s32 $0xFFFFFC00, s11;
	s21 =	sadd.s32 $0xFFFFFFE0, s21;
	s12 =	sor.u32 $0x14000, s12  }
0x63: {  	[tilespmem:s12], [sflag:$0x1] =	stream.linear.gather [hbm4b:s23+s3], $0x100, $0x38;
	[tilespmem:$0x1C400] =	vst v63  }
0x64: {  	s11 =	sand.u32 $0xC00, s11;
	s12 =	sand.u32 $0x1, s18;
	_ =	swait.ge [sflag:s25], $0x100  }
0x65: {  	s11 =	sshrl.u32 s11, $0x2;
	s12 =	sshll.u32 s12, $0xE;
	[sflag:s25] =	ssyncset.done $0x0  }
0x66: {  	s11 =	sor.u32 $0x14000, s11;
	s18 =	ssub.s32 $0x18400, s12;
	[sflag:s25] =	ssyncadd.s32 $0xFFFFFF00  }
0x67: {  	[tilespmem:s18], [sflag:$0x2] =	stream.indirect.gather [hbm4b:s4+s29], $0x80, s11, s29, $0xb8;
	[tilespmem:$0x1C400] =	vst v63  }
0x68: {  	s16 =	sand.u32 $0xC00, s16;
	s11 =	smov.u32 s15;
	_ =	swait.ge [sflag:s30], $0x4000  }
.Ltmp3:
0x69: {  	s15 =	sshrl.u32 s16, $0x2;
	[sflag:s30] =	ssyncset.done $0x0;
	(pc) =	sbr.rel @p1 .LBB2_7-.Ltmp3, $4  }
0x6a: {  	s12 =	sadd.s32 $0x14400, s12;
	s15 =	sor.u32 $0x14080, s15;
	[sflag:s30] =	ssyncadd.s32 $0xFFFFC000  }
0x6b: {  	[spmem:s1] =	stream.indirect.scatter.add.f32 [tilespmem:s12], [sflag:$0x3], $0x80, s15, s29, $0xb8;
	[tilespmem:$0x1C400] =	vst v63  }
0x6c: {  	s23 =	sadd.s32 $0x20, s23;
	s12 =	sadd.s32 $0x1, s17;
	_ =	swait.ge [sflag:s31], $0x4000  }
0x6d: {  	s20 =	sadd.s32 $0xFFFFFFE0, s20;
	s17 =	smov.u32 s12;
	[sflag:s31] =	ssyncset.done $0x0  }
0x6e: {  	s15 =	smov.u32 s11;
	s17 =	smov.u32 s12  }
.LBB2_9:
0x6f: {  	s11 =	sshrl.u32 s15, $0x2  }
0x70: {  	[sflag:s31] =	ssyncadd.s32 @p0 $0xFFFFC000;
	s16 =	sadd.s32 $0xFFFFF800, s15;
	s11 =	sand.u32 $0x300, s11  }
0x71: {  	s18 =	sadd.s32 $0xFFFFFFFF, s17;
	s28 =	sadd.s32 $0xFFFFFC00, s15;
	s19 =	sor.u32 $0x14000, s11  }
0x72: {  	[tilespmem:s19], [sflag:$0x1] =	stream.linear.gather [hbm4b:s23+s3], $0x100, $0x38;
	[tilespmem:$0x1C400] =	vst v63  }
0x73: {  	s18 =	sand.u32 $0x1, s18;
	s15 =	sand.u32 $0xC00, s28;
	_ =	swait.ge [sflag:s25], $0x100  }
0x74: {  	s18 =	sshll.u32 s18, $0xE;
	s15 =	sshrl.u32 s15, $0x2;
	[sflag:s25] =	ssyncset.done $0x0  }
0x75: {  	s23 =	ssub.s32 $0x18400, s18;
	s28 =	sor.u32 $0x14000, s15;
	[sflag:s25] =	ssyncadd.s32 $0xFFFFFF00  }
0x76: {  	[tilespmem:s23], [sflag:$0x2] =	stream.indirect.gather [hbm4b:s4+s29], $0x80, s28, s29, $0xb8;
	[tilespmem:$0x1C400] =	vst v63  }
0x77: {  	p0 =	sge.u32 s12, s10;
	s16 =	sand.u32 $0xC00, s16;
	_ =	swait.ge [sflag:s30], $0x4000  }
0x78: {  	s17 =	sadd.s32 $0x1, s17;
	s16 =	sshrl.u32 s16, $0x2;
	[sflag:s30] =	ssyncset.done $0x0  }
0x79: {  	s18 =	sadd.s32 $0x14400, s18;
	s16 =	sor.u32 $0x14080, s16;
	[sflag:s30] =	ssyncadd.s32 $0xFFFFC000  }
0x7a: {  	[spmem:s1] =	stream.indirect.scatter.add.f32 [tilespmem:s18], [sflag:$0x3], $0x80, s16, s29, $0xb8;
	[tilespmem:$0x1C400] =	vst v63  }
0x7b: {  	s16 =	sadd.s32 $0xFFFFFFE0, s21;
	s21 =	sand.u32 @!p0 $0xC00, s2;
	_ =	swait.ge [sflag:s31], $0x4000  }
0x7c: {  	s28 =	simm.s32 @!p0 $0x0;
	s21 =	sshrl.u32 @!p0 s21, $0x2;
	[sflag:s31] =	ssyncset.done $0x0  }
0x7d: {  	s16 =	ssub.s32 @!p0 $0x0, s16;
	s21 =	sor.u32 @!p0 $0x14000, s21;
	[sflag:s31] =	ssyncadd.s32 $0xFFFFC000  }
0x7e: {  	[tilespmem:s21], [sflag:$0x1] =	stream.linear.gather @!p0 [hbm4b:s16+s28], $0x100, $0x38;
	[tilespmem:$0x1C400] =	vst v63  }
0x7f: {  	s28 =	sadd.s32 $0xFFFFFFFF, s17  }
0x80: {  	s16 =	sand.u32 $0x1, s28;
	_ =	swait.ge [sflag:s25], $0x100  }
0x81: {  	[sflag:s25] =	ssyncset.done $0x0;
	s16 =	sshll.u32 s16, $0xE  }
0x82: {  	[sflag:s25] =	ssyncadd.s32 $0xFFFFFF00;
	s28 =	ssub.s32 $0x18400, s16  }
0x83: {  	[tilespmem:s28], [sflag:$0x2] =	stream.indirect.gather [hbm4b:s4+s29], $0x80, s19, s29, $0xb8;
	[tilespmem:$0x1C400] =	vst v63  }
0x84: {  	p1 =	sge.u32 s17, s10;
	_ =	swait.ge [sflag:s30], $0x4000  }
0x85: {  	s15 =	sadd.s32 $0x14080, s15;
	s2 =	sadd.s32 @!p1 $0x400, s2;
	[sflag:s30] =	ssyncset.done $0x0  }
0x86: {  	s2 =	sand.u32 @!p1 $0xC00, s2;
	s16 =	sadd.s32 $0x14400, s16;
	[sflag:s30] =	ssyncadd.s32 $0xFFFFC000  }
0x87: {  	[spmem:s1] =	stream.indirect.scatter.add.f32 [tilespmem:s16], [sflag:$0x3], $0x80, s15, s29, $0xb8;
	[tilespmem:$0x1C400] =	vst v63  }
0x88: {  	s2 =	sshrl.u32 @!p1 s2, $0x2;
	_ =	swait.ge [sflag:s31], $0x4000  }
0x89: {  	s2 =	sor.u32 @!p1 $0x14000, s2;
	s15 =	sadd.s32 $0xFFFFFFE0, s20;
	[sflag:s31] =	ssyncset.done $0x0  }
0x8a: {  	s16 =	simm.s32 @!p1 $0x0;
	s15 =	ssub.s32 @!p1 $0x0, s15;
	[sflag:s31] =	ssyncadd.s32 $0xFFFFC000  }
0x8b: {  	[tilespmem:s2], [sflag:$0x1] =	stream.linear.gather @!p1 [hbm4b:s15+s16], $0x100, $0x38;
	[tilespmem:$0x1C400] =	vst v63  }
0x8c: {  	s2 =	simm.s32 @!p0 $0x1  }
0x8d: {  	_ =	swait.ge @!p0 [sflag:s2], $0x100  }
0x8e: {  	[sflag:s2] =	ssyncset.done @!p0 $0x0  }
0x8f: {  	[sflag:s2] =	ssyncadd.s32 @!p0 $0xFFFFFF00;
	s2 =	simm.s32 @!p0 $0x80  }
0x90: {  	[tilespmem:s23], [sflag:$0x2] =	stream.indirect.gather @!p0 [hbm4b:s4+s2], $0x80, s21, s2, $0xb8;
	[tilespmem:$0x1C400] =	vst v63  }
0x91: {  	_ =	swait.ge [sflag:s30], $0x4000  }
0x92: {  	[sflag:s30] =	ssyncset.done $0x0  }
0x93: {  	s15 =	sadd.s32 $0x14080, s11;
	[sflag:s30] =	ssyncadd.s32 $0xFFFFC000  }
0x94: {  	[spmem:s1] =	stream.indirect.scatter.add.f32 [tilespmem:s18], [sflag:$0x3], $0x80, s15, s29, $0xb8;
	[tilespmem:$0x1C400] =	vst v63  }
0x95: {  	_ =	swait.ge [sflag:s31], $0x4000  }
0x96: {  	[sflag:s31] =	ssyncset.done $0x0  }
0x97: {  	s16 =	stileid.u32;
	[sflag:s31] =	ssyncadd.s32 $0xFFFFC000  }
0x98: {  	s2 =	sshll.u32 s16, $0x6;
	[bflag:$0x0] =	sbarrier.arrive $0xFFFF  }
0x99: {  	s17 =	sshrl.u32 s5, $0x3;
	s2 =	sor.u32 $0x1C01, s2;
	s18 =	rddreg [dreg:$0x6]  }
0x9a: {  	[hbm:s18], [sflag:s2] =	dma.local [spmem:s17], $0x800  }
0x9b: {  	s19 =	sshrl.u32 s6, $0x3;
	s15 =	rddreg [dreg:$0x7]  }
0x9c: {  	[hbm:s15], [sflag:s2] =	dma.local [spmem:s19], $0x800  }
0x9d: {  	s20 =	sshrl.u32 s7, $0x3;
	s15 =	rddreg [dreg:$0x8]  }
0x9e: {  	[hbm:s15], [sflag:s2] =	dma.local [spmem:s20], $0x800  }
0x9f: {  	s21 =	sshrl.u32 s8, $0x3;
	s15 =	rddreg [dreg:$0x9]  }
0xa0: {  	[hbm:s15], [sflag:s2] =	dma.local [spmem:s21], $0x800  }
0xa1: {  	s23 =	sshrl.u32 s9, $0x3;
	s15 =	rddreg [dreg:$0xa]  }
0xa2: {  	[hbm:s15], [sflag:s2] =	dma.local [spmem:s23], $0x800  }
0xa3: {  	_ =	swait.ge [sflag:s25], $0x800  }
0xa4: {  	[sflag:s25] =	ssyncset.done $0x0  }
0xa5: {  	[sflag:s25] =	ssyncadd.s32 $0xFFFFF800  }
0xa6: {  	_ =	swait.ge [sflag:s25], $0x800  }
0xa7: {  	[sflag:s25] =	ssyncset.done $0x0  }
0xa8: {  	[sflag:s25] =	ssyncadd.s32 $0xFFFFF800  }
0xa9: {  	_ =	swait.ge [sflag:s25], $0x800  }
0xaa: {  	[sflag:s25] =	ssyncset.done $0x0  }
0xab: {  	[sflag:s25] =	ssyncadd.s32 $0xFFFFF800  }
0xac: {  	_ =	swait.ge [sflag:s25], $0x800  }
0xad: {  	[sflag:s25] =	ssyncset.done $0x0  }
0xae: {  	[sflag:s25] =	ssyncadd.s32 $0xFFFFF800  }
0xaf: {  	_ =	swait.ge [sflag:s25], $0x800  }
0xb0: {  	s0 =	sadd.s32 $0x1, s0;
	s28 =	rddreg [dreg:$0xb]  }
0xb1: {  	p0 =	sne.s32 s0, s28  }
.Ltmp4:
0xb2: {  	_ = 	snop;
	(pc) =	sbr.rel @p0 .LBB2_1-.Ltmp4, $4  }
.Ltmp5:
0xb3: {  	_ = 	snop;
	(pc) =	sbr.rel @!p0 .LBB2_10-.Ltmp5, $4  }
0xb4: {  	_ = 	snop  }
0xb5: {  	[sflag:s25] =	ssyncset.done $0x0  }
0xb6: {  	[sflag:s25] =	ssyncadd.s32 $0xFFFFF800  }
0xb7: {  	_ = 	snop  }
.LBB2_4:
.Ltmp6:
0xb8: {  	(pc) =	sbr.rel .LBB2_9-.Ltmp6, $3  }
0xb9: {  	_ =	sdelay $0x1  }
0xba: {  	s2 =	simm.s32 $0xC00  }
0xbb: {  	s23 =	smov.u32 s14;
	s21 =	smov.u32 s13;
	s20 =	rddreg [dreg:$0xc]  }
.LBB2_6:
.Ltmp7:
0xbc: {  	(pc) =	sbr.rel .LBB2_9-.Ltmp7, $2  }
0xbd: {  	_ =	sdelay $0x2  }
0xbe: {  	s15 =	simm.s32 $0xC00  }
.LBB2_10:
0xbf: {  	_ =	sfence.sel $0x180000  }
0xc0: {  	[bflag:$0x0] =	sbarrier.arrive $0xFFFF  }
0xc1: {  	_ =	strace $0x9000004D  }
0xc2: {  	s0 =	stileid.u32;
	[bflag:$0x2] =	sbarrier.arrive $0xFFFF  }
0xc3: {  	p0 =	sne.s32 s0, $0x0;
	s0 =	rddreg [dreg:$0x3]  }
0xc4: {  	s0 =	sadd.s32 @!p0 $0x100000, s0  }
0xc5: {  	[sflag:s0] =	ssyncadd.tile.s32 @!p0 $0x1;
	_ =	shalt  }
.Lfunc_end2:
_tile_overlayer_lowered:
.L_overlay_start_2:
0xc6: {  	(tag) =	ssettag $0x2  }
0xc7: {  	s0 =	rddreg [dreg:$0x0];
	s2 =	stileid.u32  }
0xc8: {  	s1 =	rddreg [dreg:$0x1];
	p0 =	sne.s32 s2, $0x0  }
0xc9: {  	s3 =	rddreg [dreg:$0x2];
	[bflag:$0x3] =	sbarrier.arrive $0xFFFF;
	s2 =	simm.s32 @!p0 $0x1C03  }
0xca: {  	[timem:s3], [sflag:s2] =	dma.local @!p0 [hbm:s0], s1  }
0xcb: {  	s0 =	simm.s32 @!p0 $0x3  }
0xcc: {  	_ =	swait.ge @!p0 [sflag:s0], s1  }
0xcd: {  	s1 =	ssub.s32 @!p0 $0x0, s1;
	[sflag:s0] =	ssyncset.done @!p0 $0x0  }
0xce: {  	[sflag:s0] =	ssyncadd.s32 @!p0 s1  }
0xcf: {  	[bflag:$0x3] =	sbarrier.arrive $0xFFFF  }
0xd0: {  	_ =	shalt  }

// kernel: kernel.9.cloned.1.call-start
scs
__scs_entry_jumppad:
0x0: {  	(pc) =	sbr.rel $0x88, $3  }
0x1: {  	(tag) =	ssettag $0x0;
	lr =	simm.s32 $0x1  }
0x2: {  	[smem:$0x3F99] =	sst lr;
	_ =	strace $0xD0000000  }
0x3: {  	_ = 	snop  }
0x4: {  	_ = 	snop  }
0x5: {  	_ = 	snop  }
0x6: {  	_ = 	snop  }
0x7: {  	_ = 	snop  }
__scs_overlays_trampoline_lowered:
0x8: {  	[smem:$0x3FA8] =	sst s0  }
0x9: {  	[smem:$0x3FA9] =	sst s1  }
0xa: {  	[smem:$0x3FAA] =	sst s2  }
0xb: {  	[smem:$0x3FAB] =	sst s3  }
0xc: {  	[smem:$0x3FAC] =	sst s4  }
0xd: {  	[smem:$0x3FAD] =	sst s5  }
0xe: {  	[smem:$0x3FAE] =	sst s6  }
0xf: {  	[smem:$0x3FAF] =	sst s7  }
0x10: {  	[smem:$0x3FB0] =	sst s8  }
0x11: {  	[smem:$0x3FB1] =	sst s9;
	s0 =	simm.s32 @!p0 $0x0  }
0x12: {  	s1 =	sld [smem:$0x3F97];
	s0 =	simm.s32 @p0 $0x1  }
0x13: {  	[smem:$0x3FB2] =	sst s0;
	s0 =	simm.s32 @!p1 $0x0  }
0x14: {  	s2 =	sld [smem:$0x3F96];
	s0 =	simm.s32 @p1 $0x1  }
0x15: {  	[smem:$0x3FB3] =	sst s0;
	s0 =	simm.s32 @!p2 $0x0  }
0x16: {  	s3 =	sld [smem:$0x3FDB];
	s0 =	simm.s32 @p2 $0x1  }
0x17: {  	s4 =	simm.s32 $0x1BF5;
	[smem:$0x3FB5] =	sst s0  }
0x18: {  	s0 =	sld [smem:$0x3F98];
	_ =	swait.ge [sflag:s4], $0x0  }
0x19: {  	s7 =	sld [smem:$0x3F99]  }
0x1a: {  	s8 =	sadd.s32 $0xFFFFE003, lr  }
0x1b: {  	s9 =	sadd.s32 $0xFFFFFEF7, lr;
	s5 =	simm.s32 $0xFFFFFFFF;
	p2 =	slt.u32 s8, $0xFFFFF086  }
0x1c: {  	p1 =	slt.u32 s9, $0xF7A;
	s5 =	simm.s32 @!p2 $0x0  }
0x1d: {  	s5 =	simm.s32 @p1 $0x1;
	p0 =	seq.s32 s7, s2  }
0x1e: {  	s7 =	smul.u32 @!p0 $0xF7A, s2;
	p2 =	seq.s32 @!p0 s5, $0x0  }
0x1f: {  	s9 =	smul.u32 $0xF7A, s1;
	s8 =	simm.s32 @!p0 $0x1BF5;
	p2 =	por !p2, p0  }
0x20: {  	[sflag:s8] =	ssyncset.s32 @!p0 $0xFFFFF086;
	s6 =	sadd.s32 @!p0 s3, s7;
	s7 =	simm.s32 @!p0 $0x108  }
0x21: {  	s3 =	sadd.s32 s3, s9;
	s6 =	sadd.s32 @!p0 $0x88, s6;
	s7 =	simm.s32 @p2 $0x1082  }
0x22: {  	[simem:s7], [sflag:s8] =	dma.local @!p0 [hbm:s6], $0xF7A  }
0x23: {  	s9 =	sor.u32 $0xD0000000, s2;
	s6 =	simm.s32 $0x108;
	_ =	swait.ge @!p0 [sflag:s8], $0x0  }
0x24: {  	s3 =	sadd.s32 $0x88, s3;
	s6 =	simm.s32 @!p1 $0x1082;
	[sflag:s4] =	ssyncset.s32 $0xFFFFF086  }
0x25: {  	[simem:s6], [sflag:s4] =	dma.local [hbm:s3], $0xF7A  }
0x26: {  	[smem:$0x3F99] =	sst s1;
	(tag) =	ssettag s2;
	_ =	strace s9  }
0x27: {  	s1 =	sld [smem:$0x3FA9]  }
0x28: {  	s2 =	sld [smem:$0x3FAA]  }
0x29: {  	s4 =	sld [smem:$0x3FAC]  }
0x2a: {  	p0 =	seq.s32 s5, $0x0;
	s5 =	sld [smem:$0x3FAD]  }
0x2b: {  	s6 =	sld [smem:$0x3FAE]  }
0x2c: {  	s7 =	sld [smem:$0x3FAF]  }
0x2d: {  	s3 =	simm.s32 $0x108;
	s8 =	sld [smem:$0x3FB0]  }
0x2e: {  	s3 =	simm.s32 @!p0 $0x1082;
	s9 =	sld [smem:$0x3FB1]  }
0x2f: {  	lr =	sadd.s32 s0, s3;
	s0 =	sld [smem:$0x3FA8]  }
0x30: {  	s3 =	sld [smem:$0x3FAB]  }
0x31: {  	[smem:$0x3FB4] =	sst s10  }
0x32: {  	s10 =	sld [smem:$0x3FB2];
	_ =	sdelay $0x3  }
0x33: {  	p0 =	seq.s32 s10, $0x1;
	s10 =	sld [smem:$0x3FB4];
	_ =	sdelay $0x3  }
0x34: {  	[smem:$0x3FB4] =	sst s10  }
0x35: {  	s10 =	sld [smem:$0x3FB3];
	_ =	sdelay $0x3  }
0x36: {  	p1 =	seq.s32 s10, $0x1;
	s10 =	sld [smem:$0x3FB4];
	_ =	sdelay $0x3  }
0x37: {  	[smem:$0x3FB4] =	sst s10  }
0x38: {  	s10 =	sld [smem:$0x3FB5]  }
0x39: {  	_ = 	snop;
	(pc) =	sbr.ind lr, $3  }
0x3a: {  	_ = 	snop  }
0x3b: {  	_ = 	snop  }
0x3c: {  	p2 =	seq.s32 s10, $0x1;
	s10 =	sld [smem:$0x3FB4]  }
0x3d: {  	_ =	shalt  }
0x3e: {  	_ =	shalt  }
0x3f: {  	_ =	shalt  }
0x40: {  	_ =	shalt  }
0x41: {  	_ =	shalt  }
0x42: {  	_ =	shalt  }
0x43: {  	_ =	shalt  }
0x44: {  	_ =	shalt  }
0x45: {  	_ =	shalt  }
0x46: {  	_ =	shalt  }
0x47: {  	_ =	shalt  }
0x48: {  	_ =	shalt  }
0x49: {  	_ =	shalt  }
0x4a: {  	_ =	shalt  }
0x4b: {  	_ =	shalt  }
0x4c: {  	_ =	shalt  }
0x4d: {  	_ =	shalt  }
0x4e: {  	_ =	shalt  }
0x4f: {  	_ =	shalt  }
0x50: {  	_ =	shalt  }
0x51: {  	_ =	shalt  }
0x52: {  	_ =	shalt  }
0x53: {  	_ =	shalt  }
0x54: {  	_ =	shalt  }
0x55: {  	_ =	shalt  }
0x56: {  	_ =	shalt  }
0x57: {  	_ =	shalt  }
0x58: {  	_ =	shalt  }
0x59: {  	_ =	shalt  }
0x5a: {  	_ =	shalt  }
0x5b: {  	_ =	shalt  }
0x5c: {  	_ =	shalt  }
0x5d: {  	_ =	shalt  }
0x5e: {  	_ =	shalt  }
0x5f: {  	_ =	shalt  }
0x60: {  	_ =	shalt  }
0x61: {  	_ =	shalt  }
0x62: {  	_ =	shalt  }
0x63: {  	_ =	shalt  }
0x64: {  	_ =	shalt  }
0x65: {  	_ =	shalt  }
0x66: {  	_ =	shalt  }
0x67: {  	_ =	shalt  }
0x68: {  	_ =	shalt  }
0x69: {  	_ =	shalt  }
0x6a: {  	_ =	shalt  }
0x6b: {  	_ =	shalt  }
0x6c: {  	_ =	shalt  }
0x6d: {  	_ =	shalt  }
0x6e: {  	_ =	shalt  }
0x6f: {  	_ =	shalt  }
0x70: {  	_ =	shalt  }
0x71: {  	_ =	shalt  }
0x72: {  	_ =	shalt  }
0x73: {  	_ =	shalt  }
0x74: {  	_ =	shalt  }
0x75: {  	_ =	shalt  }
0x76: {  	_ =	shalt  }
0x77: {  	_ =	shalt  }
0x78: {  	_ =	shalt  }
0x79: {  	_ =	shalt  }
0x7a: {  	_ =	shalt  }
0x7b: {  	_ =	shalt  }
0x7c: {  	_ =	shalt  }
0x7d: {  	_ =	shalt  }
0x7e: {  	_ =	shalt  }
0x7f: {  	_ =	shalt  }
0x80: {  	_ =	shalt  }
0x81: {  	_ =	shalt  }
0x82: {  	_ =	shalt  }
0x83: {  	_ =	shalt  }
0x84: {  	_ =	shalt  }
0x85: {  	_ =	shalt  }
0x86: {  	_ =	shalt  }
0x87: {  	_ =	shalt  }
.Lfunc_end0:
.L_simem_size_0:
called_computation_lowered:
.L_overlay_start_0:
0x88: {  	s2 =	sld [smem:$0x3FD9]  }
0x89: {  	s3 =	sld [smem:$0x3FFE];
	_ =	sdelay $0x1  }
0x8a: {  	s1 =	srdreg.scid  }
0x8b: {  	s0 =	sand.u32 $0x1, s1  }
0x8c: {  	s17 =	sshll.u32 s0, $0xA;
	s2 =	sadd.s32 s3, s2  }
0x8d: {  	s2 =	sadd.s32 s2, s17  }
0x8e: {  	[smem:$0x3FC0] =	sst s2  }
0x8f: {  	_ = 	snop  }
0x90: {  	s2 =	sld [smem:$0x3FD0];
	(tm) =	ssettm $0x1  }
0x91: {  	s18 =	sld [smem:$0x3FFB];
	_ =	sdelay $0x3  }
0x92: {  	_ =	strace s18  }
0x93: {  	s3 =	sld [smem:$0x3FFC];
	_ =	sdelay $0x3  }
0x94: {  	_ =	strace s3  }
0x95: {  	s3 =	sld [smem:$0x3FFD];
	_ =	sdelay $0x3  }
0x96: {  	_ =	strace s3  }
0x97: {  	_ =	strace $0x8FFFFFFF  }
0x98: {  	s19 =	sld [smem:$0x3FDB];
	_ =	sdelay $0x1  }
0x99: {  	s4 =	simm.s32 $_scs_section_size  }
0x9a: {  	s5 =	simm.s32 $_size__tile_overlayer_lowered;
	s6 =	simm.s32 $_tile_overlayer_lowered  }
0x9b: {  	s22 =	simm.s32 $0x1BFF;
	s21 =	sshll.u32 s6, $0x1;
	s3 =	sadd.s32 s4, s19  }
0x9c: {  	s7 =	simm.s32 $0x0;
	s20 =	sshll.u32 s5, $0x1;
	s5 =	sadd.s32 s21, s3  }
0x9d: {  	[timem:s7], [sflag:s22] =	dma.local [hbm:s5], s20  }
0x9e: {  	_ =	swait.ge [sflag:s22], s20  }
0x9f: {  	s4 =	ssub.s32 $0x0, s20;
	[sflag:s22] =	ssyncset.done $0x0  }
0xa0: {  	[sflag:s22] =	ssyncadd.s32 s4;
	_ =	sdelay $0x1  }
0xa1: {  	s23 =	simm.s32 $0x1B8B  }
0xa2: {  	_ =	swait.ge [sflag:s23], $0x1  }
0xa3: {  	[sflag:s23] =	ssyncset.done $0x0  }
0xa4: {  	s25 =	simm.s32 $0x1B8E;
	s24 =	sld [smem:$0x3FFE];
	[sflag:s23] =	ssyncadd.s32 $0xFFFFFFFF  }
0xa5: {  	s26 =	simm.s32 $execute0_lowered;
	[smem:$0x3FD2] =	sst s25  }
0xa6: {  	s5 =	sshll.u32 s26, $0x1;
	_ =	strace $0x80000046;
	[dreg:$0x1] =	wrdreg $0xFFFFFFFF  }
0xa7: {  	s28 =	simm.s32 $_size_execute0_lowered;
	s3 =	sadd.s32 s3, s5;
	[dreg:$0x0] =	wrdreg $0x0  }
0xa8: {  	s5 =	sshll.u32 s28, $0x1;
	[dreg:$0x2] =	wrdreg s3  }
0xa9: {  	[dreg:$0x3] =	wrdreg s5  }
0xaa: {  	[dreg:$0x4] =	wrdreg $0xC0  }
0xab: {  	_ =	task [dreg:s7], $0x5FFFF  }
0xac: {  	[dreg:$0x1] =	wrdreg $0xFFFFFFFF  }
0xad: {  	[dreg:$0x0] =	wrdreg $0x60  }
0xae: {  	[dreg:$0x2] =	wrdreg s24  }
0xaf: {  	[dreg:$0x3] =	wrdreg s2  }
0xb0: {  	[dreg:$0x4] =	wrdreg $0x0  }
0xb1: {  	[dreg:$0x5] =	wrdreg $0x9  }
0xb2: {  	_ =	task.clear_ibuf [dreg:s7], $0x6FFFF;
	_ =	strace $0x90000046  }
0xb3: {  	s29 =	simm.s32 $0x9;
	_ =	strace $0x80000048  }
0xb4: {  	_ =	swait.ge [sflag:s29], $0x1  }
0xb5: {  	[sflag:s29] =	ssyncadd.s32 $0xFFFFFFFF  }
0xb6: {  	_ =	strace $0x90000048  }
0xb7: {  	_ =	sfence  }
0xb8: {  	s30 =	sld [smem:$0x0];
	_ =	sdelay $0x2  }
0xb9: {  	s31 =	sshll.u32 s1, $0xD;
	s1 =	sshrl.u32 s1, $0x2  }
0xba: {  	s3 =	sand.u32 $0x4000, s31;
	s1 =	sadd.s32 s1, s30  }
0xbb: {  	s0 =	sor.u32 s3, s0;
	s1 =	sshll.u32 s1, $0x11  }
0xbc: {  	s0 =	sor.u32 s1, s0  }
0xbd: {  	s0 =	sadd.s32 $0x8F2B, s0  }
0xbe: {  	[sflag:s0] =	ssyncadd.remote.s32 $0x1  }
0xbf: {  	_ =	sfence.sel $0xFFFF  }
0xc0: {  	[dreg:$0x0] =	wrdreg $0xFFFFFFFF;
	(pc) =	sbr.abs _section_cstart, $3  }
0xc1: {  	[dreg:$0x1] =	wrdreg $0xFFFFFFFF  }
0xc2: {  	_ =	task.clear_ibuf [dreg:s7], $0x2FFFF;
	_ =	strace $0x9FFFFFFF  }
0xc3: {  	(tm) =	ssettm $0x7FFFFFFF  }
tec
execute0_lowered:
.L_overlay_start_1:
0x0: {  	(tag) =	ssettag $0x1  }
0x1: {  	s0 =	rddreg [dreg:$0x0]  }
0x2: {  	s2 =	rddreg [dreg:$0x1]  }
0x3: {  	s1 =	rddreg [dreg:$0x2];
	s3 =	simm.s32 $0x0  }
0x4: {  	s4 =	srdreg.scid;
	s9 =	stileid.u32;
	s29 =	simm.s32 $0x80  }
0x5: {  	s30 =	simm.s32 $0x2;
	s31 =	simm.s32 $0x3;
	s6 =	smul.u32 $0x50000, s9  }
0x6: {  	[smem:$0x7FF] =	sst s3;
	s10 =	sand.u32 $0x1, s4;
	s11 =	smul.u32 $0x14000, s9  }
0x7: {  	s4 =	sadd.s32 $0x2400, s0;
	s0 =	sadd.s32 $0x2A400, s0;
	s18 =	smul.u32 $0x9D00, s9  }
0x8: {  	s23 =	ssub.s32 $0x20, s2;
	_ =	strace $0x80000047;
	s5 =	ssub.s32 $0x2, s10  }
0x9: {  	s19 =	sshll.u32 s10, $0xD;
	s20 =	smul.u32 $0x140000, s10;
	p0 =	seq.s32 s10, $0x0  }
0xa: {  	s10 =	simm.s32 $0x20;
	s7 =	sshrl.u32 s5, $0x1;
	s8 =	sshrl.u32 s6, $0x2  }
0xb: {  	s14 =	sadd.s32 $0x4000, s11;
	s15 =	sadd.s32 $0x8000, s11;
	s16 =	sadd.s32 $0xC000, s11  }
0xc: {  	s17 =	sadd.s32 $0x10000, s11;
	s21 =	sadd.s32 s19, s18;
	s10 =	simm.s32 @!p0 $0x7D  }
0xd: {  	s13 =	ssub.s32 s5, s7;
	s5 =	sadd.s32 s8, s1;
	s6 =	sadd.s32 s14, s1  }
0xe: {  	s7 =	sadd.s32 s15, s1;
	s8 =	sadd.s32 s16, s1;
	s9 =	sadd.s32 s17, s1  }
0xf: {  	s18 =	sshrl.u32 s21, $0x3;
	s11 =	sadd.s32 s11, s20;
	s14 =	sadd.s32 s20, s14  }
0x10: {  	s15 =	sadd.s32 s20, s15;
	s16 =	sadd.s32 s20, s16;
	s17 =	sadd.s32 s20, s17  }
0x11: {  	s22 =	sadd.s32 $0x400, s21;
	s24 =	sadd.s32 $0x300, s21;
	s26 =	sadd.s32 $0x200, s21  }
0x12: {  	s18 =	sadd.s32 s2, s18;
	s11 =	sshrl.u32 s11, $0x3;
	s14 =	sshrl.u32 s14, $0x3  }
0x13: {  	s19 =	sshrl.u32 s17, $0x3;
	s20 =	smax.u32 s13, $0x1;
	s25 =	sshrl.u32 s24, $0x3  }
0x14: {  	s28 =	sshrl.u32 s26, $0x3;
	s24 =	simm.s32 $0x14400;
	[dreg:$0x4] =	wrdreg s18  }
0x15: {  	s26 =	simm.s32 $0x14000;
	s18 =	sadd.s32 $0x20, s18;
	[dreg:$0xb] =	wrdreg s20  }
0x16: {  	s11 =	sadd.s32 s0, s11;
	s13 =	ssub.s32 s23, s25;
	[dreg:$0x5] =	wrdreg s18  }
0x17: {  	[dreg:$0x6] =	wrdreg s11;
	s11 =	sadd.s32 s0, s14;
	s14 =	sshrl.u32 s16, $0x3  }
0x18: {  	[dreg:$0x7] =	wrdreg s11;
	s11 =	sshrl.u32 s15, $0x3;
	s18 =	sadd.s32 s0, s14  }
0x19: {  	s11 =	sadd.s32 s0, s11;
	[dreg:$0x9] =	wrdreg s18;
	s0 =	sadd.s32 s0, s19  }
0x1a: {  	s25 =	simm.s32 $0x1;
	[dreg:$0xa] =	wrdreg s0;
	s0 =	sshrl.u32 s22, $0x3  }
0x1b: {  	s14 =	sadd.s32 s28, s2;
	[dreg:$0x8] =	wrdreg s11;
	s0 =	ssub.s32 s23, s0  }
0x1c: {  	v0 =	vimm.f32 $0.0e+00;
	s22 =	sshll.u32 s10, $0xA;
	[dreg:$0xc] =	wrdreg s0;
	s0 =	simm.s32 $0x0  }
.LBB2_1:
0x1d: {  	s2 =	simm.s32 $0x0;
	s11 =	simm.s32 $0x200  }
.LBB2_2:
0x1e: {  	p0 =	sne.s32 s11, $0xFE00;
	[tilespmem:s2+$0x14470] =	vst v0  }
0x1f: {  	[tilespmem:s2+$0x14400] =	vst v0  }
0x20: {  	[tilespmem:s2+$0x14410] =	vst v0  }
.Ltmp0:
0x21: {  	[tilespmem:s2+$0x14420] =	vst v0;
	(pc) =	sbr.rel @p0 .LBB2_2-.Ltmp0, $4  }
0x22: {  	[tilespmem:s2+$0x14430] =	vst v0  }
0x23: {  	[tilespmem:s2+$0x14440] =	vst v0  }
0x24: {  	[tilespmem:s2+$0x14450] =	vst v0  }
0x25: {  	[tilespmem:s2+$0x14460] =	vst v0;
	s2 =	sshra.s32 s11, $0x2;
	s11 =	sadd.s32 $0x200, s11  }
0x26: {  	[tilespmem:s2+$0x14470] =	vst v0  }
0x27: {  	[tilespmem:s2+$0x14400] =	vst v0  }
0x28: {  	[tilespmem:s2+$0x14410] =	vst v0  }
0x29: {  	[tilespmem:s2+$0x14420] =	vst v0  }
0x2a: {  	[tilespmem:s2+$0x14430] =	vst v0  }
0x2b: {  	[tilespmem:s2+$0x14440] =	vst v0  }
0x2c: {  	[tilespmem:s2+$0x14450] =	vst v0  }
0x2d: {  	[tilespmem:s2+$0x14460] =	vst v0  }
0x2e: {  	[spmem:s5] =	stream.linear.scatter [tilespmem:s24], [sflag:$0x1], $0x4000, $0x38;
	[tilespmem:$0x1C400] =	vst v63  }
0x2f: {  	_ = 	snop  }
0x30: {  	[spmem:s6] =	stream.linear.scatter [tilespmem:s24], [sflag:$0x1], $0x4000, $0x38;
	[tilespmem:$0x1C400] =	vst v63  }
0x31: {  	_ = 	snop  }
0x32: {  	[spmem:s7] =	stream.linear.scatter [tilespmem:s24], [sflag:$0x1], $0x4000, $0x38;
	[tilespmem:$0x1C400] =	vst v63  }
0x33: {  	_ = 	snop  }
0x34: {  	[spmem:s8] =	stream.linear.scatter [tilespmem:s24], [sflag:$0x1], $0x4000, $0x38;
	[tilespmem:$0x1C400] =	vst v63  }
0x35: {  	_ = 	snop  }
0x36: {  	[spmem:s9] =	stream.linear.scatter [tilespmem:s24], [sflag:$0x1], $0x4000, $0x38;
	[tilespmem:$0x1C400] =	vst v63  }
0x37: {  	_ =	swait.ge [sflag:s25], $0x4000  }
0x38: {  	[sflag:s25] =	ssyncset.done $0x0  }
0x39: {  	[sflag:s25] =	ssyncadd.s32 $0xFFFFC000  }
0x3a: {  	_ =	swait.ge [sflag:s25], $0x4000  }
0x3b: {  	[sflag:s25] =	ssyncset.done $0x0  }
0x3c: {  	[sflag:s25] =	ssyncadd.s32 $0xFFFFC000  }
0x3d: {  	_ =	swait.ge [sflag:s25], $0x4000  }
0x3e: {  	[sflag:s25] =	ssyncset.done $0x0  }
0x3f: {  	[sflag:s25] =	ssyncadd.s32 $0xFFFFC000  }
0x40: {  	_ =	swait.ge [sflag:s25], $0x4000  }
0x41: {  	[sflag:s25] =	ssyncset.done $0x0  }
0x42: {  	[sflag:s25] =	ssyncadd.s32 $0xFFFFC000  }
0x43: {  	_ =	swait.ge [sflag:s25], $0x4000  }
0x44: {  	[sflag:s25] =	ssyncset.done $0x0  }
0x45: {  	[sflag:s25] =	ssyncadd.s32 $0xFFFFC000  }
0x46: {  	[bflag:$0x0] =	sbarrier.arrive $0xFFFF  }
0x47: {  	s23 =	rddreg [dreg:$0x4]  }
0x48: {  	[tilespmem:s26], [sflag:$0x1] =	stream.linear.gather [hbm4b:s23+s3], $0x100, $0x38;
	[tilespmem:$0x1C400] =	vst v63  }
0x49: {  	s11 =	simm.s32 $0x14100;
	p1 =	sne.s32 s22, $0xC00;
	s28 =	rddreg [dreg:$0x5]  }
0x4a: {  	[tilespmem:s11], [sflag:$0x1] =	stream.linear.gather [hbm4b:s28+s3], $0x100, $0x38;
	[tilespmem:$0x1C400] =	vst v63  }
.Ltmp1:
0x4b: {  	_ = 	snop;
	(pc) =	sbr.rel @!p1 .LBB2_4-.Ltmp1, $4  }
0x4c: {  	_ =	swait.ge [sflag:s25], $0x100  }
0x4d: {  	s15 =	simm.s32 $0x800;
	s17 =	simm.s32 $0x3;
	[sflag:s25] =	ssyncset.done $0x0  }
0x4e: {  	p0 =	por $0x0, $0x0;
	s11 =	simm.s32 $0xC00;
	[sflag:s25] =	ssyncadd.s32 $0xFFFFFF00  }
0x4f: {  	[tilespmem:s24], [sflag:$0x2] =	stream.indirect.gather [hbm4b:s4+s29], $0x80, s26, s29, $0xb8;
	[tilespmem:$0x1C400] =	vst v63  }
0x50: {  	s2 =	simm.s32 $0x200  }
0x51: {  	s15 =	simm.s32 $0x0;
	s17 =	simm.s32 $0x2;
	s2 =	sand.u32 $0x300, s2  }
0x52: {  	s20 =	simm.s32 $0x400;
	s19 =	sand.u32 $0x1, s17;
	s2 =	sor.u32 $0x14000, s2  }
0x53: {  	[tilespmem:s2], [sflag:$0x1] =	stream.linear.gather [hbm4b:s14+s3], $0x100, $0x38;
	[tilespmem:$0x1C400] =	vst v63  }
0x54: {  	s21 =	sand.u32 $0xC00, s20;
	s15 =	sand.u32 $0xC00, s15;
	_ =	swait.ge [sflag:s25], $0x100  }
0x55: {  	s17 =	sshrl.u32 s21, $0x2;
	s2 =	sshll.u32 s19, $0xE;
	[sflag:s25] =	ssyncset.done $0x0  }
0x56: {  	s17 =	sor.u32 $0x14000, s17;
	s23 =	ssub.s32 $0x18400, s2;
	[sflag:s25] =	ssyncadd.s32 $0xFFFFFF00  }
0x57: {  	[tilespmem:s23], [sflag:$0x2] =	stream.indirect.gather [hbm4b:s4+s29], $0x80, s17, s29, $0xb8;
	[tilespmem:$0x1C400] =	vst v63  }
0x58: {  	s15 =	sshrl.u32 s15, $0x2;
	_ =	swait.ge [sflag:s30], $0x4000  }
0x59: {  	p1 =	sne.s32 s22, $0x1000;
	s15 =	sor.u32 $0x14080, s15;
	[sflag:s30] =	ssyncset.done $0x0  }
.Ltmp2:
0x5a: {  	s2 =	sadd.s32 $0x14400, s2;
	[sflag:s30] =	ssyncadd.s32 $0xFFFFC000;
	(pc) =	sbr.rel @!p1 .LBB2_6-.Ltmp2, $4  }
0x5b: {  	[spmem:s1] =	stream.indirect.scatter.add.f32 [tilespmem:s2], [sflag:$0x3], $0x80, s15, s29, $0xb8;
	[tilespmem:$0x1C400] =	vst v63  }
0x5c: {  	p0 =	por $0x1, $0x1;
	s21 =	sadd.s32 $0xFFFFFFE0, s13;
	_ =	swait.ge [sflag:s31], $0x4000  }
0x5d: {  	s23 =	sadd.s32 $0x20, s14;
	s17 =	simm.s32 $0x4;
	s28 =	rddreg [dreg:$0xc]  }
0x5e: {  	s2 =	simm.s32 $0x1000;
	[sflag:s31] =	ssyncset.done $0x0;
	s20 =	sadd.s32 $0xFFFFFFE0, s28  }
.LBB2_7:
0x5f: {  	s12 =	sshrl.u32 s11, $0x2;
	[sflag:s31] =	ssyncadd.s32 $0xFFFFC000  }
0x60: {  	s15 =	smov.u32 s2;
	s2 =	sadd.s32 $0x400, s2;
	s16 =	sadd.s32 $0xFFFFF800, s11  }
0x61: {  	s18 =	sadd.s32 $0xFFFFFFFF, s17;
	p1 =	sne.s32 s22, s2;
	s12 =	sand.u32 $0x300, s12  }
0x62: {  	s11 =	sadd.s32 $0xFFFFFC00, s11;
	s21 =	sadd.s32 $0xFFFFFFE0, s21;
	s12 =	sor.u32 $0x14000, s12  }
0x63: {  	[tilespmem:s12], [sflag:$0x1] =	stream.linear.gather [hbm4b:s23+s3], $0x100, $0x38;
	[tilespmem:$0x1C400] =	vst v63  }
0x64: {  	s11 =	sand.u32 $0xC00, s11;
	s12 =	sand.u32 $0x1, s18;
	_ =	swait.ge [sflag:s25], $0x100  }
0x65: {  	s11 =	sshrl.u32 s11, $0x2;
	s12 =	sshll.u32 s12, $0xE;
	[sflag:s25] =	ssyncset.done $0x0  }
0x66: {  	s11 =	sor.u32 $0x14000, s11;
	s18 =	ssub.s32 $0x18400, s12;
	[sflag:s25] =	ssyncadd.s32 $0xFFFFFF00  }
0x67: {  	[tilespmem:s18], [sflag:$0x2] =	stream.indirect.gather [hbm4b:s4+s29], $0x80, s11, s29, $0xb8;
	[tilespmem:$0x1C400] =	vst v63  }
0x68: {  	s16 =	sand.u32 $0xC00, s16;
	s11 =	smov.u32 s15;
	_ =	swait.ge [sflag:s30], $0x4000  }
.Ltmp3:
0x69: {  	s15 =	sshrl.u32 s16, $0x2;
	[sflag:s30] =	ssyncset.done $0x0;
	(pc) =	sbr.rel @p1 .LBB2_7-.Ltmp3, $4  }
0x6a: {  	s12 =	sadd.s32 $0x14400, s12;
	s15 =	sor.u32 $0x14080, s15;
	[sflag:s30] =	ssyncadd.s32 $0xFFFFC000  }
0x6b: {  	[spmem:s1] =	stream.indirect.scatter.add.f32 [tilespmem:s12], [sflag:$0x3], $0x80, s15, s29, $0xb8;
	[tilespmem:$0x1C400] =	vst v63  }
0x6c: {  	s23 =	sadd.s32 $0x20, s23;
	s12 =	sadd.s32 $0x1, s17;
	_ =	swait.ge [sflag:s31], $0x4000  }
0x6d: {  	s20 =	sadd.s32 $0xFFFFFFE0, s20;
	s17 =	smov.u32 s12;
	[sflag:s31] =	ssyncset.done $0x0  }
0x6e: {  	s15 =	smov.u32 s11;
	s17 =	smov.u32 s12  }
.LBB2_9:
0x6f: {  	s11 =	sshrl.u32 s15, $0x2  }
0x70: {  	[sflag:s31] =	ssyncadd.s32 @p0 $0xFFFFC000;
	s16 =	sadd.s32 $0xFFFFF800, s15;
	s11 =	sand.u32 $0x300, s11  }
0x71: {  	s18 =	sadd.s32 $0xFFFFFFFF, s17;
	s28 =	sadd.s32 $0xFFFFFC00, s15;
	s19 =	sor.u32 $0x14000, s11  }
0x72: {  	[tilespmem:s19], [sflag:$0x1] =	stream.linear.gather [hbm4b:s23+s3], $0x100, $0x38;
	[tilespmem:$0x1C400] =	vst v63  }
0x73: {  	s18 =	sand.u32 $0x1, s18;
	s15 =	sand.u32 $0xC00, s28;
	_ =	swait.ge [sflag:s25], $0x100  }
0x74: {  	s18 =	sshll.u32 s18, $0xE;
	s15 =	sshrl.u32 s15, $0x2;
	[sflag:s25] =	ssyncset.done $0x0  }
0x75: {  	s23 =	ssub.s32 $0x18400, s18;
	s28 =	sor.u32 $0x14000, s15;
	[sflag:s25] =	ssyncadd.s32 $0xFFFFFF00  }
0x76: {  	[tilespmem:s23], [sflag:$0x2] =	stream.indirect.gather [hbm4b:s4+s29], $0x80, s28, s29, $0xb8;
	[tilespmem:$0x1C400] =	vst v63  }
0x77: {  	p0 =	sge.u32 s12, s10;
	s16 =	sand.u32 $0xC00, s16;
	_ =	swait.ge [sflag:s30], $0x4000  }
0x78: {  	s17 =	sadd.s32 $0x1, s17;
	s16 =	sshrl.u32 s16, $0x2;
	[sflag:s30] =	ssyncset.done $0x0  }
0x79: {  	s18 =	sadd.s32 $0x14400, s18;
	s16 =	sor.u32 $0x14080, s16;
	[sflag:s30] =	ssyncadd.s32 $0xFFFFC000  }
0x7a: {  	[spmem:s1] =	stream.indirect.scatter.add.f32 [tilespmem:s18], [sflag:$0x3], $0x80, s16, s29, $0xb8;
	[tilespmem:$0x1C400] =	vst v63  }
0x7b: {  	s16 =	sadd.s32 $0xFFFFFFE0, s21;
	s21 =	sand.u32 @!p0 $0xC00, s2;
	_ =	swait.ge [sflag:s31], $0x4000  }
0x7c: {  	s28 =	simm.s32 @!p0 $0x0;
	s21 =	sshrl.u32 @!p0 s21, $0x2;
	[sflag:s31] =	ssyncset.done $0x0  }
0x7d: {  	s16 =	ssub.s32 @!p0 $0x0, s16;
	s21 =	sor.u32 @!p0 $0x14000, s21;
	[sflag:s31] =	ssyncadd.s32 $0xFFFFC000  }
0x7e: {  	[tilespmem:s21], [sflag:$0x1] =	stream.linear.gather @!p0 [hbm4b:s16+s28], $0x100, $0x38;
	[tilespmem:$0x1C400] =	vst v63  }
0x7f: {  	s28 =	sadd.s32 $0xFFFFFFFF, s17  }
0x80: {  	s16 =	sand.u32 $0x1, s28;
	_ =	swait.ge [sflag:s25], $0x100  }
0x81: {  	[sflag:s25] =	ssyncset.done $0x0;
	s16 =	sshll.u32 s16, $0xE  }
0x82: {  	[sflag:s25] =	ssyncadd.s32 $0xFFFFFF00;
	s28 =	ssub.s32 $0x18400, s16  }
0x83: {  	[tilespmem:s28], [sflag:$0x2] =	stream.indirect.gather [hbm4b:s4+s29], $0x80, s19, s29, $0xb8;
	[tilespmem:$0x1C400] =	vst v63  }
0x84: {  	p1 =	sge.u32 s17, s10;
	_ =	swait.ge [sflag:s30], $0x4000  }
0x85: {  	s15 =	sadd.s32 $0x14080, s15;
	s2 =	sadd.s32 @!p1 $0x400, s2;
	[sflag:s30] =	ssyncset.done $0x0  }
0x86: {  	s2 =	sand.u32 @!p1 $0xC00, s2;
	s16 =	sadd.s32 $0x14400, s16;
	[sflag:s30] =	ssyncadd.s32 $0xFFFFC000  }
0x87: {  	[spmem:s1] =	stream.indirect.scatter.add.f32 [tilespmem:s16], [sflag:$0x3], $0x80, s15, s29, $0xb8;
	[tilespmem:$0x1C400] =	vst v63  }
0x88: {  	s2 =	sshrl.u32 @!p1 s2, $0x2;
	_ =	swait.ge [sflag:s31], $0x4000  }
0x89: {  	s2 =	sor.u32 @!p1 $0x14000, s2;
	s15 =	sadd.s32 $0xFFFFFFE0, s20;
	[sflag:s31] =	ssyncset.done $0x0  }
0x8a: {  	s16 =	simm.s32 @!p1 $0x0;
	s15 =	ssub.s32 @!p1 $0x0, s15;
	[sflag:s31] =	ssyncadd.s32 $0xFFFFC000  }
0x8b: {  	[tilespmem:s2], [sflag:$0x1] =	stream.linear.gather @!p1 [hbm4b:s15+s16], $0x100, $0x38;
	[tilespmem:$0x1C400] =	vst v63  }
0x8c: {  	s2 =	simm.s32 @!p0 $0x1  }
0x8d: {  	_ =	swait.ge @!p0 [sflag:s2], $0x100  }
0x8e: {  	[sflag:s2] =	ssyncset.done @!p0 $0x0  }
0x8f: {  	[sflag:s2] =	ssyncadd.s32 @!p0 $0xFFFFFF00;
	s2 =	simm.s32 @!p0 $0x80  }
0x90: {  	[tilespmem:s23], [sflag:$0x2] =	stream.indirect.gather @!p0 [hbm4b:s4+s2], $0x80, s21, s2, $0xb8;
	[tilespmem:$0x1C400] =	vst v63  }
0x91: {  	_ =	swait.ge [sflag:s30], $0x4000  }
0x92: {  	[sflag:s30] =	ssyncset.done $0x0  }
0x93: {  	s15 =	sadd.s32 $0x14080, s11;
	[sflag:s30] =	ssyncadd.s32 $0xFFFFC000  }
0x94: {  	[spmem:s1] =	stream.indirect.scatter.add.f32 [tilespmem:s18], [sflag:$0x3], $0x80, s15, s29, $0xb8;
	[tilespmem:$0x1C400] =	vst v63  }
0x95: {  	_ =	swait.ge [sflag:s31], $0x4000  }
0x96: {  	[sflag:s31] =	ssyncset.done $0x0  }
0x97: {  	s16 =	stileid.u32;
	[sflag:s31] =	ssyncadd.s32 $0xFFFFC000  }
0x98: {  	s2 =	sshll.u32 s16, $0x6;
	[bflag:$0x0] =	sbarrier.arrive $0xFFFF  }
0x99: {  	s17 =	sshrl.u32 s5, $0x3;
	s2 =	sor.u32 $0x1C01, s2;
	s18 =	rddreg [dreg:$0x6]  }
0x9a: {  	[hbm:s18], [sflag:s2] =	dma.local [spmem:s17], $0x800  }
0x9b: {  	s19 =	sshrl.u32 s6, $0x3;
	s15 =	rddreg [dreg:$0x7]  }
0x9c: {  	[hbm:s15], [sflag:s2] =	dma.local [spmem:s19], $0x800  }
0x9d: {  	s20 =	sshrl.u32 s7, $0x3;
	s15 =	rddreg [dreg:$0x8]  }
0x9e: {  	[hbm:s15], [sflag:s2] =	dma.local [spmem:s20], $0x800  }
0x9f: {  	s21 =	sshrl.u32 s8, $0x3;
	s15 =	rddreg [dreg:$0x9]  }
0xa0: {  	[hbm:s15], [sflag:s2] =	dma.local [spmem:s21], $0x800  }
0xa1: {  	s23 =	sshrl.u32 s9, $0x3;
	s15 =	rddreg [dreg:$0xa]  }
0xa2: {  	[hbm:s15], [sflag:s2] =	dma.local [spmem:s23], $0x800  }
0xa3: {  	_ =	swait.ge [sflag:s25], $0x800  }
0xa4: {  	[sflag:s25] =	ssyncset.done $0x0  }
0xa5: {  	[sflag:s25] =	ssyncadd.s32 $0xFFFFF800  }
0xa6: {  	_ =	swait.ge [sflag:s25], $0x800  }
0xa7: {  	[sflag:s25] =	ssyncset.done $0x0  }
0xa8: {  	[sflag:s25] =	ssyncadd.s32 $0xFFFFF800  }
0xa9: {  	_ =	swait.ge [sflag:s25], $0x800  }
0xaa: {  	[sflag:s25] =	ssyncset.done $0x0  }
0xab: {  	[sflag:s25] =	ssyncadd.s32 $0xFFFFF800  }
0xac: {  	_ =	swait.ge [sflag:s25], $0x800  }
0xad: {  	[sflag:s25] =	ssyncset.done $0x0  }
0xae: {  	[sflag:s25] =	ssyncadd.s32 $0xFFFFF800  }
0xaf: {  	_ =	swait.ge [sflag:s25], $0x800  }
0xb0: {  	s0 =	sadd.s32 $0x1, s0;
	s28 =	rddreg [dreg:$0xb]  }
0xb1: {  	p0 =	sne.s32 s0, s28  }
.Ltmp4:
0xb2: {  	_ = 	snop;
	(pc) =	sbr.rel @p0 .LBB2_1-.Ltmp4, $4  }
.Ltmp5:
0xb3: {  	_ = 	snop;
	(pc) =	sbr.rel @!p0 .LBB2_10-.Ltmp5, $4  }
0xb4: {  	_ = 	snop  }
0xb5: {  	[sflag:s25] =	ssyncset.done $0x0  }
0xb6: {  	[sflag:s25] =	ssyncadd.s32 $0xFFFFF800  }
0xb7: {  	_ = 	snop  }
.LBB2_4:
.Ltmp6:
0xb8: {  	(pc) =	sbr.rel .LBB2_9-.Ltmp6, $3  }
0xb9: {  	_ =	sdelay $0x1  }
0xba: {  	s2 =	simm.s32 $0xC00  }
0xbb: {  	s23 =	smov.u32 s14;
	s21 =	smov.u32 s13;
	s20 =	rddreg [dreg:$0xc]  }
.LBB2_6:
.Ltmp7:
0xbc: {  	(pc) =	sbr.rel .LBB2_9-.Ltmp7, $2  }
0xbd: {  	_ =	sdelay $0x2  }
0xbe: {  	s15 =	simm.s32 $0xC00  }
.LBB2_10:
0xbf: {  	_ =	sfence.sel $0x180000  }
0xc0: {  	[bflag:$0x0] =	sbarrier.arrive $0xFFFF  }
0xc1: {  	_ =	strace $0x90000047  }
0xc2: {  	s0 =	stileid.u32;
	[bflag:$0x2] =	sbarrier.arrive $0xFFFF  }
0xc3: {  	p0 =	sne.s32 s0, $0x0;
	s0 =	rddreg [dreg:$0x3]  }
0xc4: {  	s0 =	sadd.s32 @!p0 $0x100000, s0  }
0xc5: {  	[sflag:s0] =	ssyncadd.tile.s32 @!p0 $0x1;
	_ =	shalt  }
.Lfunc_end2:
_tile_overlayer_lowered:
.L_overlay_start_2:
0xc6: {  	(tag) =	ssettag $0x2  }
0xc7: {  	s0 =	rddreg [dreg:$0x0];
	s2 =	stileid.u32  }
0xc8: {  	s1 =	rddreg [dreg:$0x1];
	p0 =	sne.s32 s2, $0x0  }
0xc9: {  	s3 =	rddreg [dreg:$0x2];
	[bflag:$0x3] =	sbarrier.arrive $0xFFFF;
	s2 =	simm.s32 @!p0 $0x1C03  }
0xca: {  	[timem:s3], [sflag:s2] =	dma.local @!p0 [hbm:s0], s1  }
0xcb: {  	s0 =	simm.s32 @!p0 $0x3  }
0xcc: {  	_ =	swait.ge @!p0 [sflag:s0], s1  }
0xcd: {  	s1 =	ssub.s32 @!p0 $0x0, s1;
	[sflag:s0] =	ssyncset.done @!p0 $0x0  }
0xce: {  	[sflag:s0] =	ssyncadd.s32 @!p0 s1  }
0xcf: {  	[bflag:$0x3] =	sbarrier.arrive $0xFFFF  }
0xd0: {  	_ =	shalt  }

</sc_bundles>
